<compile_context>
chip_gen: v7x
topology: tpu7x:2x2x1
jax: 0.10.2.dev20260603
libtpu: 0.0.44.dev20260713+nightly
codegen_flags: <defaults>
</compile_context>

<pallas_src>
import functools
import numpy as np
import jax
import jax.numpy as jnp
from jax import lax
from jax.experimental import pallas as pl
from jax.experimental.pallas import tpu as pltpu
from jax.experimental.pallas import tpu_sc as plsc

_N = 100000
_H = 128
_ROWS = 285
_CHUNK = 80
_NCHUNKS = _N // _CHUNK
_NW = 32
_CNT_BASE = _NCHUNKS // _NW
_CNT_REM = _NCHUNKS % _NW
_SPAN = (_CNT_BASE + 1) * _CHUNK
_GAIN = 1.0 / 0.6

_LOG2E = 1.4426950408889634
_FLT = 12582912.0
_KBIAS = 0x4B400000 - 127
_RMAGIC = 0x7EF127EA
_C1 = 0.6931471805599453
_C2 = 0.2402265069591007
_C3 = 0.05550410866482158
_C4 = 0.009618129107628477
_C5 = 0.0013333558146428443


def _scaled_silu(zg):
    a = zg * (-_LOG2E * 0.6)
    a = jnp.minimum(jnp.maximum(a, -126.0), 126.0)
    t = a + _FLT
    kf = t - _FLT
    r = a - kf
    tb = jax.lax.bitcast_convert_type(t, jnp.int32)
    scale = jax.lax.bitcast_convert_type(
        jnp.left_shift(tb - _KBIAS, 23), jnp.float32)
    p = _C3
    for c in (_C2, _C1):
        p = p * r + c
    p = p * r + 1.0
    d = p * scale + 1.0
    r0 = jax.lax.bitcast_convert_type(
        _RMAGIC - jax.lax.bitcast_convert_type(d, jnp.int32), jnp.float32)
    r0 = r0 * (2.0 - d * r0)
    return zg * r0

_R = np.zeros((_ROWS, 95), dtype=np.float32)
_R[np.arange(_ROWS), np.arange(_ROWS) // 3] = 1.0
_S = np.zeros((_ROWS, 3), dtype=np.float32)
_S[np.arange(_ROWS), np.arange(_ROWS) % 3] = 1.0


def _prep_body(emb, w1, w2, ws3, wmag, bs, bl, rmat, smat, t_out, v_out):
    xew = jnp.dot(emb[...], w1[...], preferred_element_type=jnp.float32)
    a0 = jnp.dot(ws3[...], w2[...], preferred_element_type=jnp.float32)
    c = jnp.dot(bs[...], w2[...], preferred_element_type=jnp.float32) + bl[...]
    a = a0 + c
    t_out[...] = (
        jnp.dot(rmat[...], xew, preferred_element_type=jnp.float32)
        + jnp.dot(smat[...], a, preferred_element_type=jnp.float32)
    ) * _GAIN
    v_out[...] = jnp.dot(
        wmag[...], w2[...], preferred_element_type=jnp.float32) * _GAIN


def _build_table(emb, w1, w2, ws3, wmag, bs, bl):
    return pl.pallas_call(
        _prep_body,
        out_shape=[
            jax.ShapeDtypeStruct((_ROWS, _H), jnp.float32),
            jax.ShapeDtypeStruct((1, _H), jnp.float32),
        ],
    )(emb, w1, w2, ws3, wmag, bs, bl, jnp.asarray(_R), jnp.asarray(_S))


def _sc_body(x_hbm, s_hbm, mag_hbm, t_hbm, v_hbm, out_hbm,
             xall, sall, magall, idxall, rows0, rows1, vv,
             semg0, semg1, semw0, semw1):
    wid = lax.axis_index("s") * 2 + lax.axis_index("c")
    pltpu.sync_copy(v_hbm, vv)
    vvals = [vv[pl.ds(j * 16, 16)] for j in range(_H // 16)]
    cnt = _CNT_BASE + jnp.where(wid < _CNT_REM, 1, 0)
    c0 = _CNT_BASE * wid + jnp.minimum(wid, _CNT_REM)
    rstart = pl.multiple_of(c0 * _CHUNK, 8)
    nbase = _CNT_BASE * _CHUNK

    pltpu.sync_copy(x_hbm.at[pl.ds(rstart, nbase)], xall.at[pl.ds(0, nbase)])
    pltpu.sync_copy(s_hbm.at[pl.ds(rstart, nbase)], sall.at[pl.ds(0, nbase)])
    pltpu.sync_copy(mag_hbm.at[pl.ds(rstart, nbase)], magall.at[pl.ds(0, nbase)])

    @pl.when(wid < _CNT_REM)
    def _extra():
        ex = pl.multiple_of(rstart + nbase, 8)
        pltpu.sync_copy(x_hbm.at[pl.ds(ex, _CHUNK)],
                        xall.at[pl.ds(nbase, _CHUNK)])
        pltpu.sync_copy(s_hbm.at[pl.ds(ex, _CHUNK)],
                        sall.at[pl.ds(nbase, _CHUNK)])
        pltpu.sync_copy(mag_hbm.at[pl.ds(ex, _CHUNK)],
                        magall.at[pl.ds(nbase, _CHUNK)])

    @pl.loop(0, _SPAN // 16)
    def _mkidx(j):
        sl = pl.ds(j * 16, 16)
        idxall[sl] = xall[sl] * 3 + sall[sl] + 1

    bufs = (rows0, rows1)
    semg = (semg0, semg1)
    semw = (semw0, semw1)

    def issue_gather(k, b):
        pltpu.async_copy(t_hbm.at[idxall.at[pl.ds(k * _CHUNK, _CHUNK)]],
                         bufs[b], semg[b])

    def compute(k, b):
        buf = bufs[b]
        moff = k * _CHUNK

        @plsc.parallel_loop(0, _CHUNK, step=1, unroll=2)
        def _row(r):
            m = magall[pl.ds(moff + r, 16)][0]
            for j in range(_H // 16):
                sl = pl.ds(j * 16, 16)
                z = buf[r, sl] + m * vvals[j]
                buf[r, sl] = _scaled_silu(z)

    def issue_write(k, b):
        pltpu.async_copy(bufs[b], out_hbm.at[pl.ds(rstart + k * _CHUNK, _CHUNK)],
                         semw[b])

    def wait_write(b):
        pltpu.make_async_copy(bufs[b], out_hbm.at[pl.ds(0, _CHUNK)],
                              semw[b]).wait()

    def wait_gather(b):
        pltpu.make_async_copy(t_hbm.at[idxall.at[pl.ds(0, _CHUNK)]],
                              bufs[b], semg[b]).wait()

    issue_gather(0, 0)

    @pl.loop(0, (_CNT_BASE + 2) // 2)
    def _pair(p):
        for b in (0, 1):
            k = 2 * p + b

            @pl.when(k < cnt)
            def _one():
                @pl.when(k + 1 < cnt)
                def _pref():
                    @pl.when(k >= 1)
                    def _w():
                        wait_write(1 - b)
                    issue_gather(k + 1, 1 - b)
                wait_gather(b)
                compute(k, b)
                issue_write(k, b)

    wait_write(0)
    wait_write(1)


_sc_call = functools.partial(
    pl.kernel,
    out_type=jax.ShapeDtypeStruct((_N, _H), jnp.float32),
    mesh=plsc.VectorSubcoreMesh(core_axis_name="c", subcore_axis_name="s"),
    scratch_types=[
        pltpu.VMEM((_SPAN,), jnp.int32),
        pltpu.VMEM((_SPAN,), jnp.int32),
        pltpu.VMEM((_SPAN + 16,), jnp.float32),
        pltpu.VMEM((_SPAN,), jnp.int32),
        pltpu.VMEM((_CHUNK, _H), jnp.float32),
        pltpu.VMEM((_CHUNK, _H), jnp.float32),
        pltpu.VMEM((_H,), jnp.float32),
        pltpu.SemaphoreType.DMA,
        pltpu.SemaphoreType.DMA,
        pltpu.SemaphoreType.DMA,
        pltpu.SemaphoreType.DMA,
    ],
)(_sc_body)


def kernel(x, s, in_mag, emb, W_spin, b_spin, W_lin, b_lin):
    x = x.astype(jnp.int32)
    s = s.astype(jnp.int32)
    w1 = W_lin[:_H]
    w2 = W_lin[_H:]
    ws3 = W_spin[:3]
    wmag = W_spin[3:4]
    t, v = _build_table(emb, w1, w2, ws3, wmag,
                        b_spin.reshape(1, 4), b_lin.reshape(1, _H))
    return _sc_call(x, s, in_mag, t, v.reshape(_H))

# --- scband reference (transcript-rebuilt; emitter-appended) ---
"""Pipeline reference for scband-embedding-block-72730976190683 (READ-ONLY COPY).

The authoritative reference and input builder live on the scoring server;
editing this copy changes nothing except your own understanding.
"""

import jax, jax.numpy as jnp
import numpy as np

N = 100000
H = 128

def setup_inputs(seed: int = 0) -> dict:
    key = jax.random.key(seed)
    k1, k2, k3, k4, k5, k6 = jax.random.split(key, 6)
    x = jax.random.randint(k1, (N,), 0, 95)
    s = jax.random.randint(k2, (N,), 0, 2)  # valid range for s is {-1,0,1}; use {0,1}
    in_mag = jax.random.normal(k3, (N,), dtype=jnp.float32)
    # learned parameters
    emb = jax.random.uniform(k4, (95, H), minval=-np.sqrt(3.0), maxval=np.sqrt(3.0), dtype=jnp.float32)
    W_spin = jax.random.normal(k5, (4, 4), dtype=jnp.float32) * 0.5
    b_spin = jnp.zeros((4,), dtype=jnp.float32)
    W_lin = jax.random.normal(k6, (H + 4, H), dtype=jnp.float32) * (1.0 / np.sqrt(H + 4.0))
    b_lin = jnp.zeros((H,), dtype=jnp.float32)
    return {"x": x, "s": s, "in_mag": in_mag, "emb": emb, "W_spin": W_spin, "b_spin": b_spin, "W_lin": W_lin, "b_lin": b_lin}

def reference(x, s, in_mag, emb, W_spin, b_spin, W_lin, b_lin):
    # embedding lookup (gather)
    xe = jnp.take(emb, x, axis=0)                       # [N, H]
    # encode_to_one_hot: indices = s + 1, num_classes = 3
    oh = jax.nn.one_hot(s + 1, 3, dtype=jnp.float32)    # [N, 3]
    spin_emb = jnp.concatenate([oh, in_mag[:, None]], axis=1)  # [N, 4]
    spin_feat = spin_emb @ W_spin + b_spin               # [N, 4]
    h = jnp.concatenate([xe, spin_feat], axis=1) @ W_lin + b_lin  # [N, H]
    # ScaledSiLU: silu(x) * (1 / 0.6)
    return jax.nn.silu(h) * (1.0 / 0.6)

if __name__ == "__main__":
    import jax
    _d = setup_inputs()
    print(jax.jit(kernel)(*tuple(_d.values())))

</pallas_src>

<mosaic_0001>
#map = affine_map<(d0, d1) -> (0)>
#map1 = affine_map<(d0, d1) -> (0, 0)>
module attributes {stable_mosaic.version = 14 : i64} {
  func.func @_sc_body(%arg0: i32, %arg1: i32, %arg2: memref<100000xi32, #tpu.memory_space<hbm>>, %arg3: memref<100000xi32, #tpu.memory_space<hbm>>, %arg4: memref<100000xf32, #tpu.memory_space<hbm>>, %arg5: memref<285x128xf32, #tpu.memory_space<hbm>>, %arg6: memref<128xf32, #tpu.memory_space<hbm>>, %arg7: memref<100000x128xf32, #tpu.memory_space<hbm>>, %arg8: memref<3200xi32, #tpu.memory_space<vmem>>, %arg9: memref<3200xi32, #tpu.memory_space<vmem>>, %arg10: memref<3216xf32, #tpu.memory_space<vmem>>, %arg11: memref<3200xi32, #tpu.memory_space<vmem>>, %arg12: memref<80x128xf32, #tpu.memory_space<vmem>>, %arg13: memref<80x128xf32, #tpu.memory_space<vmem>>, %arg14: memref<128xf32, #tpu.memory_space<vmem>>, %arg15: memref<!tpu.dma_semaphore, #tpu.memory_space<semaphore_mem>>, %arg16: memref<!tpu.dma_semaphore, #tpu.memory_space<semaphore_mem>>, %arg17: memref<!tpu.dma_semaphore, #tpu.memory_space<semaphore_mem>>, %arg18: memref<!tpu.dma_semaphore, #tpu.memory_space<semaphore_mem>>) attributes {dimension_semantics = [#tpu.dimension_semantics<core_parallel>, #tpu.dimension_semantics<subcore_parallel>], iteration_bounds = array<i64: 2, 16>, scalar_prefetch = 0 : i64, scratch_operands = 11 : i64, tpu.core_type = #tpu.core_type<sc_vector_subcore>, window_params = [{transform_indices = #map}, {transform_indices = #map}, {transform_indices = #map}, {transform_indices = #map1}, {transform_indices = #map}, {transform_indices = #map1}]} {
    %mul3A = arith.constant 2 : i32
    %mul3A_0 = arith.muli %arg1, %mul3A : i32
    %add3A = arith.addi %mul3A_0, %arg0 : i32
    "tpu.region"() ({
      %run_scoped3A = tpu.sem_alloc : memref<!tpu.dma_semaphore, #tpu.memory_space<semaphore_mem>>
      tpu.enqueue_dma source(%arg6 : memref<128xf32, #tpu.memory_space<hbm>>) target(%arg14 : memref<128xf32, #tpu.memory_space<vmem>>) target_semaphore(%run_scoped3A : memref<!tpu.dma_semaphore, #tpu.memory_space<semaphore_mem>>)
      tpu.wait_dma2 semaphore(%run_scoped3A : memref<!tpu.dma_semaphore, #tpu.memory_space<semaphore_mem>>) src(%arg6 : memref<128xf32, #tpu.memory_space<hbm>>) dst(%arg14 : memref<128xf32, #tpu.memory_space<vmem>>)
      tpu.yield
    }) : () -> ()
    %get3A = arith.constant 0 : index
    %get3A_1 = tpu.vector_load %arg14[%get3A] {strides = array<i32>} : memref<128xf32, #tpu.memory_space<vmem>>, vector<16xf32>,
    %get3A_2 = vector.shape_cast %get3A_1 : vector<16xf32> to vector<16xf32>
    %get3A_3 = arith.constant 16 : index
    %get3A_4 = tpu.vector_load %arg14[%get3A_3] {strides = array<i32>} : memref<128xf32, #tpu.memory_space<vmem>>, vector<16xf32>,
    %get3A_5 = vector.shape_cast %get3A_4 : vector<16xf32> to vector<16xf32>
    %get3A_6 = arith.constant 32 : index
    %get3A_7 = tpu.vector_load %arg14[%get3A_6] {strides = array<i32>} : memref<128xf32, #tpu.memory_space<vmem>>, vector<16xf32>,
    %get3A_8 = vector.shape_cast %get3A_7 : vector<16xf32> to vector<16xf32>
    %get3A_9 = arith.constant 48 : index
    %get3A_10 = tpu.vector_load %arg14[%get3A_9] {strides = array<i32>} : memref<128xf32, #tpu.memory_space<vmem>>, vector<16xf32>,
    %get3A_11 = vector.shape_cast %get3A_10 : vector<16xf32> to vector<16xf32>
    %get3A_12 = arith.constant 64 : index
    %get3A_13 = tpu.vector_load %arg14[%get3A_12] {strides = array<i32>} : memref<128xf32, #tpu.memory_space<vmem>>, vector<16xf32>,
    %get3A_14 = vector.shape_cast %get3A_13 : vector<16xf32> to vector<16xf32>
    %get3A_15 = arith.constant 80 : index
    %get3A_16 = tpu.vector_load %arg14[%get3A_15] {strides = array<i32>} : memref<128xf32, #tpu.memory_space<vmem>>, vector<16xf32>,
    %get3A_17 = vector.shape_cast %get3A_16 : vector<16xf32> to vector<16xf32>
    %get3A_18 = arith.constant 96 : index
    %get3A_19 = tpu.vector_load %arg14[%get3A_18] {strides = array<i32>} : memref<128xf32, #tpu.memory_space<vmem>>, vector<16xf32>,
    %get3A_20 = vector.shape_cast %get3A_19 : vector<16xf32> to vector<16xf32>
    %get3A_21 = arith.constant 112 : index
    %get3A_22 = tpu.vector_load %arg14[%get3A_21] {strides = array<i32>} : memref<128xf32, #tpu.memory_space<vmem>>, vector<16xf32>,
    %get3A_23 = vector.shape_cast %get3A_22 : vector<16xf32> to vector<16xf32>
    %lt3A = arith.constant 2 : i32
    %lt3A_24 = arith.cmpi slt, %add3A, %lt3A : i32
    %jit3A = arith.constant 1 : i32
    %jit3A_25 = arith.constant 0 : i32
    %select_n3A = arith.select %lt3A_24, %jit3A, %jit3A_25 : i32
    %add3A_26 = arith.constant 39 : i32
    %add3A_27 = arith.addi %add3A_26, %select_n3A : i32
    %mul3A_28 = arith.constant 39 : i32
    %mul3A_29 = arith.muli %mul3A_28, %add3A : i32
    %min3A = arith.constant 2 : i32
    %min3A_30 = arith.minsi %add3A, %min3A : i32
    %add3A_31 = arith.addi %mul3A_29, %min3A_30 : i32
    %mul3A_32 = arith.constant 80 : i32
    %mul3A_33 = arith.muli %add3A_31, %mul3A_32 : i32
    %multiple_of3A = tpu.assume_multiple %mul3A_33, 8 : i32
    "tpu.region"() ({
      %run_scoped3A = tpu.sem_alloc : memref<!tpu.dma_semaphore, #tpu.memory_space<semaphore_mem>>
      %dma_start3A_61 = arith.constant 0 : i32
      %dma_start3A_62 = tpu.memref_slice %arg8[%dma_start3A_61] : memref<3200xi32, #tpu.memory_space<vmem>> -> memref<3120xi32, #tpu.memory_space<vmem>>
      %dma_start3A_63 = tpu.memref_slice %arg2[%multiple_of3A] : memref<100000xi32, #tpu.memory_space<hbm>> -> memref<3120xi32, #tpu.memory_space<hbm>>
      %dma_start3A_64 = arith.constant 0 : i32
      %dma_start3A_65 = tpu.memref_slice %arg8[%dma_start3A_64] : memref<3200xi32, #tpu.memory_space<vmem>> -> memref<3120xi32, #tpu.memory_space<vmem>>
      %dma_start3A_66 = tpu.memref_slice %arg2[%multiple_of3A] : memref<100000xi32, #tpu.memory_space<hbm>> -> memref<3120xi32, #tpu.memory_space<hbm>>
      tpu.enqueue_dma source(%dma_start3A_66 : memref<3120xi32, #tpu.memory_space<hbm>>) target(%dma_start3A_65 : memref<3120xi32, #tpu.memory_space<vmem>>) target_semaphore(%run_scoped3A : memref<!tpu.dma_semaphore, #tpu.memory_space<semaphore_mem>>)
      %dma_wait3A_67 = arith.constant 0 : i32
      %dma_wait3A_68 = tpu.memref_slice %arg8[%dma_wait3A_67] : memref<3200xi32, #tpu.memory_space<vmem>> -> memref<3120xi32, #tpu.memory_space<vmem>>
      %dma_wait3A_69 = tpu.memref_slice %arg2[%multiple_of3A] : memref<100000xi32, #tpu.memory_space<hbm>> -> memref<3120xi32, #tpu.memory_space<hbm>>
      %dma_wait3A_70 = arith.constant 0 : i32
      %dma_wait3A_71 = tpu.memref_slice %arg8[%dma_wait3A_70] : memref<3200xi32, #tpu.memory_space<vmem>> -> memref<3120xi32, #tpu.memory_space<vmem>>
      %dma_wait3A_72 = tpu.memref_slice %arg2[%multiple_of3A] : memref<100000xi32, #tpu.memory_space<hbm>> -> memref<3120xi32, #tpu.memory_space<hbm>>
      tpu.wait_dma2 semaphore(%run_scoped3A : memref<!tpu.dma_semaphore, #tpu.memory_space<semaphore_mem>>) src(%dma_wait3A_72 : memref<3120xi32, #tpu.memory_space<hbm>>) dst(%dma_wait3A_71 : memref<3120xi32, #tpu.memory_space<vmem>>)
      tpu.yield
    }) : () -> ()
    "tpu.region"() ({
      %run_scoped3A = tpu.sem_alloc : memref<!tpu.dma_semaphore, #tpu.memory_space<semaphore_mem>>
      %dma_start3A_61 = arith.constant 0 : i32
      %dma_start3A_62 = tpu.memref_slice %arg9[%dma_start3A_61] : memref<3200xi32, #tpu.memory_space<vmem>> -> memref<3120xi32, #tpu.memory_space<vmem>>
      %dma_start3A_63 = tpu.memref_slice %arg3[%multiple_of3A] : memref<100000xi32, #tpu.memory_space<hbm>> -> memref<3120xi32, #tpu.memory_space<hbm>>
      %dma_start3A_64 = arith.constant 0 : i32
      %dma_start3A_65 = tpu.memref_slice %arg9[%dma_start3A_64] : memref<3200xi32, #tpu.memory_space<vmem>> -> memref<3120xi32, #tpu.memory_space<vmem>>
      %dma_start3A_66 = tpu.memref_slice %arg3[%multiple_of3A] : memref<100000xi32, #tpu.memory_space<hbm>> -> memref<3120xi32, #tpu.memory_space<hbm>>
      tpu.enqueue_dma source(%dma_start3A_66 : memref<3120xi32, #tpu.memory_space<hbm>>) target(%dma_start3A_65 : memref<3120xi32, #tpu.memory_space<vmem>>) target_semaphore(%run_scoped3A : memref<!tpu.dma_semaphore, #tpu.memory_space<semaphore_mem>>)
      %dma_wait3A_67 = arith.constant 0 : i32
      %dma_wait3A_68 = tpu.memref_slice %arg9[%dma_wait3A_67] : memref<3200xi32, #tpu.memory_space<vmem>> -> memref<3120xi32, #tpu.memory_space<vmem>>
      %dma_wait3A_69 = tpu.memref_slice %arg3[%multiple_of3A] : memref<100000xi32, #tpu.memory_space<hbm>> -> memref<3120xi32, #tpu.memory_space<hbm>>
      %dma_wait3A_70 = arith.constant 0 : i32
      %dma_wait3A_71 = tpu.memref_slice %arg9[%dma_wait3A_70] : memref<3200xi32, #tpu.memory_space<vmem>> -> memref<3120xi32, #tpu.memory_space<vmem>>
      %dma_wait3A_72 = tpu.memref_slice %arg3[%multiple_of3A] : memref<100000xi32, #tpu.memory_space<hbm>> -> memref<3120xi32, #tpu.memory_space<hbm>>
      tpu.wait_dma2 semaphore(%run_scoped3A : memref<!tpu.dma_semaphore, #tpu.memory_space<semaphore_mem>>) src(%dma_wait3A_72 : memref<3120xi32, #tpu.memory_space<hbm>>) dst(%dma_wait3A_71 : memref<3120xi32, #tpu.memory_space<vmem>>)
      tpu.yield
    }) : () -> ()
    "tpu.region"() ({
      %run_scoped3A = tpu.sem_alloc : memref<!tpu.dma_semaphore, #tpu.memory_space<semaphore_mem>>
      %dma_start3A_61 = arith.constant 0 : i32
      %dma_start3A_62 = tpu.memref_slice %arg10[%dma_start3A_61] : memref<3216xf32, #tpu.memory_space<vmem>> -> memref<3120xf32, #tpu.memory_space<vmem>>
      %dma_start3A_63 = tpu.memref_slice %arg4[%multiple_of3A] : memref<100000xf32, #tpu.memory_space<hbm>> -> memref<3120xf32, #tpu.memory_space<hbm>>
      %dma_start3A_64 = arith.constant 0 : i32
      %dma_start3A_65 = tpu.memref_slice %arg10[%dma_start3A_64] : memref<3216xf32, #tpu.memory_space<vmem>> -> memref<3120xf32, #tpu.memory_space<vmem>>
      %dma_start3A_66 = tpu.memref_slice %arg4[%multiple_of3A] : memref<100000xf32, #tpu.memory_space<hbm>> -> memref<3120xf32, #tpu.memory_space<hbm>>
      tpu.enqueue_dma source(%dma_start3A_66 : memref<3120xf32, #tpu.memory_space<hbm>>) target(%dma_start3A_65 : memref<3120xf32, #tpu.memory_space<vmem>>) target_semaphore(%run_scoped3A : memref<!tpu.dma_semaphore, #tpu.memory_space<semaphore_mem>>)
      %dma_wait3A_67 = arith.constant 0 : i32
      %dma_wait3A_68 = tpu.memref_slice %arg10[%dma_wait3A_67] : memref<3216xf32, #tpu.memory_space<vmem>> -> memref<3120xf32, #tpu.memory_space<vmem>>
      %dma_wait3A_69 = tpu.memref_slice %arg4[%multiple_of3A] : memref<100000xf32, #tpu.memory_space<hbm>> -> memref<3120xf32, #tpu.memory_space<hbm>>
      %dma_wait3A_70 = arith.constant 0 : i32
      %dma_wait3A_71 = tpu.memref_slice %arg10[%dma_wait3A_70] : memref<3216xf32, #tpu.memory_space<vmem>> -> memref<3120xf32, #tpu.memory_space<vmem>>
      %dma_wait3A_72 = tpu.memref_slice %arg4[%multiple_of3A] : memref<100000xf32, #tpu.memory_space<hbm>> -> memref<3120xf32, #tpu.memory_space<hbm>>
      tpu.wait_dma2 semaphore(%run_scoped3A : memref<!tpu.dma_semaphore, #tpu.memory_space<semaphore_mem>>) src(%dma_wait3A_72 : memref<3120xf32, #tpu.memory_space<hbm>>) dst(%dma_wait3A_71 : memref<3120xf32, #tpu.memory_space<vmem>>)
      tpu.yield
    }) : () -> ()
    %lt3A_34 = arith.constant 2 : i32
    %lt3A_35 = arith.cmpi slt, %add3A, %lt3A_34 : i32
    %convert_element_type3A = arith.extui %lt3A_35 : i1 to i32
    %cond3A = arith.constant 0 : i32
    %cond3A_36 = arith.cmpi ne, %convert_element_type3A, %cond3A : i32
    scf.if %cond3A_36 {
      %add3A_61 = arith.constant 3120 : i32
      %add3A_62 = arith.addi %multiple_of3A, %add3A_61 : i32
      %multiple_of3A_63 = tpu.assume_multiple %add3A_62, 8 : i32
      "tpu.region"() ({
        %run_scoped3A = tpu.sem_alloc : memref<!tpu.dma_semaphore, #tpu.memory_space<semaphore_mem>>
        %dma_start3A_64 = arith.constant 3120 : i32
        %dma_start3A_65 = tpu.memref_slice %arg8[%dma_start3A_64] : memref<3200xi32, #tpu.memory_space<vmem>> -> memref<80xi32, #tpu.memory_space<vmem>>
        %dma_start3A_66 = tpu.memref_slice %arg2[%multiple_of3A_63] : memref<100000xi32, #tpu.memory_space<hbm>> -> memref<80xi32, #tpu.memory_space<hbm>>
        %dma_start3A_67 = arith.constant 3120 : i32
        %dma_start3A_68 = tpu.memref_slice %arg8[%dma_start3A_67] : memref<3200xi32, #tpu.memory_space<vmem>> -> memref<80xi32, #tpu.memory_space<vmem>>
        %dma_start3A_69 = tpu.memref_slice %arg2[%multiple_of3A_63] : memref<100000xi32, #tpu.memory_space<hbm>> -> memref<80xi32, #tpu.memory_space<hbm>>
        tpu.enqueue_dma source(%dma_start3A_69 : memref<80xi32, #tpu.memory_space<hbm>>) target(%dma_start3A_68 : memref<80xi32, #tpu.memory_space<vmem>>) target_semaphore(%run_scoped3A : memref<!tpu.dma_semaphore, #tpu.memory_space<semaphore_mem>>)
        %dma_wait3A_70 = arith.constant 3120 : i32
        %dma_wait3A_71 = tpu.memref_slice %arg8[%dma_wait3A_70] : memref<3200xi32, #tpu.memory_space<vmem>> -> memref<80xi32, #tpu.memory_space<vmem>>
        %dma_wait3A_72 = tpu.memref_slice %arg2[%multiple_of3A_63] : memref<100000xi32, #tpu.memory_space<hbm>> -> memref<80xi32, #tpu.memory_space<hbm>>
        %dma_wait3A_73 = arith.constant 3120 : i32
        %dma_wait3A_74 = tpu.memref_slice %arg8[%dma_wait3A_73] : memref<3200xi32, #tpu.memory_space<vmem>> -> memref<80xi32, #tpu.memory_space<vmem>>
        %dma_wait3A_75 = tpu.memref_slice %arg2[%multiple_of3A_63] : memref<100000xi32, #tpu.memory_space<hbm>> -> memref<80xi32, #tpu.memory_space<hbm>>
        tpu.wait_dma2 semaphore(%run_scoped3A : memref<!tpu.dma_semaphore, #tpu.memory_space<semaphore_mem>>) src(%dma_wait3A_75 : memref<80xi32, #tpu.memory_space<hbm>>) dst(%dma_wait3A_74 : memref<80xi32, #tpu.memory_space<vmem>>)
        tpu.yield
      }) : () -> ()
      "tpu.region"() ({
        %run_scoped3A = tpu.sem_alloc : memref<!tpu.dma_semaphore, #tpu.memory_space<semaphore_mem>>
        %dma_start3A_64 = arith.constant 3120 : i32
        %dma_start3A_65 = tpu.memref_slice %arg9[%dma_start3A_64] : memref<3200xi32, #tpu.memory_space<vmem>> -> memref<80xi32, #tpu.memory_space<vmem>>
        %dma_start3A_66 = tpu.memref_slice %arg3[%multiple_of3A_63] : memref<100000xi32, #tpu.memory_space<hbm>> -> memref<80xi32, #tpu.memory_space<hbm>>
        %dma_start3A_67 = arith.constant 3120 : i32
        %dma_start3A_68 = tpu.memref_slice %arg9[%dma_start3A_67] : memref<3200xi32, #tpu.memory_space<vmem>> -> memref<80xi32, #tpu.memory_space<vmem>>
        %dma_start3A_69 = tpu.memref_slice %arg3[%multiple_of3A_63] : memref<100000xi32, #tpu.memory_space<hbm>> -> memref<80xi32, #tpu.memory_space<hbm>>
        tpu.enqueue_dma source(%dma_start3A_69 : memref<80xi32, #tpu.memory_space<hbm>>) target(%dma_start3A_68 : memref<80xi32, #tpu.memory_space<vmem>>) target_semaphore(%run_scoped3A : memref<!tpu.dma_semaphore, #tpu.memory_space<semaphore_mem>>)
        %dma_wait3A_70 = arith.constant 3120 : i32
        %dma_wait3A_71 = tpu.memref_slice %arg9[%dma_wait3A_70] : memref<3200xi32, #tpu.memory_space<vmem>> -> memref<80xi32, #tpu.memory_space<vmem>>
        %dma_wait3A_72 = tpu.memref_slice %arg3[%multiple_of3A_63] : memref<100000xi32, #tpu.memory_space<hbm>> -> memref<80xi32, #tpu.memory_space<hbm>>
        %dma_wait3A_73 = arith.constant 3120 : i32
        %dma_wait3A_74 = tpu.memref_slice %arg9[%dma_wait3A_73] : memref<3200xi32, #tpu.memory_space<vmem>> -> memref<80xi32, #tpu.memory_space<vmem>>
        %dma_wait3A_75 = tpu.memref_slice %arg3[%multiple_of3A_63] : memref<100000xi32, #tpu.memory_space<hbm>> -> memref<80xi32, #tpu.memory_space<hbm>>
        tpu.wait_dma2 semaphore(%run_scoped3A : memref<!tpu.dma_semaphore, #tpu.memory_space<semaphore_mem>>) src(%dma_wait3A_75 : memref<80xi32, #tpu.memory_space<hbm>>) dst(%dma_wait3A_74 : memref<80xi32, #tpu.memory_space<vmem>>)
        tpu.yield
      }) : () -> ()
      "tpu.region"() ({
        %run_scoped3A = tpu.sem_alloc : memref<!tpu.dma_semaphore, #tpu.memory_space<semaphore_mem>>
        %dma_start3A_64 = arith.constant 3120 : i32
        %dma_start3A_65 = tpu.memref_slice %arg10[%dma_start3A_64] : memref<3216xf32, #tpu.memory_space<vmem>> -> memref<80xf32, #tpu.memory_space<vmem>>
        %dma_start3A_66 = tpu.memref_slice %arg4[%multiple_of3A_63] : memref<100000xf32, #tpu.memory_space<hbm>> -> memref<80xf32, #tpu.memory_space<hbm>>
        %dma_start3A_67 = arith.constant 3120 : i32
        %dma_start3A_68 = tpu.memref_slice %arg10[%dma_start3A_67] : memref<3216xf32, #tpu.memory_space<vmem>> -> memref<80xf32, #tpu.memory_space<vmem>>
        %dma_start3A_69 = tpu.memref_slice %arg4[%multiple_of3A_63] : memref<100000xf32, #tpu.memory_space<hbm>> -> memref<80xf32, #tpu.memory_space<hbm>>
        tpu.enqueue_dma source(%dma_start3A_69 : memref<80xf32, #tpu.memory_space<hbm>>) target(%dma_start3A_68 : memref<80xf32, #tpu.memory_space<vmem>>) target_semaphore(%run_scoped3A : memref<!tpu.dma_semaphore, #tpu.memory_space<semaphore_mem>>)
        %dma_wait3A_70 = arith.constant 3120 : i32
        %dma_wait3A_71 = tpu.memref_slice %arg10[%dma_wait3A_70] : memref<3216xf32, #tpu.memory_space<vmem>> -> memref<80xf32, #tpu.memory_space<vmem>>
        %dma_wait3A_72 = tpu.memref_slice %arg4[%multiple_of3A_63] : memref<100000xf32, #tpu.memory_space<hbm>> -> memref<80xf32, #tpu.memory_space<hbm>>
        %dma_wait3A_73 = arith.constant 3120 : i32
        %dma_wait3A_74 = tpu.memref_slice %arg10[%dma_wait3A_73] : memref<3216xf32, #tpu.memory_space<vmem>> -> memref<80xf32, #tpu.memory_space<vmem>>
        %dma_wait3A_75 = tpu.memref_slice %arg4[%multiple_of3A_63] : memref<100000xf32, #tpu.memory_space<hbm>> -> memref<80xf32, #tpu.memory_space<hbm>>
        tpu.wait_dma2 semaphore(%run_scoped3A : memref<!tpu.dma_semaphore, #tpu.memory_space<semaphore_mem>>) src(%dma_wait3A_75 : memref<80xf32, #tpu.memory_space<hbm>>) dst(%dma_wait3A_74 : memref<80xf32, #tpu.memory_space<vmem>>)
        tpu.yield
      }) : () -> ()
    } else {
    }
    %scan3A = arith.constant 0 : i32
    %scan3A_37 = arith.constant 200 : i32
    %scan3A_38 = arith.addi %scan3A, %scan3A_37 : i32
    %scan3A_39 = arith.constant 1 : i32
    scf.for %scan3A_61 = %scan3A to %scan3A_38 step %scan3A_39  : i32 {
      %mul3A_62 = arith.constant 1 : i32
      %mul3A_63 = arith.muli %scan3A_61, %mul3A_62 : i32
      %add3A_64 = arith.constant 0 : i32
      %add3A_65 = arith.addi %add3A_64, %mul3A_63 : i32
      %mul3A_66 = arith.constant 16 : i32
      %mul3A_67 = arith.muli %add3A_65, %mul3A_66 : i32
      %get3A_68 = arith.index_cast %mul3A_67 : i32 to index
      %get3A_69 = tpu.vector_load %arg8[%get3A_68] {strides = array<i32>} : memref<3200xi32, #tpu.memory_space<vmem>>, vector<16xi32>,
      %get3A_70 = vector.shape_cast %get3A_69 : vector<16xi32> to vector<16xi32>
      %mul3A_71 = arith.constant 3 : i32
      %mul3A_72 = vector.broadcast %mul3A_71 : i32 to vector<16xi32>
      %mul3A_73 = arith.muli %get3A_70, %mul3A_72 : vector<16xi32>
      %get3A_74 = arith.index_cast %mul3A_67 : i32 to index
      %get3A_75 = tpu.vector_load %arg9[%get3A_74] {strides = array<i32>} : memref<3200xi32, #tpu.memory_space<vmem>>, vector<16xi32>,
      %get3A_76 = vector.shape_cast %get3A_75 : vector<16xi32> to vector<16xi32>
      %add3A_77 = arith.addi %mul3A_73, %get3A_76 : vector<16xi32>
      %add3A_78 = arith.constant 1 : i32
      %add3A_79 = vector.broadcast %add3A_78 : i32 to vector<16xi32>
      %add3A_80 = arith.addi %add3A_77, %add3A_79 : vector<16xi32>
      %swap3A = arith.index_cast %mul3A_67 : i32 to index
      %swap3A_81 = tpu.vector_load %arg11[%swap3A] {strides = array<i32>} : memref<3200xi32, #tpu.memory_space<vmem>>, vector<16xi32>,
      %swap3A_82 = vector.shape_cast %swap3A_81 : vector<16xi32> to vector<16xi32>
      %swap3A_83 = vector.shape_cast %add3A_80 : vector<16xi32> to vector<16xi32>
      tpu.vector_store %arg11[%swap3A], %swap3A_83 {strides = array<i32>} : memref<3200xi32, #tpu.memory_space<vmem>>, vector<16xi32>,
    }
    %scan3A_40 = arith.constant 200 : i32
    %dma_start3A = arith.constant 0 : i32
    %dma_start3A_41 = tpu.memref_slice %arg11[%dma_start3A] : memref<3200xi32, #tpu.memory_space<vmem>> -> memref<80xi32, #tpu.memory_space<vmem>>
    %dma_start3A_42 = arith.constant 0 : i32
    %dma_start3A_43 = arith.constant 0 : i32
    %dma_start3A_44 = tpu.memref_slice %arg5[%dma_start3A_42, %dma_start3A_43] : memref<285x128xf32, #tpu.memory_space<hbm>> -> memref<285x128xf32, #tpu.memory_space<hbm>>
    tpu.enqueue_indirect_dma source(%dma_start3A_44 : memref<285x128xf32, #tpu.memory_space<hbm>>) target(%arg12 : memref<80x128xf32, #tpu.memory_space<vmem>>) offsets(%dma_start3A_41 : memref<80xi32, #tpu.memory_space<vmem>>) semaphore(%arg15 : memref<!tpu.dma_semaphore, #tpu.memory_space<semaphore_mem>>)
    %scan3A_45 = arith.constant 0 : i32
    %scan3A_46 = arith.constant 20 : i32
    %scan3A_47 = arith.addi %scan3A_45, %scan3A_46 : i32
    %scan3A_48 = arith.constant 1 : i32
    scf.for %scan3A_61 = %scan3A_45 to %scan3A_47 step %scan3A_48  : i32 {
      %mul3A_62 = arith.constant 1 : i32
      %mul3A_63 = arith.muli %scan3A_61, %mul3A_62 : i32
      %add3A_64 = arith.constant 0 : i32
      %add3A_65 = arith.addi %add3A_64, %mul3A_63 : i32
      %mul3A_66 = arith.constant 2 : i32
      %mul3A_67 = arith.muli %mul3A_66, %add3A_65 : i32
      %add3A_68 = arith.constant 0 : i32
      %add3A_69 = arith.addi %mul3A_67, %add3A_68 : i32
      %lt3A_70 = arith.cmpi slt, %add3A_69, %add3A_27 : i32
      %convert_element_type3A_71 = arith.extui %lt3A_70 : i1 to i32
      %cond3A_72 = arith.constant 0 : i32
      %cond3A_73 = arith.cmpi ne, %convert_element_type3A_71, %cond3A_72 : i32
      scf.if %cond3A_73 {
        %add3A_82 = arith.constant 1 : i32
        %add3A_83 = arith.addi %add3A_69, %add3A_82 : i32
        %lt3A_84 = arith.cmpi slt, %add3A_83, %add3A_27 : i32
        %convert_element_type3A_85 = arith.extui %lt3A_84 : i1 to i32
        %cond3A_86 = arith.constant 0 : i32
        %cond3A_87 = arith.cmpi ne, %convert_element_type3A_85, %cond3A_86 : i32
        scf.if %cond3A_87 {
          %ge3A = arith.constant 1 : i32
          %ge3A_104 = arith.cmpi sge, %add3A_69, %ge3A : i32
          %convert_element_type3A_105 = arith.extui %ge3A_104 : i1 to i32
          %cond3A_106 = arith.constant 0 : i32
          %cond3A_107 = arith.cmpi ne, %convert_element_type3A_105, %cond3A_106 : i32
          scf.if %cond3A_107 {
            %dma_wait3A_116 = arith.constant 0 : i32
            %dma_wait3A_117 = arith.constant 0 : i32
            %dma_wait3A_118 = tpu.memref_slice %arg7[%dma_wait3A_116, %dma_wait3A_117] : memref<100000x128xf32, #tpu.memory_space<hbm>> -> memref<80x128xf32, #tpu.memory_space<hbm>>
            %dma_wait3A_119 = arith.constant 0 : i32
            %dma_wait3A_120 = arith.constant 0 : i32
            %dma_wait3A_121 = tpu.memref_slice %arg7[%dma_wait3A_119, %dma_wait3A_120] : memref<100000x128xf32, #tpu.memory_space<hbm>> -> memref<80x128xf32, #tpu.memory_space<hbm>>
            tpu.wait_dma2 semaphore(%arg18 : memref<!tpu.dma_semaphore, #tpu.memory_space<semaphore_mem>>) src(%arg13 : memref<80x128xf32, #tpu.memory_space<vmem>>) dst(%dma_wait3A_121 : memref<80x128xf32, #tpu.memory_space<hbm>>)
          } else {
          }
          %add3A_108 = arith.constant 1 : i32
          %add3A_109 = arith.addi %add3A_69, %add3A_108 : i32
          %mul3A_110 = arith.constant 80 : i32
          %mul3A_111 = arith.muli %add3A_109, %mul3A_110 : i32
          %dma_start3A_112 = tpu.memref_slice %arg11[%mul3A_111] : memref<3200xi32, #tpu.memory_space<vmem>> -> memref<80xi32, #tpu.memory_space<vmem>>
          %dma_start3A_113 = arith.constant 0 : i32
          %dma_start3A_114 = arith.constant 0 : i32
          %dma_start3A_115 = tpu.memref_slice %arg5[%dma_start3A_113, %dma_start3A_114] : memref<285x128xf32, #tpu.memory_space<hbm>> -> memref<285x128xf32, #tpu.memory_space<hbm>>
          tpu.enqueue_indirect_dma source(%dma_start3A_115 : memref<285x128xf32, #tpu.memory_space<hbm>>) target(%arg13 : memref<80x128xf32, #tpu.memory_space<vmem>>) offsets(%dma_start3A_112 : memref<80xi32, #tpu.memory_space<vmem>>) semaphore(%arg16 : memref<!tpu.dma_semaphore, #tpu.memory_space<semaphore_mem>>)
        } else {
        }
        %dma_wait3A_88 = arith.constant 0 : i32
        %dma_wait3A_89 = tpu.memref_slice %arg11[%dma_wait3A_88] : memref<3200xi32, #tpu.memory_space<vmem>> -> memref<80xi32, #tpu.memory_space<vmem>>
        %dma_wait3A_90 = arith.constant 0 : i32
        %dma_wait3A_91 = arith.constant 0 : i32
        %dma_wait3A_92 = tpu.memref_slice %arg5[%dma_wait3A_90, %dma_wait3A_91] : memref<285x128xf32, #tpu.memory_space<hbm>> -> memref<285x128xf32, #tpu.memory_space<hbm>>
        tpu.wait_indirect_dma semaphore(%arg15 : memref<!tpu.dma_semaphore, #tpu.memory_space<semaphore_mem>>) src(%dma_wait3A_92 : memref<285x128xf32, #tpu.memory_space<hbm>>) dst(%arg12 : memref<80x128xf32, #tpu.memory_space<vmem>>)
        %mul3A_93 = arith.constant 80 : i32
        %mul3A_94 = arith.muli %add3A_69, %mul3A_93 : i32
        %parallel_loop3A = arith.constant 0 : i32
        %parallel_loop3A_95 = arith.constant 80 : i32
        %parallel_loop3A_96 = arith.constant 1 : i32
        scf.for %parallel_loop3A_104 = %parallel_loop3A to %parallel_loop3A_95 step %parallel_loop3A_96  : i32 {
          %parallel_loop3A_105 = arith.addi %mul3A_94, %parallel_loop3A_104 : i32
          %parallel_loop3A_106 = arith.index_cast %parallel_loop3A_105 : i32 to index
          %parallel_loop3A_107 = tpu.vector_load %arg10[%parallel_loop3A_106] {strides = array<i32>} : memref<3216xf32, #tpu.memory_space<vmem>>, vector<16xf32>,
          %parallel_loop3A_108 = vector.shape_cast %parallel_loop3A_107 : vector<16xf32> to vector<16xf32>
          %parallel_loop3A_109 = vector.extract_strided_slice %parallel_loop3A_108 {offsets = [0], sizes = [1], strides = [1]} : vector<16xf32> to vector<1xf32>
          %parallel_loop3A_110 = vector.extract %parallel_loop3A_109[0] : f32 from vector<1xf32>
          %parallel_loop3A_111 = arith.index_cast %parallel_loop3A_104 : i32 to index
          %parallel_loop3A_112 = arith.constant 0 : index
          %parallel_loop3A_113 = tpu.vector_load %arg12[%parallel_loop3A_111, %parallel_loop3A_112] {strides = array<i32>} : memref<80x128xf32, #tpu.memory_space<vmem>>, vector<1x16xf32>,
          %parallel_loop3A_114 = vector.shape_cast %parallel_loop3A_113 : vector<1x16xf32> to vector<16xf32>
          %parallel_loop3A_115 = vector.broadcast %parallel_loop3A_110 : f32 to vector<16xf32>
          %parallel_loop3A_116 = arith.mulf %parallel_loop3A_115, %get3A_2 : vector<16xf32>
          %parallel_loop3A_117 = arith.addf %parallel_loop3A_114, %parallel_loop3A_116 : vector<16xf32>
          %parallel_loop3A_118 = arith.constant -0.865617037 : f32
          %parallel_loop3A_119 = vector.broadcast %parallel_loop3A_118 : f32 to vector<16xf32>
          %parallel_loop3A_120 = arith.mulf %parallel_loop3A_117, %parallel_loop3A_119 : vector<16xf32>
          %parallel_loop3A_121 = arith.constant -1.260000e+02 : f32
          %parallel_loop3A_122 = vector.broadcast %parallel_loop3A_121 : f32 to vector<16xf32>
          %parallel_loop3A_123 = arith.maximumf %parallel_loop3A_120, %parallel_loop3A_122 : vector<16xf32>
          %parallel_loop3A_124 = arith.constant 1.260000e+02 : f32
          %parallel_loop3A_125 = vector.broadcast %parallel_loop3A_124 : f32 to vector<16xf32>
          %parallel_loop3A_126 = arith.minimumf %parallel_loop3A_123, %parallel_loop3A_125 : vector<16xf32>
          %parallel_loop3A_127 = arith.constant 0x4B400000 : f32
          %parallel_loop3A_128 = vector.broadcast %parallel_loop3A_127 : f32 to vector<16xf32>
          %parallel_loop3A_129 = arith.addf %parallel_loop3A_126, %parallel_loop3A_128 : vector<16xf32>
          %parallel_loop3A_130 = arith.constant 0x4B400000 : f32
          %parallel_loop3A_131 = vector.broadcast %parallel_loop3A_130 : f32 to vector<16xf32>
          %parallel_loop3A_132 = arith.subf %parallel_loop3A_129, %parallel_loop3A_131 : vector<16xf32>
          %parallel_loop3A_133 = arith.subf %parallel_loop3A_126, %parallel_loop3A_132 : vector<16xf32>
          %parallel_loop3A_134 = tpu.bitcast %parallel_loop3A_129 : vector<16xf32> -> vector<16xi32>
          %parallel_loop3A_135 = arith.constant 1262485377 : i32
          %parallel_loop3A_136 = vector.broadcast %parallel_loop3A_135 : i32 to vector<16xi32>
          %parallel_loop3A_137 = arith.subi %parallel_loop3A_134, %parallel_loop3A_136 : vector<16xi32>
          %parallel_loop3A_138 = arith.constant 23 : i32
          %parallel_loop3A_139 = vector.broadcast %parallel_loop3A_138 : i32 to vector<16xi32>
          %parallel_loop3A_140 = arith.shli %parallel_loop3A_137, %parallel_loop3A_139 : vector<16xi32>
          %parallel_loop3A_141 = tpu.bitcast %parallel_loop3A_140 : vector<16xi32> -> vector<16xf32>
          %parallel_loop3A_142 = arith.constant 0.0555041097 : f32
          %parallel_loop3A_143 = vector.broadcast %parallel_loop3A_142 : f32 to vector<16xf32>
          %parallel_loop3A_144 = arith.mulf %parallel_loop3A_143, %parallel_loop3A_133 : vector<16xf32>
          %parallel_loop3A_145 = arith.constant 0.240226507 : f32
          %parallel_loop3A_146 = vector.broadcast %parallel_loop3A_145 : f32 to vector<16xf32>
          %parallel_loop3A_147 = arith.addf %parallel_loop3A_144, %parallel_loop3A_146 : vector<16xf32>
          %parallel_loop3A_148 = arith.mulf %parallel_loop3A_147, %parallel_loop3A_133 : vector<16xf32>
          %parallel_loop3A_149 = arith.constant 0.693147182 : f32
          %parallel_loop3A_150 = vector.broadcast %parallel_loop3A_149 : f32 to vector<16xf32>
          %parallel_loop3A_151 = arith.addf %parallel_loop3A_148, %parallel_loop3A_150 : vector<16xf32>
          %parallel_loop3A_152 = arith.mulf %parallel_loop3A_151, %parallel_loop3A_133 : vector<16xf32>
          %parallel_loop3A_153 = arith.constant 1.000000e+00 : f32
          %parallel_loop3A_154 = vector.broadcast %parallel_loop3A_153 : f32 to vector<16xf32>
          %parallel_loop3A_155 = arith.addf %parallel_loop3A_152, %parallel_loop3A_154 : vector<16xf32>
          %parallel_loop3A_156 = arith.mulf %parallel_loop3A_155, %parallel_loop3A_141 : vector<16xf32>
          %parallel_loop3A_157 = arith.constant 1.000000e+00 : f32
          %parallel_loop3A_158 = vector.broadcast %parallel_loop3A_157 : f32 to vector<16xf32>
          %parallel_loop3A_159 = arith.addf %parallel_loop3A_156, %parallel_loop3A_158 : vector<16xf32>
          %parallel_loop3A_160 = tpu.bitcast %parallel_loop3A_159 : vector<16xf32> -> vector<16xi32>
          %parallel_loop3A_161 = arith.constant 2129733610 : i32
          %parallel_loop3A_162 = vector.broadcast %parallel_loop3A_161 : i32 to vector<16xi32>
          %parallel_loop3A_163 = arith.subi %parallel_loop3A_162, %parallel_loop3A_160 : vector<16xi32>
          %parallel_loop3A_164 = tpu.bitcast %parallel_loop3A_163 : vector<16xi32> -> vector<16xf32>
          %parallel_loop3A_165 = arith.mulf %parallel_loop3A_159, %parallel_loop3A_164 : vector<16xf32>
          %parallel_loop3A_166 = arith.constant 2.000000e+00 : f32
          %parallel_loop3A_167 = vector.broadcast %parallel_loop3A_166 : f32 to vector<16xf32>
          %parallel_loop3A_168 = arith.subf %parallel_loop3A_167, %parallel_loop3A_165 : vector<16xf32>
          %parallel_loop3A_169 = arith.mulf %parallel_loop3A_164, %parallel_loop3A_168 : vector<16xf32>
          %parallel_loop3A_170 = arith.mulf %parallel_loop3A_117, %parallel_loop3A_169 : vector<16xf32>
          %parallel_loop3A_171 = arith.index_cast %parallel_loop3A_104 : i32 to index
          %parallel_loop3A_172 = arith.constant 0 : index
          %parallel_loop3A_173 = tpu.vector_load %arg12[%parallel_loop3A_171, %parallel_loop3A_172] {strides = array<i32>} : memref<80x128xf32, #tpu.memory_space<vmem>>, vector<1x16xf32>,
          %parallel_loop3A_174 = vector.shape_cast %parallel_loop3A_173 : vector<1x16xf32> to vector<16xf32>
          %parallel_loop3A_175 = vector.shape_cast %parallel_loop3A_170 : vector<16xf32> to vector<1x16xf32>
          tpu.vector_store %arg12[%parallel_loop3A_171, %parallel_loop3A_172], %parallel_loop3A_175 {strides = array<i32>} : memref<80x128xf32, #tpu.memory_space<vmem>>, vector<1x16xf32>,
          %parallel_loop3A_176 = arith.index_cast %parallel_loop3A_104 : i32 to index
          %parallel_loop3A_177 = arith.constant 16 : index
          %parallel_loop3A_178 = tpu.vector_load %arg12[%parallel_loop3A_176, %parallel_loop3A_177] {strides = array<i32>} : memref<80x128xf32, #tpu.memory_space<vmem>>, vector<1x16xf32>,
          %parallel_loop3A_179 = vector.shape_cast %parallel_loop3A_178 : vector<1x16xf32> to vector<16xf32>
          %parallel_loop3A_180 = vector.broadcast %parallel_loop3A_110 : f32 to vector<16xf32>
          %parallel_loop3A_181 = arith.mulf %parallel_loop3A_180, %get3A_5 : vector<16xf32>
          %parallel_loop3A_182 = arith.addf %parallel_loop3A_179, %parallel_loop3A_181 : vector<16xf32>
          %parallel_loop3A_183 = arith.constant -0.865617037 : f32
          %parallel_loop3A_184 = vector.broadcast %parallel_loop3A_183 : f32 to vector<16xf32>
          %parallel_loop3A_185 = arith.mulf %parallel_loop3A_182, %parallel_loop3A_184 : vector<16xf32>
          %parallel_loop3A_186 = arith.constant -1.260000e+02 : f32
          %parallel_loop3A_187 = vector.broadcast %parallel_loop3A_186 : f32 to vector<16xf32>
          %parallel_loop3A_188 = arith.maximumf %parallel_loop3A_185, %parallel_loop3A_187 : vector<16xf32>
          %parallel_loop3A_189 = arith.constant 1.260000e+02 : f32
          %parallel_loop3A_190 = vector.broadcast %parallel_loop3A_189 : f32 to vector<16xf32>
          %parallel_loop3A_191 = arith.minimumf %parallel_loop3A_188, %parallel_loop3A_190 : vector<16xf32>
          %parallel_loop3A_192 = arith.constant 0x4B400000 : f32
          %parallel_loop3A_193 = vector.broadcast %parallel_loop3A_192 : f32 to vector<16xf32>
          %parallel_loop3A_194 = arith.addf %parallel_loop3A_191, %parallel_loop3A_193 : vector<16xf32>
          %parallel_loop3A_195 = arith.constant 0x4B400000 : f32
          %parallel_loop3A_196 = vector.broadcast %parallel_loop3A_195 : f32 to vector<16xf32>
          %parallel_loop3A_197 = arith.subf %parallel_loop3A_194, %parallel_loop3A_196 : vector<16xf32>
          %parallel_loop3A_198 = arith.subf %parallel_loop3A_191, %parallel_loop3A_197 : vector<16xf32>
          %parallel_loop3A_199 = tpu.bitcast %parallel_loop3A_194 : vector<16xf32> -> vector<16xi32>
          %parallel_loop3A_200 = arith.constant 1262485377 : i32
          %parallel_loop3A_201 = vector.broadcast %parallel_loop3A_200 : i32 to vector<16xi32>
          %parallel_loop3A_202 = arith.subi %parallel_loop3A_199, %parallel_loop3A_201 : vector<16xi32>
          %parallel_loop3A_203 = arith.constant 23 : i32
          %parallel_loop3A_204 = vector.broadcast %parallel_loop3A_203 : i32 to vector<16xi32>
          %parallel_loop3A_205 = arith.shli %parallel_loop3A_202, %parallel_loop3A_204 : vector<16xi32>
          %parallel_loop3A_206 = tpu.bitcast %parallel_loop3A_205 : vector<16xi32> -> vector<16xf32>
          %parallel_loop3A_207 = arith.constant 0.0555041097 : f32
          %parallel_loop3A_208 = vector.broadcast %parallel_loop3A_207 : f32 to vector<16xf32>
          %parallel_loop3A_209 = arith.mulf %parallel_loop3A_208, %parallel_loop3A_198 : vector<16xf32>
          %parallel_loop3A_210 = arith.constant 0.240226507 : f32
          %parallel_loop3A_211 = vector.broadcast %parallel_loop3A_210 : f32 to vector<16xf32>
          %parallel_loop3A_212 = arith.addf %parallel_loop3A_209, %parallel_loop3A_211 : vector<16xf32>
          %parallel_loop3A_213 = arith.mulf %parallel_loop3A_212, %parallel_loop3A_198 : vector<16xf32>
          %parallel_loop3A_214 = arith.constant 0.693147182 : f32
          %parallel_loop3A_215 = vector.broadcast %parallel_loop3A_214 : f32 to vector<16xf32>
          %parallel_loop3A_216 = arith.addf %parallel_loop3A_213, %parallel_loop3A_215 : vector<16xf32>
          %parallel_loop3A_217 = arith.mulf %parallel_loop3A_216, %parallel_loop3A_198 : vector<16xf32>
          %parallel_loop3A_218 = arith.constant 1.000000e+00 : f32
          %parallel_loop3A_219 = vector.broadcast %parallel_loop3A_218 : f32 to vector<16xf32>
          %parallel_loop3A_220 = arith.addf %parallel_loop3A_217, %parallel_loop3A_219 : vector<16xf32>
          %parallel_loop3A_221 = arith.mulf %parallel_loop3A_220, %parallel_loop3A_206 : vector<16xf32>
          %parallel_loop3A_222 = arith.constant 1.000000e+00 : f32
          %parallel_loop3A_223 = vector.broadcast %parallel_loop3A_222 : f32 to vector<16xf32>
          %parallel_loop3A_224 = arith.addf %parallel_loop3A_221, %parallel_loop3A_223 : vector<16xf32>
          %parallel_loop3A_225 = tpu.bitcast %parallel_loop3A_224 : vector<16xf32> -> vector<16xi32>
          %parallel_loop3A_226 = arith.constant 2129733610 : i32
          %parallel_loop3A_227 = vector.broadcast %parallel_loop3A_226 : i32 to vector<16xi32>
          %parallel_loop3A_228 = arith.subi %parallel_loop3A_227, %parallel_loop3A_225 : vector<16xi32>
          %parallel_loop3A_229 = tpu.bitcast %parallel_loop3A_228 : vector<16xi32> -> vector<16xf32>
          %parallel_loop3A_230 = arith.mulf %parallel_loop3A_224, %parallel_loop3A_229 : vector<16xf32>
          %parallel_loop3A_231 = arith.constant 2.000000e+00 : f32
          %parallel_loop3A_232 = vector.broadcast %parallel_loop3A_231 : f32 to vector<16xf32>
          %parallel_loop3A_233 = arith.subf %parallel_loop3A_232, %parallel_loop3A_230 : vector<16xf32>
          %parallel_loop3A_234 = arith.mulf %parallel_loop3A_229, %parallel_loop3A_233 : vector<16xf32>
          %parallel_loop3A_235 = arith.mulf %parallel_loop3A_182, %parallel_loop3A_234 : vector<16xf32>
          %parallel_loop3A_236 = arith.index_cast %parallel_loop3A_104 : i32 to index
          %parallel_loop3A_237 = arith.constant 16 : index
          %parallel_loop3A_238 = tpu.vector_load %arg12[%parallel_loop3A_236, %parallel_loop3A_237] {strides = array<i32>} : memref<80x128xf32, #tpu.memory_space<vmem>>, vector<1x16xf32>,
          %parallel_loop3A_239 = vector.shape_cast %parallel_loop3A_238 : vector<1x16xf32> to vector<16xf32>
          %parallel_loop3A_240 = vector.shape_cast %parallel_loop3A_235 : vector<16xf32> to vector<1x16xf32>
          tpu.vector_store %arg12[%parallel_loop3A_236, %parallel_loop3A_237], %parallel_loop3A_240 {strides = array<i32>} : memref<80x128xf32, #tpu.memory_space<vmem>>, vector<1x16xf32>,
          %parallel_loop3A_241 = arith.index_cast %parallel_loop3A_104 : i32 to index
          %parallel_loop3A_242 = arith.constant 32 : index
          %parallel_loop3A_243 = tpu.vector_load %arg12[%parallel_loop3A_241, %parallel_loop3A_242] {strides = array<i32>} : memref<80x128xf32, #tpu.memory_space<vmem>>, vector<1x16xf32>,
          %parallel_loop3A_244 = vector.shape_cast %parallel_loop3A_243 : vector<1x16xf32> to vector<16xf32>
          %parallel_loop3A_245 = vector.broadcast %parallel_loop3A_110 : f32 to vector<16xf32>
          %parallel_loop3A_246 = arith.mulf %parallel_loop3A_245, %get3A_8 : vector<16xf32>
          %parallel_loop3A_247 = arith.addf %parallel_loop3A_244, %parallel_loop3A_246 : vector<16xf32>
          %parallel_loop3A_248 = arith.constant -0.865617037 : f32
          %parallel_loop3A_249 = vector.broadcast %parallel_loop3A_248 : f32 to vector<16xf32>
          %parallel_loop3A_250 = arith.mulf %parallel_loop3A_247, %parallel_loop3A_249 : vector<16xf32>
          %parallel_loop3A_251 = arith.constant -1.260000e+02 : f32
          %parallel_loop3A_252 = vector.broadcast %parallel_loop3A_251 : f32 to vector<16xf32>
          %parallel_loop3A_253 = arith.maximumf %parallel_loop3A_250, %parallel_loop3A_252 : vector<16xf32>
          %parallel_loop3A_254 = arith.constant 1.260000e+02 : f32
          %parallel_loop3A_255 = vector.broadcast %parallel_loop3A_254 : f32 to vector<16xf32>
          %parallel_loop3A_256 = arith.minimumf %parallel_loop3A_253, %parallel_loop3A_255 : vector<16xf32>
          %parallel_loop3A_257 = arith.constant 0x4B400000 : f32
          %parallel_loop3A_258 = vector.broadcast %parallel_loop3A_257 : f32 to vector<16xf32>
          %parallel_loop3A_259 = arith.addf %parallel_loop3A_256, %parallel_loop3A_258 : vector<16xf32>
          %parallel_loop3A_260 = arith.constant 0x4B400000 : f32
          %parallel_loop3A_261 = vector.broadcast %parallel_loop3A_260 : f32 to vector<16xf32>
          %parallel_loop3A_262 = arith.subf %parallel_loop3A_259, %parallel_loop3A_261 : vector<16xf32>
          %parallel_loop3A_263 = arith.subf %parallel_loop3A_256, %parallel_loop3A_262 : vector<16xf32>
          %parallel_loop3A_264 = tpu.bitcast %parallel_loop3A_259 : vector<16xf32> -> vector<16xi32>
          %parallel_loop3A_265 = arith.constant 1262485377 : i32
          %parallel_loop3A_266 = vector.broadcast %parallel_loop3A_265 : i32 to vector<16xi32>
          %parallel_loop3A_267 = arith.subi %parallel_loop3A_264, %parallel_loop3A_266 : vector<16xi32>
          %parallel_loop3A_268 = arith.constant 23 : i32
          %parallel_loop3A_269 = vector.broadcast %parallel_loop3A_268 : i32 to vector<16xi32>
          %parallel_loop3A_270 = arith.shli %parallel_loop3A_267, %parallel_loop3A_269 : vector<16xi32>
          %parallel_loop3A_271 = tpu.bitcast %parallel_loop3A_270 : vector<16xi32> -> vector<16xf32>
          %parallel_loop3A_272 = arith.constant 0.0555041097 : f32
          %parallel_loop3A_273 = vector.broadcast %parallel_loop3A_272 : f32 to vector<16xf32>
          %parallel_loop3A_274 = arith.mulf %parallel_loop3A_273, %parallel_loop3A_263 : vector<16xf32>
          %parallel_loop3A_275 = arith.constant 0.240226507 : f32
          %parallel_loop3A_276 = vector.broadcast %parallel_loop3A_275 : f32 to vector<16xf32>
          %parallel_loop3A_277 = arith.addf %parallel_loop3A_274, %parallel_loop3A_276 : vector<16xf32>
          %parallel_loop3A_278 = arith.mulf %parallel_loop3A_277, %parallel_loop3A_263 : vector<16xf32>
          %parallel_loop3A_279 = arith.constant 0.693147182 : f32
          %parallel_loop3A_280 = vector.broadcast %parallel_loop3A_279 : f32 to vector<16xf32>
          %parallel_loop3A_281 = arith.addf %parallel_loop3A_278, %parallel_loop3A_280 : vector<16xf32>
          %parallel_loop3A_282 = arith.mulf %parallel_loop3A_281, %parallel_loop3A_263 : vector<16xf32>
          %parallel_loop3A_283 = arith.constant 1.000000e+00 : f32
          %parallel_loop3A_284 = vector.broadcast %parallel_loop3A_283 : f32 to vector<16xf32>
          %parallel_loop3A_285 = arith.addf %parallel_loop3A_282, %parallel_loop3A_284 : vector<16xf32>
          %parallel_loop3A_286 = arith.mulf %parallel_loop3A_285, %parallel_loop3A_271 : vector<16xf32>
          %parallel_loop3A_287 = arith.constant 1.000000e+00 : f32
          %parallel_loop3A_288 = vector.broadcast %parallel_loop3A_287 : f32 to vector<16xf32>
          %parallel_loop3A_289 = arith.addf %parallel_loop3A_286, %parallel_loop3A_288 : vector<16xf32>
          %parallel_loop3A_290 = tpu.bitcast %parallel_loop3A_289 : vector<16xf32> -> vector<16xi32>
          %parallel_loop3A_291 = arith.constant 2129733610 : i32
          %parallel_loop3A_292 = vector.broadcast %parallel_loop3A_291 : i32 to vector<16xi32>
          %parallel_loop3A_293 = arith.subi %parallel_loop3A_292, %parallel_loop3A_290 : vector<16xi32>
          %parallel_loop3A_294 = tpu.bitcast %parallel_loop3A_293 : vector<16xi32> -> vector<16xf32>
          %parallel_loop3A_295 = arith.mulf %parallel_loop3A_289, %parallel_loop3A_294 : vector<16xf32>
          %parallel_loop3A_296 = arith.constant 2.000000e+00 : f32
          %parallel_loop3A_297 = vector.broadcast %parallel_loop3A_296 : f32 to vector<16xf32>
          %parallel_loop3A_298 = arith.subf %parallel_loop3A_297, %parallel_loop3A_295 : vector<16xf32>
          %parallel_loop3A_299 = arith.mulf %parallel_loop3A_294, %parallel_loop3A_298 : vector<16xf32>
          %parallel_loop3A_300 = arith.mulf %parallel_loop3A_247, %parallel_loop3A_299 : vector<16xf32>
          %parallel_loop3A_301 = arith.index_cast %parallel_loop3A_104 : i32 to index
          %parallel_loop3A_302 = arith.constant 32 : index
          %parallel_loop3A_303 = tpu.vector_load %arg12[%parallel_loop3A_301, %parallel_loop3A_302] {strides = array<i32>} : memref<80x128xf32, #tpu.memory_space<vmem>>, vector<1x16xf32>,
          %parallel_loop3A_304 = vector.shape_cast %parallel_loop3A_303 : vector<1x16xf32> to vector<16xf32>
          %parallel_loop3A_305 = vector.shape_cast %parallel_loop3A_300 : vector<16xf32> to vector<1x16xf32>
          tpu.vector_store %arg12[%parallel_loop3A_301, %parallel_loop3A_302], %parallel_loop3A_305 {strides = array<i32>} : memref<80x128xf32, #tpu.memory_space<vmem>>, vector<1x16xf32>,
          %parallel_loop3A_306 = arith.index_cast %parallel_loop3A_104 : i32 to index
          %parallel_loop3A_307 = arith.constant 48 : index
          %parallel_loop3A_308 = tpu.vector_load %arg12[%parallel_loop3A_306, %parallel_loop3A_307] {strides = array<i32>} : memref<80x128xf32, #tpu.memory_space<vmem>>, vector<1x16xf32>,
          %parallel_loop3A_309 = vector.shape_cast %parallel_loop3A_308 : vector<1x16xf32> to vector<16xf32>
          %parallel_loop3A_310 = vector.broadcast %parallel_loop3A_110 : f32 to vector<16xf32>
          %parallel_loop3A_311 = arith.mulf %parallel_loop3A_310, %get3A_11 : vector<16xf32>
          %parallel_loop3A_312 = arith.addf %parallel_loop3A_309, %parallel_loop3A_311 : vector<16xf32>
          %parallel_loop3A_313 = arith.constant -0.865617037 : f32
          %parallel_loop3A_314 = vector.broadcast %parallel_loop3A_313 : f32 to vector<16xf32>
          %parallel_loop3A_315 = arith.mulf %parallel_loop3A_312, %parallel_loop3A_314 : vector<16xf32>
          %parallel_loop3A_316 = arith.constant -1.260000e+02 : f32
          %parallel_loop3A_317 = vector.broadcast %parallel_loop3A_316 : f32 to vector<16xf32>
          %parallel_loop3A_318 = arith.maximumf %parallel_loop3A_315, %parallel_loop3A_317 : vector<16xf32>
          %parallel_loop3A_319 = arith.constant 1.260000e+02 : f32
          %parallel_loop3A_320 = vector.broadcast %parallel_loop3A_319 : f32 to vector<16xf32>
          %parallel_loop3A_321 = arith.minimumf %parallel_loop3A_318, %parallel_loop3A_320 : vector<16xf32>
          %parallel_loop3A_322 = arith.constant 0x4B400000 : f32
          %parallel_loop3A_323 = vector.broadcast %parallel_loop3A_322 : f32 to vector<16xf32>
          %parallel_loop3A_324 = arith.addf %parallel_loop3A_321, %parallel_loop3A_323 : vector<16xf32>
          %parallel_loop3A_325 = arith.constant 0x4B400000 : f32
          %parallel_loop3A_326 = vector.broadcast %parallel_loop3A_325 : f32 to vector<16xf32>
          %parallel_loop3A_327 = arith.subf %parallel_loop3A_324, %parallel_loop3A_326 : vector<16xf32>
          %parallel_loop3A_328 = arith.subf %parallel_loop3A_321, %parallel_loop3A_327 : vector<16xf32>
          %parallel_loop3A_329 = tpu.bitcast %parallel_loop3A_324 : vector<16xf32> -> vector<16xi32>
          %parallel_loop3A_330 = arith.constant 1262485377 : i32
          %parallel_loop3A_331 = vector.broadcast %parallel_loop3A_330 : i32 to vector<16xi32>
          %parallel_loop3A_332 = arith.subi %parallel_loop3A_329, %parallel_loop3A_331 : vector<16xi32>
          %parallel_loop3A_333 = arith.constant 23 : i32
          %parallel_loop3A_334 = vector.broadcast %parallel_loop3A_333 : i32 to vector<16xi32>
          %parallel_loop3A_335 = arith.shli %parallel_loop3A_332, %parallel_loop3A_334 : vector<16xi32>
          %parallel_loop3A_336 = tpu.bitcast %parallel_loop3A_335 : vector<16xi32> -> vector<16xf32>
          %parallel_loop3A_337 = arith.constant 0.0555041097 : f32
          %parallel_loop3A_338 = vector.broadcast %parallel_loop3A_337 : f32 to vector<16xf32>
          %parallel_loop3A_339 = arith.mulf %parallel_loop3A_338, %parallel_loop3A_328 : vector<16xf32>
          %parallel_loop3A_340 = arith.constant 0.240226507 : f32
          %parallel_loop3A_341 = vector.broadcast %parallel_loop3A_340 : f32 to vector<16xf32>
          %parallel_loop3A_342 = arith.addf %parallel_loop3A_339, %parallel_loop3A_341 : vector<16xf32>
          %parallel_loop3A_343 = arith.mulf %parallel_loop3A_342, %parallel_loop3A_328 : vector<16xf32>
          %parallel_loop3A_344 = arith.constant 0.693147182 : f32
          %parallel_loop3A_345 = vector.broadcast %parallel_loop3A_344 : f32 to vector<16xf32>
          %parallel_loop3A_346 = arith.addf %parallel_loop3A_343, %parallel_loop3A_345 : vector<16xf32>
          %parallel_loop3A_347 = arith.mulf %parallel_loop3A_346, %parallel_loop3A_328 : vector<16xf32>
          %parallel_loop3A_348 = arith.constant 1.000000e+00 : f32
          %parallel_loop3A_349 = vector.broadcast %parallel_loop3A_348 : f32 to vector<16xf32>
          %parallel_loop3A_350 = arith.addf %parallel_loop3A_347, %parallel_loop3A_349 : vector<16xf32>
          %parallel_loop3A_351 = arith.mulf %parallel_loop3A_350, %parallel_loop3A_336 : vector<16xf32>
          %parallel_loop3A_352 = arith.constant 1.000000e+00 : f32
          %parallel_loop3A_353 = vector.broadcast %parallel_loop3A_352 : f32 to vector<16xf32>
          %parallel_loop3A_354 = arith.addf %parallel_loop3A_351, %parallel_loop3A_353 : vector<16xf32>
          %parallel_loop3A_355 = tpu.bitcast %parallel_loop3A_354 : vector<16xf32> -> vector<16xi32>
          %parallel_loop3A_356 = arith.constant 2129733610 : i32
          %parallel_loop3A_357 = vector.broadcast %parallel_loop3A_356 : i32 to vector<16xi32>
          %parallel_loop3A_358 = arith.subi %parallel_loop3A_357, %parallel_loop3A_355 : vector<16xi32>
          %parallel_loop3A_359 = tpu.bitcast %parallel_loop3A_358 : vector<16xi32> -> vector<16xf32>
          %parallel_loop3A_360 = arith.mulf %parallel_loop3A_354, %parallel_loop3A_359 : vector<16xf32>
          %parallel_loop3A_361 = arith.constant 2.000000e+00 : f32
          %parallel_loop3A_362 = vector.broadcast %parallel_loop3A_361 : f32 to vector<16xf32>
          %parallel_loop3A_363 = arith.subf %parallel_loop3A_362, %parallel_loop3A_360 : vector<16xf32>
          %parallel_loop3A_364 = arith.mulf %parallel_loop3A_359, %parallel_loop3A_363 : vector<16xf32>
          %parallel_loop3A_365 = arith.mulf %parallel_loop3A_312, %parallel_loop3A_364 : vector<16xf32>
          %parallel_loop3A_366 = arith.index_cast %parallel_loop3A_104 : i32 to index
          %parallel_loop3A_367 = arith.constant 48 : index
          %parallel_loop3A_368 = tpu.vector_load %arg12[%parallel_loop3A_366, %parallel_loop3A_367] {strides = array<i32>} : memref<80x128xf32, #tpu.memory_space<vmem>>, vector<1x16xf32>,
          %parallel_loop3A_369 = vector.shape_cast %parallel_loop3A_368 : vector<1x16xf32> to vector<16xf32>
          %parallel_loop3A_370 = vector.shape_cast %parallel_loop3A_365 : vector<16xf32> to vector<1x16xf32>
          tpu.vector_store %arg12[%parallel_loop3A_366, %parallel_loop3A_367], %parallel_loop3A_370 {strides = array<i32>} : memref<80x128xf32, #tpu.memory_space<vmem>>, vector<1x16xf32>,
          %parallel_loop3A_371 = arith.index_cast %parallel_loop3A_104 : i32 to index
          %parallel_loop3A_372 = arith.constant 64 : index
          %parallel_loop3A_373 = tpu.vector_load %arg12[%parallel_loop3A_371, %parallel_loop3A_372] {strides = array<i32>} : memref<80x128xf32, #tpu.memory_space<vmem>>, vector<1x16xf32>,
          %parallel_loop3A_374 = vector.shape_cast %parallel_loop3A_373 : vector<1x16xf32> to vector<16xf32>
          %parallel_loop3A_375 = vector.broadcast %parallel_loop3A_110 : f32 to vector<16xf32>
          %parallel_loop3A_376 = arith.mulf %parallel_loop3A_375, %get3A_14 : vector<16xf32>
          %parallel_loop3A_377 = arith.addf %parallel_loop3A_374, %parallel_loop3A_376 : vector<16xf32>
          %parallel_loop3A_378 = arith.constant -0.865617037 : f32
          %parallel_loop3A_379 = vector.broadcast %parallel_loop3A_378 : f32 to vector<16xf32>
          %parallel_loop3A_380 = arith.mulf %parallel_loop3A_377, %parallel_loop3A_379 : vector<16xf32>
          %parallel_loop3A_381 = arith.constant -1.260000e+02 : f32
          %parallel_loop3A_382 = vector.broadcast %parallel_loop3A_381 : f32 to vector<16xf32>
          %parallel_loop3A_383 = arith.maximumf %parallel_loop3A_380, %parallel_loop3A_382 : vector<16xf32>
          %parallel_loop3A_384 = arith.constant 1.260000e+02 : f32
          %parallel_loop3A_385 = vector.broadcast %parallel_loop3A_384 : f32 to vector<16xf32>
          %parallel_loop3A_386 = arith.minimumf %parallel_loop3A_383, %parallel_loop3A_385 : vector<16xf32>
          %parallel_loop3A_387 = arith.constant 0x4B400000 : f32
          %parallel_loop3A_388 = vector.broadcast %parallel_loop3A_387 : f32 to vector<16xf32>
          %parallel_loop3A_389 = arith.addf %parallel_loop3A_386, %parallel_loop3A_388 : vector<16xf32>
          %parallel_loop3A_390 = arith.constant 0x4B400000 : f32
          %parallel_loop3A_391 = vector.broadcast %parallel_loop3A_390 : f32 to vector<16xf32>
          %parallel_loop3A_392 = arith.subf %parallel_loop3A_389, %parallel_loop3A_391 : vector<16xf32>
          %parallel_loop3A_393 = arith.subf %parallel_loop3A_386, %parallel_loop3A_392 : vector<16xf32>
          %parallel_loop3A_394 = tpu.bitcast %parallel_loop3A_389 : vector<16xf32> -> vector<16xi32>
          %parallel_loop3A_395 = arith.constant 1262485377 : i32
          %parallel_loop3A_396 = vector.broadcast %parallel_loop3A_395 : i32 to vector<16xi32>
          %parallel_loop3A_397 = arith.subi %parallel_loop3A_394, %parallel_loop3A_396 : vector<16xi32>
          %parallel_loop3A_398 = arith.constant 23 : i32
          %parallel_loop3A_399 = vector.broadcast %parallel_loop3A_398 : i32 to vector<16xi32>
          %parallel_loop3A_400 = arith.shli %parallel_loop3A_397, %parallel_loop3A_399 : vector<16xi32>
          %parallel_loop3A_401 = tpu.bitcast %parallel_loop3A_400 : vector<16xi32> -> vector<16xf32>
          %parallel_loop3A_402 = arith.constant 0.0555041097 : f32
          %parallel_loop3A_403 = vector.broadcast %parallel_loop3A_402 : f32 to vector<16xf32>
          %parallel_loop3A_404 = arith.mulf %parallel_loop3A_403, %parallel_loop3A_393 : vector<16xf32>
          %parallel_loop3A_405 = arith.constant 0.240226507 : f32
          %parallel_loop3A_406 = vector.broadcast %parallel_loop3A_405 : f32 to vector<16xf32>
          %parallel_loop3A_407 = arith.addf %parallel_loop3A_404, %parallel_loop3A_406 : vector<16xf32>
          %parallel_loop3A_408 = arith.mulf %parallel_loop3A_407, %parallel_loop3A_393 : vector<16xf32>
          %parallel_loop3A_409 = arith.constant 0.693147182 : f32
          %parallel_loop3A_410 = vector.broadcast %parallel_loop3A_409 : f32 to vector<16xf32>
          %parallel_loop3A_411 = arith.addf %parallel_loop3A_408, %parallel_loop3A_410 : vector<16xf32>
          %parallel_loop3A_412 = arith.mulf %parallel_loop3A_411, %parallel_loop3A_393 : vector<16xf32>
          %parallel_loop3A_413 = arith.constant 1.000000e+00 : f32
          %parallel_loop3A_414 = vector.broadcast %parallel_loop3A_413 : f32 to vector<16xf32>
          %parallel_loop3A_415 = arith.addf %parallel_loop3A_412, %parallel_loop3A_414 : vector<16xf32>
          %parallel_loop3A_416 = arith.mulf %parallel_loop3A_415, %parallel_loop3A_401 : vector<16xf32>
          %parallel_loop3A_417 = arith.constant 1.000000e+00 : f32
          %parallel_loop3A_418 = vector.broadcast %parallel_loop3A_417 : f32 to vector<16xf32>
          %parallel_loop3A_419 = arith.addf %parallel_loop3A_416, %parallel_loop3A_418 : vector<16xf32>
          %parallel_loop3A_420 = tpu.bitcast %parallel_loop3A_419 : vector<16xf32> -> vector<16xi32>
          %parallel_loop3A_421 = arith.constant 2129733610 : i32
          %parallel_loop3A_422 = vector.broadcast %parallel_loop3A_421 : i32 to vector<16xi32>
          %parallel_loop3A_423 = arith.subi %parallel_loop3A_422, %parallel_loop3A_420 : vector<16xi32>
          %parallel_loop3A_424 = tpu.bitcast %parallel_loop3A_423 : vector<16xi32> -> vector<16xf32>
          %parallel_loop3A_425 = arith.mulf %parallel_loop3A_419, %parallel_loop3A_424 : vector<16xf32>
          %parallel_loop3A_426 = arith.constant 2.000000e+00 : f32
          %parallel_loop3A_427 = vector.broadcast %parallel_loop3A_426 : f32 to vector<16xf32>
          %parallel_loop3A_428 = arith.subf %parallel_loop3A_427, %parallel_loop3A_425 : vector<16xf32>
          %parallel_loop3A_429 = arith.mulf %parallel_loop3A_424, %parallel_loop3A_428 : vector<16xf32>
          %parallel_loop3A_430 = arith.mulf %parallel_loop3A_377, %parallel_loop3A_429 : vector<16xf32>
          %parallel_loop3A_431 = arith.index_cast %parallel_loop3A_104 : i32 to index
          %parallel_loop3A_432 = arith.constant 64 : index
          %parallel_loop3A_433 = tpu.vector_load %arg12[%parallel_loop3A_431, %parallel_loop3A_432] {strides = array<i32>} : memref<80x128xf32, #tpu.memory_space<vmem>>, vector<1x16xf32>,
          %parallel_loop3A_434 = vector.shape_cast %parallel_loop3A_433 : vector<1x16xf32> to vector<16xf32>
          %parallel_loop3A_435 = vector.shape_cast %parallel_loop3A_430 : vector<16xf32> to vector<1x16xf32>
          tpu.vector_store %arg12[%parallel_loop3A_431, %parallel_loop3A_432], %parallel_loop3A_435 {strides = array<i32>} : memref<80x128xf32, #tpu.memory_space<vmem>>, vector<1x16xf32>,
          %parallel_loop3A_436 = arith.index_cast %parallel_loop3A_104 : i32 to index
          %parallel_loop3A_437 = arith.constant 80 : index
          %parallel_loop3A_438 = tpu.vector_load %arg12[%parallel_loop3A_436, %parallel_loop3A_437] {strides = array<i32>} : memref<80x128xf32, #tpu.memory_space<vmem>>, vector<1x16xf32>,
          %parallel_loop3A_439 = vector.shape_cast %parallel_loop3A_438 : vector<1x16xf32> to vector<16xf32>
          %parallel_loop3A_440 = vector.broadcast %parallel_loop3A_110 : f32 to vector<16xf32>
          %parallel_loop3A_441 = arith.mulf %parallel_loop3A_440, %get3A_17 : vector<16xf32>
          %parallel_loop3A_442 = arith.addf %parallel_loop3A_439, %parallel_loop3A_441 : vector<16xf32>
          %parallel_loop3A_443 = arith.constant -0.865617037 : f32
          %parallel_loop3A_444 = vector.broadcast %parallel_loop3A_443 : f32 to vector<16xf32>
          %parallel_loop3A_445 = arith.mulf %parallel_loop3A_442, %parallel_loop3A_444 : vector<16xf32>
          %parallel_loop3A_446 = arith.constant -1.260000e+02 : f32
          %parallel_loop3A_447 = vector.broadcast %parallel_loop3A_446 : f32 to vector<16xf32>
          %parallel_loop3A_448 = arith.maximumf %parallel_loop3A_445, %parallel_loop3A_447 : vector<16xf32>
          %parallel_loop3A_449 = arith.constant 1.260000e+02 : f32
          %parallel_loop3A_450 = vector.broadcast %parallel_loop3A_449 : f32 to vector<16xf32>
          %parallel_loop3A_451 = arith.minimumf %parallel_loop3A_448, %parallel_loop3A_450 : vector<16xf32>
          %parallel_loop3A_452 = arith.constant 0x4B400000 : f32
          %parallel_loop3A_453 = vector.broadcast %parallel_loop3A_452 : f32 to vector<16xf32>
          %parallel_loop3A_454 = arith.addf %parallel_loop3A_451, %parallel_loop3A_453 : vector<16xf32>
          %parallel_loop3A_455 = arith.constant 0x4B400000 : f32
          %parallel_loop3A_456 = vector.broadcast %parallel_loop3A_455 : f32 to vector<16xf32>
          %parallel_loop3A_457 = arith.subf %parallel_loop3A_454, %parallel_loop3A_456 : vector<16xf32>
          %parallel_loop3A_458 = arith.subf %parallel_loop3A_451, %parallel_loop3A_457 : vector<16xf32>
          %parallel_loop3A_459 = tpu.bitcast %parallel_loop3A_454 : vector<16xf32> -> vector<16xi32>
          %parallel_loop3A_460 = arith.constant 1262485377 : i32
          %parallel_loop3A_461 = vector.broadcast %parallel_loop3A_460 : i32 to vector<16xi32>
          %parallel_loop3A_462 = arith.subi %parallel_loop3A_459, %parallel_loop3A_461 : vector<16xi32>
          %parallel_loop3A_463 = arith.constant 23 : i32
          %parallel_loop3A_464 = vector.broadcast %parallel_loop3A_463 : i32 to vector<16xi32>
          %parallel_loop3A_465 = arith.shli %parallel_loop3A_462, %parallel_loop3A_464 : vector<16xi32>
          %parallel_loop3A_466 = tpu.bitcast %parallel_loop3A_465 : vector<16xi32> -> vector<16xf32>
          %parallel_loop3A_467 = arith.constant 0.0555041097 : f32
          %parallel_loop3A_468 = vector.broadcast %parallel_loop3A_467 : f32 to vector<16xf32>
          %parallel_loop3A_469 = arith.mulf %parallel_loop3A_468, %parallel_loop3A_458 : vector<16xf32>
          %parallel_loop3A_470 = arith.constant 0.240226507 : f32
          %parallel_loop3A_471 = vector.broadcast %parallel_loop3A_470 : f32 to vector<16xf32>
          %parallel_loop3A_472 = arith.addf %parallel_loop3A_469, %parallel_loop3A_471 : vector<16xf32>
          %parallel_loop3A_473 = arith.mulf %parallel_loop3A_472, %parallel_loop3A_458 : vector<16xf32>
          %parallel_loop3A_474 = arith.constant 0.693147182 : f32
          %parallel_loop3A_475 = vector.broadcast %parallel_loop3A_474 : f32 to vector<16xf32>
          %parallel_loop3A_476 = arith.addf %parallel_loop3A_473, %parallel_loop3A_475 : vector<16xf32>
          %parallel_loop3A_477 = arith.mulf %parallel_loop3A_476, %parallel_loop3A_458 : vector<16xf32>
          %parallel_loop3A_478 = arith.constant 1.000000e+00 : f32
          %parallel_loop3A_479 = vector.broadcast %parallel_loop3A_478 : f32 to vector<16xf32>
          %parallel_loop3A_480 = arith.addf %parallel_loop3A_477, %parallel_loop3A_479 : vector<16xf32>
          %parallel_loop3A_481 = arith.mulf %parallel_loop3A_480, %parallel_loop3A_466 : vector<16xf32>
          %parallel_loop3A_482 = arith.constant 1.000000e+00 : f32
          %parallel_loop3A_483 = vector.broadcast %parallel_loop3A_482 : f32 to vector<16xf32>
          %parallel_loop3A_484 = arith.addf %parallel_loop3A_481, %parallel_loop3A_483 : vector<16xf32>
          %parallel_loop3A_485 = tpu.bitcast %parallel_loop3A_484 : vector<16xf32> -> vector<16xi32>
          %parallel_loop3A_486 = arith.constant 2129733610 : i32
          %parallel_loop3A_487 = vector.broadcast %parallel_loop3A_486 : i32 to vector<16xi32>
          %parallel_loop3A_488 = arith.subi %parallel_loop3A_487, %parallel_loop3A_485 : vector<16xi32>
          %parallel_loop3A_489 = tpu.bitcast %parallel_loop3A_488 : vector<16xi32> -> vector<16xf32>
          %parallel_loop3A_490 = arith.mulf %parallel_loop3A_484, %parallel_loop3A_489 : vector<16xf32>
          %parallel_loop3A_491 = arith.constant 2.000000e+00 : f32
          %parallel_loop3A_492 = vector.broadcast %parallel_loop3A_491 : f32 to vector<16xf32>
          %parallel_loop3A_493 = arith.subf %parallel_loop3A_492, %parallel_loop3A_490 : vector<16xf32>
          %parallel_loop3A_494 = arith.mulf %parallel_loop3A_489, %parallel_loop3A_493 : vector<16xf32>
          %parallel_loop3A_495 = arith.mulf %parallel_loop3A_442, %parallel_loop3A_494 : vector<16xf32>
          %parallel_loop3A_496 = arith.index_cast %parallel_loop3A_104 : i32 to index
          %parallel_loop3A_497 = arith.constant 80 : index
          %parallel_loop3A_498 = tpu.vector_load %arg12[%parallel_loop3A_496, %parallel_loop3A_497] {strides = array<i32>} : memref<80x128xf32, #tpu.memory_space<vmem>>, vector<1x16xf32>,
          %parallel_loop3A_499 = vector.shape_cast %parallel_loop3A_498 : vector<1x16xf32> to vector<16xf32>
          %parallel_loop3A_500 = vector.shape_cast %parallel_loop3A_495 : vector<16xf32> to vector<1x16xf32>
          tpu.vector_store %arg12[%parallel_loop3A_496, %parallel_loop3A_497], %parallel_loop3A_500 {strides = array<i32>} : memref<80x128xf32, #tpu.memory_space<vmem>>, vector<1x16xf32>,
          %parallel_loop3A_501 = arith.index_cast %parallel_loop3A_104 : i32 to index
          %parallel_loop3A_502 = arith.constant 96 : index
          %parallel_loop3A_503 = tpu.vector_load %arg12[%parallel_loop3A_501, %parallel_loop3A_502] {strides = array<i32>} : memref<80x128xf32, #tpu.memory_space<vmem>>, vector<1x16xf32>,
          %parallel_loop3A_504 = vector.shape_cast %parallel_loop3A_503 : vector<1x16xf32> to vector<16xf32>
          %parallel_loop3A_505 = vector.broadcast %parallel_loop3A_110 : f32 to vector<16xf32>
          %parallel_loop3A_506 = arith.mulf %parallel_loop3A_505, %get3A_20 : vector<16xf32>
          %parallel_loop3A_507 = arith.addf %parallel_loop3A_504, %parallel_loop3A_506 : vector<16xf32>
          %parallel_loop3A_508 = arith.constant -0.865617037 : f32
          %parallel_loop3A_509 = vector.broadcast %parallel_loop3A_508 : f32 to vector<16xf32>
          %parallel_loop3A_510 = arith.mulf %parallel_loop3A_507, %parallel_loop3A_509 : vector<16xf32>
          %parallel_loop3A_511 = arith.constant -1.260000e+02 : f32
          %parallel_loop3A_512 = vector.broadcast %parallel_loop3A_511 : f32 to vector<16xf32>
          %parallel_loop3A_513 = arith.maximumf %parallel_loop3A_510, %parallel_loop3A_512 : vector<16xf32>
          %parallel_loop3A_514 = arith.constant 1.260000e+02 : f32
          %parallel_loop3A_515 = vector.broadcast %parallel_loop3A_514 : f32 to vector<16xf32>
          %parallel_loop3A_516 = arith.minimumf %parallel_loop3A_513, %parallel_loop3A_515 : vector<16xf32>
          %parallel_loop3A_517 = arith.constant 0x4B400000 : f32
          %parallel_loop3A_518 = vector.broadcast %parallel_loop3A_517 : f32 to vector<16xf32>
          %parallel_loop3A_519 = arith.addf %parallel_loop3A_516, %parallel_loop3A_518 : vector<16xf32>
          %parallel_loop3A_520 = arith.constant 0x4B400000 : f32
          %parallel_loop3A_521 = vector.broadcast %parallel_loop3A_520 : f32 to vector<16xf32>
          %parallel_loop3A_522 = arith.subf %parallel_loop3A_519, %parallel_loop3A_521 : vector<16xf32>
          %parallel_loop3A_523 = arith.subf %parallel_loop3A_516, %parallel_loop3A_522 : vector<16xf32>
          %parallel_loop3A_524 = tpu.bitcast %parallel_loop3A_519 : vector<16xf32> -> vector<16xi32>
          %parallel_loop3A_525 = arith.constant 1262485377 : i32
          %parallel_loop3A_526 = vector.broadcast %parallel_loop3A_525 : i32 to vector<16xi32>
          %parallel_loop3A_527 = arith.subi %parallel_loop3A_524, %parallel_loop3A_526 : vector<16xi32>
          %parallel_loop3A_528 = arith.constant 23 : i32
          %parallel_loop3A_529 = vector.broadcast %parallel_loop3A_528 : i32 to vector<16xi32>
          %parallel_loop3A_530 = arith.shli %parallel_loop3A_527, %parallel_loop3A_529 : vector<16xi32>
          %parallel_loop3A_531 = tpu.bitcast %parallel_loop3A_530 : vector<16xi32> -> vector<16xf32>
          %parallel_loop3A_532 = arith.constant 0.0555041097 : f32
          %parallel_loop3A_533 = vector.broadcast %parallel_loop3A_532 : f32 to vector<16xf32>
          %parallel_loop3A_534 = arith.mulf %parallel_loop3A_533, %parallel_loop3A_523 : vector<16xf32>
          %parallel_loop3A_535 = arith.constant 0.240226507 : f32
          %parallel_loop3A_536 = vector.broadcast %parallel_loop3A_535 : f32 to vector<16xf32>
          %parallel_loop3A_537 = arith.addf %parallel_loop3A_534, %parallel_loop3A_536 : vector<16xf32>
          %parallel_loop3A_538 = arith.mulf %parallel_loop3A_537, %parallel_loop3A_523 : vector<16xf32>
          %parallel_loop3A_539 = arith.constant 0.693147182 : f32
          %parallel_loop3A_540 = vector.broadcast %parallel_loop3A_539 : f32 to vector<16xf32>
          %parallel_loop3A_541 = arith.addf %parallel_loop3A_538, %parallel_loop3A_540 : vector<16xf32>
          %parallel_loop3A_542 = arith.mulf %parallel_loop3A_541, %parallel_loop3A_523 : vector<16xf32>
          %parallel_loop3A_543 = arith.constant 1.000000e+00 : f32
          %parallel_loop3A_544 = vector.broadcast %parallel_loop3A_543 : f32 to vector<16xf32>
          %parallel_loop3A_545 = arith.addf %parallel_loop3A_542, %parallel_loop3A_544 : vector<16xf32>
          %parallel_loop3A_546 = arith.mulf %parallel_loop3A_545, %parallel_loop3A_531 : vector<16xf32>
          %parallel_loop3A_547 = arith.constant 1.000000e+00 : f32
          %parallel_loop3A_548 = vector.broadcast %parallel_loop3A_547 : f32 to vector<16xf32>
          %parallel_loop3A_549 = arith.addf %parallel_loop3A_546, %parallel_loop3A_548 : vector<16xf32>
          %parallel_loop3A_550 = tpu.bitcast %parallel_loop3A_549 : vector<16xf32> -> vector<16xi32>
          %parallel_loop3A_551 = arith.constant 2129733610 : i32
          %parallel_loop3A_552 = vector.broadcast %parallel_loop3A_551 : i32 to vector<16xi32>
          %parallel_loop3A_553 = arith.subi %parallel_loop3A_552, %parallel_loop3A_550 : vector<16xi32>
          %parallel_loop3A_554 = tpu.bitcast %parallel_loop3A_553 : vector<16xi32> -> vector<16xf32>
          %parallel_loop3A_555 = arith.mulf %parallel_loop3A_549, %parallel_loop3A_554 : vector<16xf32>
          %parallel_loop3A_556 = arith.constant 2.000000e+00 : f32
          %parallel_loop3A_557 = vector.broadcast %parallel_loop3A_556 : f32 to vector<16xf32>
          %parallel_loop3A_558 = arith.subf %parallel_loop3A_557, %parallel_loop3A_555 : vector<16xf32>
          %parallel_loop3A_559 = arith.mulf %parallel_loop3A_554, %parallel_loop3A_558 : vector<16xf32>
          %parallel_loop3A_560 = arith.mulf %parallel_loop3A_507, %parallel_loop3A_559 : vector<16xf32>
          %parallel_loop3A_561 = arith.index_cast %parallel_loop3A_104 : i32 to index
          %parallel_loop3A_562 = arith.constant 96 : index
          %parallel_loop3A_563 = tpu.vector_load %arg12[%parallel_loop3A_561, %parallel_loop3A_562] {strides = array<i32>} : memref<80x128xf32, #tpu.memory_space<vmem>>, vector<1x16xf32>,
          %parallel_loop3A_564 = vector.shape_cast %parallel_loop3A_563 : vector<1x16xf32> to vector<16xf32>
          %parallel_loop3A_565 = vector.shape_cast %parallel_loop3A_560 : vector<16xf32> to vector<1x16xf32>
          tpu.vector_store %arg12[%parallel_loop3A_561, %parallel_loop3A_562], %parallel_loop3A_565 {strides = array<i32>} : memref<80x128xf32, #tpu.memory_space<vmem>>, vector<1x16xf32>,
          %parallel_loop3A_566 = arith.index_cast %parallel_loop3A_104 : i32 to index
          %parallel_loop3A_567 = arith.constant 112 : index
          %parallel_loop3A_568 = tpu.vector_load %arg12[%parallel_loop3A_566, %parallel_loop3A_567] {strides = array<i32>} : memref<80x128xf32, #tpu.memory_space<vmem>>, vector<1x16xf32>,
          %parallel_loop3A_569 = vector.shape_cast %parallel_loop3A_568 : vector<1x16xf32> to vector<16xf32>
          %parallel_loop3A_570 = vector.broadcast %parallel_loop3A_110 : f32 to vector<16xf32>
          %parallel_loop3A_571 = arith.mulf %parallel_loop3A_570, %get3A_23 : vector<16xf32>
          %parallel_loop3A_572 = arith.addf %parallel_loop3A_569, %parallel_loop3A_571 : vector<16xf32>
          %parallel_loop3A_573 = arith.constant -0.865617037 : f32
          %parallel_loop3A_574 = vector.broadcast %parallel_loop3A_573 : f32 to vector<16xf32>
          %parallel_loop3A_575 = arith.mulf %parallel_loop3A_572, %parallel_loop3A_574 : vector<16xf32>
          %parallel_loop3A_576 = arith.constant -1.260000e+02 : f32
          %parallel_loop3A_577 = vector.broadcast %parallel_loop3A_576 : f32 to vector<16xf32>
          %parallel_loop3A_578 = arith.maximumf %parallel_loop3A_575, %parallel_loop3A_577 : vector<16xf32>
          %parallel_loop3A_579 = arith.constant 1.260000e+02 : f32
          %parallel_loop3A_580 = vector.broadcast %parallel_loop3A_579 : f32 to vector<16xf32>
          %parallel_loop3A_581 = arith.minimumf %parallel_loop3A_578, %parallel_loop3A_580 : vector<16xf32>
          %parallel_loop3A_582 = arith.constant 0x4B400000 : f32
          %parallel_loop3A_583 = vector.broadcast %parallel_loop3A_582 : f32 to vector<16xf32>
          %parallel_loop3A_584 = arith.addf %parallel_loop3A_581, %parallel_loop3A_583 : vector<16xf32>
          %parallel_loop3A_585 = arith.constant 0x4B400000 : f32
          %parallel_loop3A_586 = vector.broadcast %parallel_loop3A_585 : f32 to vector<16xf32>
          %parallel_loop3A_587 = arith.subf %parallel_loop3A_584, %parallel_loop3A_586 : vector<16xf32>
          %parallel_loop3A_588 = arith.subf %parallel_loop3A_581, %parallel_loop3A_587 : vector<16xf32>
          %parallel_loop3A_589 = tpu.bitcast %parallel_loop3A_584 : vector<16xf32> -> vector<16xi32>
          %parallel_loop3A_590 = arith.constant 1262485377 : i32
          %parallel_loop3A_591 = vector.broadcast %parallel_loop3A_590 : i32 to vector<16xi32>
          %parallel_loop3A_592 = arith.subi %parallel_loop3A_589, %parallel_loop3A_591 : vector<16xi32>
          %parallel_loop3A_593 = arith.constant 23 : i32
          %parallel_loop3A_594 = vector.broadcast %parallel_loop3A_593 : i32 to vector<16xi32>
          %parallel_loop3A_595 = arith.shli %parallel_loop3A_592, %parallel_loop3A_594 : vector<16xi32>
          %parallel_loop3A_596 = tpu.bitcast %parallel_loop3A_595 : vector<16xi32> -> vector<16xf32>
          %parallel_loop3A_597 = arith.constant 0.0555041097 : f32
          %parallel_loop3A_598 = vector.broadcast %parallel_loop3A_597 : f32 to vector<16xf32>
          %parallel_loop3A_599 = arith.mulf %parallel_loop3A_598, %parallel_loop3A_588 : vector<16xf32>
          %parallel_loop3A_600 = arith.constant 0.240226507 : f32
          %parallel_loop3A_601 = vector.broadcast %parallel_loop3A_600 : f32 to vector<16xf32>
          %parallel_loop3A_602 = arith.addf %parallel_loop3A_599, %parallel_loop3A_601 : vector<16xf32>
          %parallel_loop3A_603 = arith.mulf %parallel_loop3A_602, %parallel_loop3A_588 : vector<16xf32>
          %parallel_loop3A_604 = arith.constant 0.693147182 : f32
          %parallel_loop3A_605 = vector.broadcast %parallel_loop3A_604 : f32 to vector<16xf32>
          %parallel_loop3A_606 = arith.addf %parallel_loop3A_603, %parallel_loop3A_605 : vector<16xf32>
          %parallel_loop3A_607 = arith.mulf %parallel_loop3A_606, %parallel_loop3A_588 : vector<16xf32>
          %parallel_loop3A_608 = arith.constant 1.000000e+00 : f32
          %parallel_loop3A_609 = vector.broadcast %parallel_loop3A_608 : f32 to vector<16xf32>
          %parallel_loop3A_610 = arith.addf %parallel_loop3A_607, %parallel_loop3A_609 : vector<16xf32>
          %parallel_loop3A_611 = arith.mulf %parallel_loop3A_610, %parallel_loop3A_596 : vector<16xf32>
          %parallel_loop3A_612 = arith.constant 1.000000e+00 : f32
          %parallel_loop3A_613 = vector.broadcast %parallel_loop3A_612 : f32 to vector<16xf32>
          %parallel_loop3A_614 = arith.addf %parallel_loop3A_611, %parallel_loop3A_613 : vector<16xf32>
          %parallel_loop3A_615 = tpu.bitcast %parallel_loop3A_614 : vector<16xf32> -> vector<16xi32>
          %parallel_loop3A_616 = arith.constant 2129733610 : i32
          %parallel_loop3A_617 = vector.broadcast %parallel_loop3A_616 : i32 to vector<16xi32>
          %parallel_loop3A_618 = arith.subi %parallel_loop3A_617, %parallel_loop3A_615 : vector<16xi32>
          %parallel_loop3A_619 = tpu.bitcast %parallel_loop3A_618 : vector<16xi32> -> vector<16xf32>
          %parallel_loop3A_620 = arith.mulf %parallel_loop3A_614, %parallel_loop3A_619 : vector<16xf32>
          %parallel_loop3A_621 = arith.constant 2.000000e+00 : f32
          %parallel_loop3A_622 = vector.broadcast %parallel_loop3A_621 : f32 to vector<16xf32>
          %parallel_loop3A_623 = arith.subf %parallel_loop3A_622, %parallel_loop3A_620 : vector<16xf32>
          %parallel_loop3A_624 = arith.mulf %parallel_loop3A_619, %parallel_loop3A_623 : vector<16xf32>
          %parallel_loop3A_625 = arith.mulf %parallel_loop3A_572, %parallel_loop3A_624 : vector<16xf32>
          %parallel_loop3A_626 = arith.index_cast %parallel_loop3A_104 : i32 to index
          %parallel_loop3A_627 = arith.constant 112 : index
          %parallel_loop3A_628 = tpu.vector_load %arg12[%parallel_loop3A_626, %parallel_loop3A_627] {strides = array<i32>} : memref<80x128xf32, #tpu.memory_space<vmem>>, vector<1x16xf32>,
          %parallel_loop3A_629 = vector.shape_cast %parallel_loop3A_628 : vector<1x16xf32> to vector<16xf32>
          %parallel_loop3A_630 = vector.shape_cast %parallel_loop3A_625 : vector<16xf32> to vector<1x16xf32>
          tpu.vector_store %arg12[%parallel_loop3A_626, %parallel_loop3A_627], %parallel_loop3A_630 {strides = array<i32>} : memref<80x128xf32, #tpu.memory_space<vmem>>, vector<1x16xf32>,
        } {sc.loop_unroll_factor = 2 : i64, sc.parallel_access}
        %mul3A_97 = arith.constant 80 : i32
        %mul3A_98 = arith.muli %add3A_69, %mul3A_97 : i32
        %add3A_99 = arith.addi %multiple_of3A, %mul3A_98 : i32
        %dma_start3A_100 = arith.constant 0 : i32
        %dma_start3A_101 = tpu.memref_slice %arg7[%add3A_99, %dma_start3A_100] : memref<100000x128xf32, #tpu.memory_space<hbm>> -> memref<80x128xf32, #tpu.memory_space<hbm>>
        %dma_start3A_102 = arith.constant 0 : i32
        %dma_start3A_103 = tpu.memref_slice %arg7[%add3A_99, %dma_start3A_102] : memref<100000x128xf32, #tpu.memory_space<hbm>> -> memref<80x128xf32, #tpu.memory_space<hbm>>
        tpu.enqueue_dma source(%arg12 : memref<80x128xf32, #tpu.memory_space<vmem>>) target(%dma_start3A_103 : memref<80x128xf32, #tpu.memory_space<hbm>>) target_semaphore(%arg17 : memref<!tpu.dma_semaphore, #tpu.memory_space<semaphore_mem>>)
      } else {
      }
      %mul3A_74 = arith.constant 2 : i32
      %mul3A_75 = arith.muli %mul3A_74, %add3A_65 : i32
      %add3A_76 = arith.constant 1 : i32
      %add3A_77 = arith.addi %mul3A_75, %add3A_76 : i32
      %lt3A_78 = arith.cmpi slt, %add3A_77, %add3A_27 : i32
      %convert_element_type3A_79 = arith.extui %lt3A_78 : i1 to i32
      %cond3A_80 = arith.constant 0 : i32
      %cond3A_81 = arith.cmpi ne, %convert_element_type3A_79, %cond3A_80 : i32
      scf.if %cond3A_81 {
        %add3A_82 = arith.constant 1 : i32
        %add3A_83 = arith.addi %add3A_77, %add3A_82 : i32
        %lt3A_84 = arith.cmpi slt, %add3A_83, %add3A_27 : i32
        %convert_element_type3A_85 = arith.extui %lt3A_84 : i1 to i32
        %cond3A_86 = arith.constant 0 : i32
        %cond3A_87 = arith.cmpi ne, %convert_element_type3A_85, %cond3A_86 : i32
        scf.if %cond3A_87 {
          %ge3A = arith.constant 1 : i32
          %ge3A_104 = arith.cmpi sge, %add3A_77, %ge3A : i32
          %convert_element_type3A_105 = arith.extui %ge3A_104 : i1 to i32
          %cond3A_106 = arith.constant 0 : i32
          %cond3A_107 = arith.cmpi ne, %convert_element_type3A_105, %cond3A_106 : i32
          scf.if %cond3A_107 {
            %dma_wait3A_116 = arith.constant 0 : i32
            %dma_wait3A_117 = arith.constant 0 : i32
            %dma_wait3A_118 = tpu.memref_slice %arg7[%dma_wait3A_116, %dma_wait3A_117] : memref<100000x128xf32, #tpu.memory_space<hbm>> -> memref<80x128xf32, #tpu.memory_space<hbm>>
            %dma_wait3A_119 = arith.constant 0 : i32
            %dma_wait3A_120 = arith.constant 0 : i32
            %dma_wait3A_121 = tpu.memref_slice %arg7[%dma_wait3A_119, %dma_wait3A_120] : memref<100000x128xf32, #tpu.memory_space<hbm>> -> memref<80x128xf32, #tpu.memory_space<hbm>>
            tpu.wait_dma2 semaphore(%arg17 : memref<!tpu.dma_semaphore, #tpu.memory_space<semaphore_mem>>) src(%arg12 : memref<80x128xf32, #tpu.memory_space<vmem>>) dst(%dma_wait3A_121 : memref<80x128xf32, #tpu.memory_space<hbm>>)
          } else {
          }
          %add3A_108 = arith.constant 1 : i32
          %add3A_109 = arith.addi %add3A_77, %add3A_108 : i32
          %mul3A_110 = arith.constant 80 : i32
          %mul3A_111 = arith.muli %add3A_109, %mul3A_110 : i32
          %dma_start3A_112 = tpu.memref_slice %arg11[%mul3A_111] : memref<3200xi32, #tpu.memory_space<vmem>> -> memref<80xi32, #tpu.memory_space<vmem>>
          %dma_start3A_113 = arith.constant 0 : i32
          %dma_start3A_114 = arith.constant 0 : i32
          %dma_start3A_115 = tpu.memref_slice %arg5[%dma_start3A_113, %dma_start3A_114] : memref<285x128xf32, #tpu.memory_space<hbm>> -> memref<285x128xf32, #tpu.memory_space<hbm>>
          tpu.enqueue_indirect_dma source(%dma_start3A_115 : memref<285x128xf32, #tpu.memory_space<hbm>>) target(%arg12 : memref<80x128xf32, #tpu.memory_space<vmem>>) offsets(%dma_start3A_112 : memref<80xi32, #tpu.memory_space<vmem>>) semaphore(%arg15 : memref<!tpu.dma_semaphore, #tpu.memory_space<semaphore_mem>>)
        } else {
        }
        %dma_wait3A_88 = arith.constant 0 : i32
        %dma_wait3A_89 = tpu.memref_slice %arg11[%dma_wait3A_88] : memref<3200xi32, #tpu.memory_space<vmem>> -> memref<80xi32, #tpu.memory_space<vmem>>
        %dma_wait3A_90 = arith.constant 0 : i32
        %dma_wait3A_91 = arith.constant 0 : i32
        %dma_wait3A_92 = tpu.memref_slice %arg5[%dma_wait3A_90, %dma_wait3A_91] : memref<285x128xf32, #tpu.memory_space<hbm>> -> memref<285x128xf32, #tpu.memory_space<hbm>>
        tpu.wait_indirect_dma semaphore(%arg16 : memref<!tpu.dma_semaphore, #tpu.memory_space<semaphore_mem>>) src(%dma_wait3A_92 : memref<285x128xf32, #tpu.memory_space<hbm>>) dst(%arg13 : memref<80x128xf32, #tpu.memory_space<vmem>>)
        %mul3A_93 = arith.constant 80 : i32
        %mul3A_94 = arith.muli %add3A_77, %mul3A_93 : i32
        %parallel_loop3A = arith.constant 0 : i32
        %parallel_loop3A_95 = arith.constant 80 : i32
        %parallel_loop3A_96 = arith.constant 1 : i32
        scf.for %parallel_loop3A_104 = %parallel_loop3A to %parallel_loop3A_95 step %parallel_loop3A_96  : i32 {
          %parallel_loop3A_105 = arith.addi %mul3A_94, %parallel_loop3A_104 : i32
          %parallel_loop3A_106 = arith.index_cast %parallel_loop3A_105 : i32 to index
          %parallel_loop3A_107 = tpu.vector_load %arg10[%parallel_loop3A_106] {strides = array<i32>} : memref<3216xf32, #tpu.memory_space<vmem>>, vector<16xf32>,
          %parallel_loop3A_108 = vector.shape_cast %parallel_loop3A_107 : vector<16xf32> to vector<16xf32>
          %parallel_loop3A_109 = vector.extract_strided_slice %parallel_loop3A_108 {offsets = [0], sizes = [1], strides = [1]} : vector<16xf32> to vector<1xf32>
          %parallel_loop3A_110 = vector.extract %parallel_loop3A_109[0] : f32 from vector<1xf32>
          %parallel_loop3A_111 = arith.index_cast %parallel_loop3A_104 : i32 to index
          %parallel_loop3A_112 = arith.constant 0 : index
          %parallel_loop3A_113 = tpu.vector_load %arg13[%parallel_loop3A_111, %parallel_loop3A_112] {strides = array<i32>} : memref<80x128xf32, #tpu.memory_space<vmem>>, vector<1x16xf32>,
          %parallel_loop3A_114 = vector.shape_cast %parallel_loop3A_113 : vector<1x16xf32> to vector<16xf32>
          %parallel_loop3A_115 = vector.broadcast %parallel_loop3A_110 : f32 to vector<16xf32>
          %parallel_loop3A_116 = arith.mulf %parallel_loop3A_115, %get3A_2 : vector<16xf32>
          %parallel_loop3A_117 = arith.addf %parallel_loop3A_114, %parallel_loop3A_116 : vector<16xf32>
          %parallel_loop3A_118 = arith.constant -0.865617037 : f32
          %parallel_loop3A_119 = vector.broadcast %parallel_loop3A_118 : f32 to vector<16xf32>
          %parallel_loop3A_120 = arith.mulf %parallel_loop3A_117, %parallel_loop3A_119 : vector<16xf32>
          %parallel_loop3A_121 = arith.constant -1.260000e+02 : f32
          %parallel_loop3A_122 = vector.broadcast %parallel_loop3A_121 : f32 to vector<16xf32>
          %parallel_loop3A_123 = arith.maximumf %parallel_loop3A_120, %parallel_loop3A_122 : vector<16xf32>
          %parallel_loop3A_124 = arith.constant 1.260000e+02 : f32
          %parallel_loop3A_125 = vector.broadcast %parallel_loop3A_124 : f32 to vector<16xf32>
          %parallel_loop3A_126 = arith.minimumf %parallel_loop3A_123, %parallel_loop3A_125 : vector<16xf32>
          %parallel_loop3A_127 = arith.constant 0x4B400000 : f32
          %parallel_loop3A_128 = vector.broadcast %parallel_loop3A_127 : f32 to vector<16xf32>
          %parallel_loop3A_129 = arith.addf %parallel_loop3A_126, %parallel_loop3A_128 : vector<16xf32>
          %parallel_loop3A_130 = arith.constant 0x4B400000 : f32
          %parallel_loop3A_131 = vector.broadcast %parallel_loop3A_130 : f32 to vector<16xf32>
          %parallel_loop3A_132 = arith.subf %parallel_loop3A_129, %parallel_loop3A_131 : vector<16xf32>
          %parallel_loop3A_133 = arith.subf %parallel_loop3A_126, %parallel_loop3A_132 : vector<16xf32>
          %parallel_loop3A_134 = tpu.bitcast %parallel_loop3A_129 : vector<16xf32> -> vector<16xi32>
          %parallel_loop3A_135 = arith.constant 1262485377 : i32
          %parallel_loop3A_136 = vector.broadcast %parallel_loop3A_135 : i32 to vector<16xi32>
          %parallel_loop3A_137 = arith.subi %parallel_loop3A_134, %parallel_loop3A_136 : vector<16xi32>
          %parallel_loop3A_138 = arith.constant 23 : i32
          %parallel_loop3A_139 = vector.broadcast %parallel_loop3A_138 : i32 to vector<16xi32>
          %parallel_loop3A_140 = arith.shli %parallel_loop3A_137, %parallel_loop3A_139 : vector<16xi32>
          %parallel_loop3A_141 = tpu.bitcast %parallel_loop3A_140 : vector<16xi32> -> vector<16xf32>
          %parallel_loop3A_142 = arith.constant 0.0555041097 : f32
          %parallel_loop3A_143 = vector.broadcast %parallel_loop3A_142 : f32 to vector<16xf32>
          %parallel_loop3A_144 = arith.mulf %parallel_loop3A_143, %parallel_loop3A_133 : vector<16xf32>
          %parallel_loop3A_145 = arith.constant 0.240226507 : f32
          %parallel_loop3A_146 = vector.broadcast %parallel_loop3A_145 : f32 to vector<16xf32>
          %parallel_loop3A_147 = arith.addf %parallel_loop3A_144, %parallel_loop3A_146 : vector<16xf32>
          %parallel_loop3A_148 = arith.mulf %parallel_loop3A_147, %parallel_loop3A_133 : vector<16xf32>
          %parallel_loop3A_149 = arith.constant 0.693147182 : f32
          %parallel_loop3A_150 = vector.broadcast %parallel_loop3A_149 : f32 to vector<16xf32>
          %parallel_loop3A_151 = arith.addf %parallel_loop3A_148, %parallel_loop3A_150 : vector<16xf32>
          %parallel_loop3A_152 = arith.mulf %parallel_loop3A_151, %parallel_loop3A_133 : vector<16xf32>
          %parallel_loop3A_153 = arith.constant 1.000000e+00 : f32
          %parallel_loop3A_154 = vector.broadcast %parallel_loop3A_153 : f32 to vector<16xf32>
          %parallel_loop3A_155 = arith.addf %parallel_loop3A_152, %parallel_loop3A_154 : vector<16xf32>
          %parallel_loop3A_156 = arith.mulf %parallel_loop3A_155, %parallel_loop3A_141 : vector<16xf32>
          %parallel_loop3A_157 = arith.constant 1.000000e+00 : f32
          %parallel_loop3A_158 = vector.broadcast %parallel_loop3A_157 : f32 to vector<16xf32>
          %parallel_loop3A_159 = arith.addf %parallel_loop3A_156, %parallel_loop3A_158 : vector<16xf32>
          %parallel_loop3A_160 = tpu.bitcast %parallel_loop3A_159 : vector<16xf32> -> vector<16xi32>
          %parallel_loop3A_161 = arith.constant 2129733610 : i32
          %parallel_loop3A_162 = vector.broadcast %parallel_loop3A_161 : i32 to vector<16xi32>
          %parallel_loop3A_163 = arith.subi %parallel_loop3A_162, %parallel_loop3A_160 : vector<16xi32>
          %parallel_loop3A_164 = tpu.bitcast %parallel_loop3A_163 : vector<16xi32> -> vector<16xf32>
          %parallel_loop3A_165 = arith.mulf %parallel_loop3A_159, %parallel_loop3A_164 : vector<16xf32>
          %parallel_loop3A_166 = arith.constant 2.000000e+00 : f32
          %parallel_loop3A_167 = vector.broadcast %parallel_loop3A_166 : f32 to vector<16xf32>
          %parallel_loop3A_168 = arith.subf %parallel_loop3A_167, %parallel_loop3A_165 : vector<16xf32>
          %parallel_loop3A_169 = arith.mulf %parallel_loop3A_164, %parallel_loop3A_168 : vector<16xf32>
          %parallel_loop3A_170 = arith.mulf %parallel_loop3A_117, %parallel_loop3A_169 : vector<16xf32>
          %parallel_loop3A_171 = arith.index_cast %parallel_loop3A_104 : i32 to index
          %parallel_loop3A_172 = arith.constant 0 : index
          %parallel_loop3A_173 = tpu.vector_load %arg13[%parallel_loop3A_171, %parallel_loop3A_172] {strides = array<i32>} : memref<80x128xf32, #tpu.memory_space<vmem>>, vector<1x16xf32>,
          %parallel_loop3A_174 = vector.shape_cast %parallel_loop3A_173 : vector<1x16xf32> to vector<16xf32>
          %parallel_loop3A_175 = vector.shape_cast %parallel_loop3A_170 : vector<16xf32> to vector<1x16xf32>
          tpu.vector_store %arg13[%parallel_loop3A_171, %parallel_loop3A_172], %parallel_loop3A_175 {strides = array<i32>} : memref<80x128xf32, #tpu.memory_space<vmem>>, vector<1x16xf32>,
          %parallel_loop3A_176 = arith.index_cast %parallel_loop3A_104 : i32 to index
          %parallel_loop3A_177 = arith.constant 16 : index
          %parallel_loop3A_178 = tpu.vector_load %arg13[%parallel_loop3A_176, %parallel_loop3A_177] {strides = array<i32>} : memref<80x128xf32, #tpu.memory_space<vmem>>, vector<1x16xf32>,
          %parallel_loop3A_179 = vector.shape_cast %parallel_loop3A_178 : vector<1x16xf32> to vector<16xf32>
          %parallel_loop3A_180 = vector.broadcast %parallel_loop3A_110 : f32 to vector<16xf32>
          %parallel_loop3A_181 = arith.mulf %parallel_loop3A_180, %get3A_5 : vector<16xf32>
          %parallel_loop3A_182 = arith.addf %parallel_loop3A_179, %parallel_loop3A_181 : vector<16xf32>
          %parallel_loop3A_183 = arith.constant -0.865617037 : f32
          %parallel_loop3A_184 = vector.broadcast %parallel_loop3A_183 : f32 to vector<16xf32>
          %parallel_loop3A_185 = arith.mulf %parallel_loop3A_182, %parallel_loop3A_184 : vector<16xf32>
          %parallel_loop3A_186 = arith.constant -1.260000e+02 : f32
          %parallel_loop3A_187 = vector.broadcast %parallel_loop3A_186 : f32 to vector<16xf32>
          %parallel_loop3A_188 = arith.maximumf %parallel_loop3A_185, %parallel_loop3A_187 : vector<16xf32>
          %parallel_loop3A_189 = arith.constant 1.260000e+02 : f32
          %parallel_loop3A_190 = vector.broadcast %parallel_loop3A_189 : f32 to vector<16xf32>
          %parallel_loop3A_191 = arith.minimumf %parallel_loop3A_188, %parallel_loop3A_190 : vector<16xf32>
          %parallel_loop3A_192 = arith.constant 0x4B400000 : f32
          %parallel_loop3A_193 = vector.broadcast %parallel_loop3A_192 : f32 to vector<16xf32>
          %parallel_loop3A_194 = arith.addf %parallel_loop3A_191, %parallel_loop3A_193 : vector<16xf32>
          %parallel_loop3A_195 = arith.constant 0x4B400000 : f32
          %parallel_loop3A_196 = vector.broadcast %parallel_loop3A_195 : f32 to vector<16xf32>
          %parallel_loop3A_197 = arith.subf %parallel_loop3A_194, %parallel_loop3A_196 : vector<16xf32>
          %parallel_loop3A_198 = arith.subf %parallel_loop3A_191, %parallel_loop3A_197 : vector<16xf32>
          %parallel_loop3A_199 = tpu.bitcast %parallel_loop3A_194 : vector<16xf32> -> vector<16xi32>
          %parallel_loop3A_200 = arith.constant 1262485377 : i32
          %parallel_loop3A_201 = vector.broadcast %parallel_loop3A_200 : i32 to vector<16xi32>
          %parallel_loop3A_202 = arith.subi %parallel_loop3A_199, %parallel_loop3A_201 : vector<16xi32>
          %parallel_loop3A_203 = arith.constant 23 : i32
          %parallel_loop3A_204 = vector.broadcast %parallel_loop3A_203 : i32 to vector<16xi32>
          %parallel_loop3A_205 = arith.shli %parallel_loop3A_202, %parallel_loop3A_204 : vector<16xi32>
          %parallel_loop3A_206 = tpu.bitcast %parallel_loop3A_205 : vector<16xi32> -> vector<16xf32>
          %parallel_loop3A_207 = arith.constant 0.0555041097 : f32
          %parallel_loop3A_208 = vector.broadcast %parallel_loop3A_207 : f32 to vector<16xf32>
          %parallel_loop3A_209 = arith.mulf %parallel_loop3A_208, %parallel_loop3A_198 : vector<16xf32>
          %parallel_loop3A_210 = arith.constant 0.240226507 : f32
          %parallel_loop3A_211 = vector.broadcast %parallel_loop3A_210 : f32 to vector<16xf32>
          %parallel_loop3A_212 = arith.addf %parallel_loop3A_209, %parallel_loop3A_211 : vector<16xf32>
          %parallel_loop3A_213 = arith.mulf %parallel_loop3A_212, %parallel_loop3A_198 : vector<16xf32>
          %parallel_loop3A_214 = arith.constant 0.693147182 : f32
          %parallel_loop3A_215 = vector.broadcast %parallel_loop3A_214 : f32 to vector<16xf32>
          %parallel_loop3A_216 = arith.addf %parallel_loop3A_213, %parallel_loop3A_215 : vector<16xf32>
          %parallel_loop3A_217 = arith.mulf %parallel_loop3A_216, %parallel_loop3A_198 : vector<16xf32>
          %parallel_loop3A_218 = arith.constant 1.000000e+00 : f32
          %parallel_loop3A_219 = vector.broadcast %parallel_loop3A_218 : f32 to vector<16xf32>
          %parallel_loop3A_220 = arith.addf %parallel_loop3A_217, %parallel_loop3A_219 : vector<16xf32>
          %parallel_loop3A_221 = arith.mulf %parallel_loop3A_220, %parallel_loop3A_206 : vector<16xf32>
          %parallel_loop3A_222 = arith.constant 1.000000e+00 : f32
          %parallel_loop3A_223 = vector.broadcast %parallel_loop3A_222 : f32 to vector<16xf32>
          %parallel_loop3A_224 = arith.addf %parallel_loop3A_221, %parallel_loop3A_223 : vector<16xf32>
          %parallel_loop3A_225 = tpu.bitcast %parallel_loop3A_224 : vector<16xf32> -> vector<16xi32>
          %parallel_loop3A_226 = arith.constant 2129733610 : i32
          %parallel_loop3A_227 = vector.broadcast %parallel_loop3A_226 : i32 to vector<16xi32>
          %parallel_loop3A_228 = arith.subi %parallel_loop3A_227, %parallel_loop3A_225 : vector<16xi32>
          %parallel_loop3A_229 = tpu.bitcast %parallel_loop3A_228 : vector<16xi32> -> vector<16xf32>
          %parallel_loop3A_230 = arith.mulf %parallel_loop3A_224, %parallel_loop3A_229 : vector<16xf32>
          %parallel_loop3A_231 = arith.constant 2.000000e+00 : f32
          %parallel_loop3A_232 = vector.broadcast %parallel_loop3A_231 : f32 to vector<16xf32>
          %parallel_loop3A_233 = arith.subf %parallel_loop3A_232, %parallel_loop3A_230 : vector<16xf32>
          %parallel_loop3A_234 = arith.mulf %parallel_loop3A_229, %parallel_loop3A_233 : vector<16xf32>
          %parallel_loop3A_235 = arith.mulf %parallel_loop3A_182, %parallel_loop3A_234 : vector<16xf32>
          %parallel_loop3A_236 = arith.index_cast %parallel_loop3A_104 : i32 to index
          %parallel_loop3A_237 = arith.constant 16 : index
          %parallel_loop3A_238 = tpu.vector_load %arg13[%parallel_loop3A_236, %parallel_loop3A_237] {strides = array<i32>} : memref<80x128xf32, #tpu.memory_space<vmem>>, vector<1x16xf32>,
          %parallel_loop3A_239 = vector.shape_cast %parallel_loop3A_238 : vector<1x16xf32> to vector<16xf32>
          %parallel_loop3A_240 = vector.shape_cast %parallel_loop3A_235 : vector<16xf32> to vector<1x16xf32>
          tpu.vector_store %arg13[%parallel_loop3A_236, %parallel_loop3A_237], %parallel_loop3A_240 {strides = array<i32>} : memref<80x128xf32, #tpu.memory_space<vmem>>, vector<1x16xf32>,
          %parallel_loop3A_241 = arith.index_cast %parallel_loop3A_104 : i32 to index
          %parallel_loop3A_242 = arith.constant 32 : index
          %parallel_loop3A_243 = tpu.vector_load %arg13[%parallel_loop3A_241, %parallel_loop3A_242] {strides = array<i32>} : memref<80x128xf32, #tpu.memory_space<vmem>>, vector<1x16xf32>,
          %parallel_loop3A_244 = vector.shape_cast %parallel_loop3A_243 : vector<1x16xf32> to vector<16xf32>
          %parallel_loop3A_245 = vector.broadcast %parallel_loop3A_110 : f32 to vector<16xf32>
          %parallel_loop3A_246 = arith.mulf %parallel_loop3A_245, %get3A_8 : vector<16xf32>
          %parallel_loop3A_247 = arith.addf %parallel_loop3A_244, %parallel_loop3A_246 : vector<16xf32>
          %parallel_loop3A_248 = arith.constant -0.865617037 : f32
          %parallel_loop3A_249 = vector.broadcast %parallel_loop3A_248 : f32 to vector<16xf32>
          %parallel_loop3A_250 = arith.mulf %parallel_loop3A_247, %parallel_loop3A_249 : vector<16xf32>
          %parallel_loop3A_251 = arith.constant -1.260000e+02 : f32
          %parallel_loop3A_252 = vector.broadcast %parallel_loop3A_251 : f32 to vector<16xf32>
          %parallel_loop3A_253 = arith.maximumf %parallel_loop3A_250, %parallel_loop3A_252 : vector<16xf32>
          %parallel_loop3A_254 = arith.constant 1.260000e+02 : f32
          %parallel_loop3A_255 = vector.broadcast %parallel_loop3A_254 : f32 to vector<16xf32>
          %parallel_loop3A_256 = arith.minimumf %parallel_loop3A_253, %parallel_loop3A_255 : vector<16xf32>
          %parallel_loop3A_257 = arith.constant 0x4B400000 : f32
          %parallel_loop3A_258 = vector.broadcast %parallel_loop3A_257 : f32 to vector<16xf32>
          %parallel_loop3A_259 = arith.addf %parallel_loop3A_256, %parallel_loop3A_258 : vector<16xf32>
          %parallel_loop3A_260 = arith.constant 0x4B400000 : f32
          %parallel_loop3A_261 = vector.broadcast %parallel_loop3A_260 : f32 to vector<16xf32>
          %parallel_loop3A_262 = arith.subf %parallel_loop3A_259, %parallel_loop3A_261 : vector<16xf32>
          %parallel_loop3A_263 = arith.subf %parallel_loop3A_256, %parallel_loop3A_262 : vector<16xf32>
          %parallel_loop3A_264 = tpu.bitcast %parallel_loop3A_259 : vector<16xf32> -> vector<16xi32>
          %parallel_loop3A_265 = arith.constant 1262485377 : i32
          %parallel_loop3A_266 = vector.broadcast %parallel_loop3A_265 : i32 to vector<16xi32>
          %parallel_loop3A_267 = arith.subi %parallel_loop3A_264, %parallel_loop3A_266 : vector<16xi32>
          %parallel_loop3A_268 = arith.constant 23 : i32
          %parallel_loop3A_269 = vector.broadcast %parallel_loop3A_268 : i32 to vector<16xi32>
          %parallel_loop3A_270 = arith.shli %parallel_loop3A_267, %parallel_loop3A_269 : vector<16xi32>
          %parallel_loop3A_271 = tpu.bitcast %parallel_loop3A_270 : vector<16xi32> -> vector<16xf32>
          %parallel_loop3A_272 = arith.constant 0.0555041097 : f32
          %parallel_loop3A_273 = vector.broadcast %parallel_loop3A_272 : f32 to vector<16xf32>
          %parallel_loop3A_274 = arith.mulf %parallel_loop3A_273, %parallel_loop3A_263 : vector<16xf32>
          %parallel_loop3A_275 = arith.constant 0.240226507 : f32
          %parallel_loop3A_276 = vector.broadcast %parallel_loop3A_275 : f32 to vector<16xf32>
          %parallel_loop3A_277 = arith.addf %parallel_loop3A_274, %parallel_loop3A_276 : vector<16xf32>
          %parallel_loop3A_278 = arith.mulf %parallel_loop3A_277, %parallel_loop3A_263 : vector<16xf32>
          %parallel_loop3A_279 = arith.constant 0.693147182 : f32
          %parallel_loop3A_280 = vector.broadcast %parallel_loop3A_279 : f32 to vector<16xf32>
          %parallel_loop3A_281 = arith.addf %parallel_loop3A_278, %parallel_loop3A_280 : vector<16xf32>
          %parallel_loop3A_282 = arith.mulf %parallel_loop3A_281, %parallel_loop3A_263 : vector<16xf32>
          %parallel_loop3A_283 = arith.constant 1.000000e+00 : f32
          %parallel_loop3A_284 = vector.broadcast %parallel_loop3A_283 : f32 to vector<16xf32>
          %parallel_loop3A_285 = arith.addf %parallel_loop3A_282, %parallel_loop3A_284 : vector<16xf32>
          %parallel_loop3A_286 = arith.mulf %parallel_loop3A_285, %parallel_loop3A_271 : vector<16xf32>
          %parallel_loop3A_287 = arith.constant 1.000000e+00 : f32
          %parallel_loop3A_288 = vector.broadcast %parallel_loop3A_287 : f32 to vector<16xf32>
          %parallel_loop3A_289 = arith.addf %parallel_loop3A_286, %parallel_loop3A_288 : vector<16xf32>
          %parallel_loop3A_290 = tpu.bitcast %parallel_loop3A_289 : vector<16xf32> -> vector<16xi32>
          %parallel_loop3A_291 = arith.constant 2129733610 : i32
          %parallel_loop3A_292 = vector.broadcast %parallel_loop3A_291 : i32 to vector<16xi32>
          %parallel_loop3A_293 = arith.subi %parallel_loop3A_292, %parallel_loop3A_290 : vector<16xi32>
          %parallel_loop3A_294 = tpu.bitcast %parallel_loop3A_293 : vector<16xi32> -> vector<16xf32>
          %parallel_loop3A_295 = arith.mulf %parallel_loop3A_289, %parallel_loop3A_294 : vector<16xf32>
          %parallel_loop3A_296 = arith.constant 2.000000e+00 : f32
          %parallel_loop3A_297 = vector.broadcast %parallel_loop3A_296 : f32 to vector<16xf32>
          %parallel_loop3A_298 = arith.subf %parallel_loop3A_297, %parallel_loop3A_295 : vector<16xf32>
          %parallel_loop3A_299 = arith.mulf %parallel_loop3A_294, %parallel_loop3A_298 : vector<16xf32>
          %parallel_loop3A_300 = arith.mulf %parallel_loop3A_247, %parallel_loop3A_299 : vector<16xf32>
          %parallel_loop3A_301 = arith.index_cast %parallel_loop3A_104 : i32 to index
          %parallel_loop3A_302 = arith.constant 32 : index
          %parallel_loop3A_303 = tpu.vector_load %arg13[%parallel_loop3A_301, %parallel_loop3A_302] {strides = array<i32>} : memref<80x128xf32, #tpu.memory_space<vmem>>, vector<1x16xf32>,
          %parallel_loop3A_304 = vector.shape_cast %parallel_loop3A_303 : vector<1x16xf32> to vector<16xf32>
          %parallel_loop3A_305 = vector.shape_cast %parallel_loop3A_300 : vector<16xf32> to vector<1x16xf32>
          tpu.vector_store %arg13[%parallel_loop3A_301, %parallel_loop3A_302], %parallel_loop3A_305 {strides = array<i32>} : memref<80x128xf32, #tpu.memory_space<vmem>>, vector<1x16xf32>,
          %parallel_loop3A_306 = arith.index_cast %parallel_loop3A_104 : i32 to index
          %parallel_loop3A_307 = arith.constant 48 : index
          %parallel_loop3A_308 = tpu.vector_load %arg13[%parallel_loop3A_306, %parallel_loop3A_307] {strides = array<i32>} : memref<80x128xf32, #tpu.memory_space<vmem>>, vector<1x16xf32>,
          %parallel_loop3A_309 = vector.shape_cast %parallel_loop3A_308 : vector<1x16xf32> to vector<16xf32>
          %parallel_loop3A_310 = vector.broadcast %parallel_loop3A_110 : f32 to vector<16xf32>
          %parallel_loop3A_311 = arith.mulf %parallel_loop3A_310, %get3A_11 : vector<16xf32>
          %parallel_loop3A_312 = arith.addf %parallel_loop3A_309, %parallel_loop3A_311 : vector<16xf32>
          %parallel_loop3A_313 = arith.constant -0.865617037 : f32
          %parallel_loop3A_314 = vector.broadcast %parallel_loop3A_313 : f32 to vector<16xf32>
          %parallel_loop3A_315 = arith.mulf %parallel_loop3A_312, %parallel_loop3A_314 : vector<16xf32>
          %parallel_loop3A_316 = arith.constant -1.260000e+02 : f32
          %parallel_loop3A_317 = vector.broadcast %parallel_loop3A_316 : f32 to vector<16xf32>
          %parallel_loop3A_318 = arith.maximumf %parallel_loop3A_315, %parallel_loop3A_317 : vector<16xf32>
          %parallel_loop3A_319 = arith.constant 1.260000e+02 : f32
          %parallel_loop3A_320 = vector.broadcast %parallel_loop3A_319 : f32 to vector<16xf32>
          %parallel_loop3A_321 = arith.minimumf %parallel_loop3A_318, %parallel_loop3A_320 : vector<16xf32>
          %parallel_loop3A_322 = arith.constant 0x4B400000 : f32
          %parallel_loop3A_323 = vector.broadcast %parallel_loop3A_322 : f32 to vector<16xf32>
          %parallel_loop3A_324 = arith.addf %parallel_loop3A_321, %parallel_loop3A_323 : vector<16xf32>
          %parallel_loop3A_325 = arith.constant 0x4B400000 : f32
          %parallel_loop3A_326 = vector.broadcast %parallel_loop3A_325 : f32 to vector<16xf32>
          %parallel_loop3A_327 = arith.subf %parallel_loop3A_324, %parallel_loop3A_326 : vector<16xf32>
          %parallel_loop3A_328 = arith.subf %parallel_loop3A_321, %parallel_loop3A_327 : vector<16xf32>
          %parallel_loop3A_329 = tpu.bitcast %parallel_loop3A_324 : vector<16xf32> -> vector<16xi32>
          %parallel_loop3A_330 = arith.constant 1262485377 : i32
          %parallel_loop3A_331 = vector.broadcast %parallel_loop3A_330 : i32 to vector<16xi32>
          %parallel_loop3A_332 = arith.subi %parallel_loop3A_329, %parallel_loop3A_331 : vector<16xi32>
          %parallel_loop3A_333 = arith.constant 23 : i32
          %parallel_loop3A_334 = vector.broadcast %parallel_loop3A_333 : i32 to vector<16xi32>
          %parallel_loop3A_335 = arith.shli %parallel_loop3A_332, %parallel_loop3A_334 : vector<16xi32>
          %parallel_loop3A_336 = tpu.bitcast %parallel_loop3A_335 : vector<16xi32> -> vector<16xf32>
          %parallel_loop3A_337 = arith.constant 0.0555041097 : f32
          %parallel_loop3A_338 = vector.broadcast %parallel_loop3A_337 : f32 to vector<16xf32>
          %parallel_loop3A_339 = arith.mulf %parallel_loop3A_338, %parallel_loop3A_328 : vector<16xf32>
          %parallel_loop3A_340 = arith.constant 0.240226507 : f32
          %parallel_loop3A_341 = vector.broadcast %parallel_loop3A_340 : f32 to vector<16xf32>
          %parallel_loop3A_342 = arith.addf %parallel_loop3A_339, %parallel_loop3A_341 : vector<16xf32>
          %parallel_loop3A_343 = arith.mulf %parallel_loop3A_342, %parallel_loop3A_328 : vector<16xf32>
          %parallel_loop3A_344 = arith.constant 0.693147182 : f32
          %parallel_loop3A_345 = vector.broadcast %parallel_loop3A_344 : f32 to vector<16xf32>
          %parallel_loop3A_346 = arith.addf %parallel_loop3A_343, %parallel_loop3A_345 : vector<16xf32>
          %parallel_loop3A_347 = arith.mulf %parallel_loop3A_346, %parallel_loop3A_328 : vector<16xf32>
          %parallel_loop3A_348 = arith.constant 1.000000e+00 : f32
          %parallel_loop3A_349 = vector.broadcast %parallel_loop3A_348 : f32 to vector<16xf32>
          %parallel_loop3A_350 = arith.addf %parallel_loop3A_347, %parallel_loop3A_349 : vector<16xf32>
          %parallel_loop3A_351 = arith.mulf %parallel_loop3A_350, %parallel_loop3A_336 : vector<16xf32>
          %parallel_loop3A_352 = arith.constant 1.000000e+00 : f32
          %parallel_loop3A_353 = vector.broadcast %parallel_loop3A_352 : f32 to vector<16xf32>
          %parallel_loop3A_354 = arith.addf %parallel_loop3A_351, %parallel_loop3A_353 : vector<16xf32>
          %parallel_loop3A_355 = tpu.bitcast %parallel_loop3A_354 : vector<16xf32> -> vector<16xi32>
          %parallel_loop3A_356 = arith.constant 2129733610 : i32
          %parallel_loop3A_357 = vector.broadcast %parallel_loop3A_356 : i32 to vector<16xi32>
          %parallel_loop3A_358 = arith.subi %parallel_loop3A_357, %parallel_loop3A_355 : vector<16xi32>
          %parallel_loop3A_359 = tpu.bitcast %parallel_loop3A_358 : vector<16xi32> -> vector<16xf32>
          %parallel_loop3A_360 = arith.mulf %parallel_loop3A_354, %parallel_loop3A_359 : vector<16xf32>
          %parallel_loop3A_361 = arith.constant 2.000000e+00 : f32
          %parallel_loop3A_362 = vector.broadcast %parallel_loop3A_361 : f32 to vector<16xf32>
          %parallel_loop3A_363 = arith.subf %parallel_loop3A_362, %parallel_loop3A_360 : vector<16xf32>
          %parallel_loop3A_364 = arith.mulf %parallel_loop3A_359, %parallel_loop3A_363 : vector<16xf32>
          %parallel_loop3A_365 = arith.mulf %parallel_loop3A_312, %parallel_loop3A_364 : vector<16xf32>
          %parallel_loop3A_366 = arith.index_cast %parallel_loop3A_104 : i32 to index
          %parallel_loop3A_367 = arith.constant 48 : index
          %parallel_loop3A_368 = tpu.vector_load %arg13[%parallel_loop3A_366, %parallel_loop3A_367] {strides = array<i32>} : memref<80x128xf32, #tpu.memory_space<vmem>>, vector<1x16xf32>,
          %parallel_loop3A_369 = vector.shape_cast %parallel_loop3A_368 : vector<1x16xf32> to vector<16xf32>
          %parallel_loop3A_370 = vector.shape_cast %parallel_loop3A_365 : vector<16xf32> to vector<1x16xf32>
          tpu.vector_store %arg13[%parallel_loop3A_366, %parallel_loop3A_367], %parallel_loop3A_370 {strides = array<i32>} : memref<80x128xf32, #tpu.memory_space<vmem>>, vector<1x16xf32>,
          %parallel_loop3A_371 = arith.index_cast %parallel_loop3A_104 : i32 to index
          %parallel_loop3A_372 = arith.constant 64 : index
          %parallel_loop3A_373 = tpu.vector_load %arg13[%parallel_loop3A_371, %parallel_loop3A_372] {strides = array<i32>} : memref<80x128xf32, #tpu.memory_space<vmem>>, vector<1x16xf32>,
          %parallel_loop3A_374 = vector.shape_cast %parallel_loop3A_373 : vector<1x16xf32> to vector<16xf32>
          %parallel_loop3A_375 = vector.broadcast %parallel_loop3A_110 : f32 to vector<16xf32>
          %parallel_loop3A_376 = arith.mulf %parallel_loop3A_375, %get3A_14 : vector<16xf32>
          %parallel_loop3A_377 = arith.addf %parallel_loop3A_374, %parallel_loop3A_376 : vector<16xf32>
          %parallel_loop3A_378 = arith.constant -0.865617037 : f32
          %parallel_loop3A_379 = vector.broadcast %parallel_loop3A_378 : f32 to vector<16xf32>
          %parallel_loop3A_380 = arith.mulf %parallel_loop3A_377, %parallel_loop3A_379 : vector<16xf32>
          %parallel_loop3A_381 = arith.constant -1.260000e+02 : f32
          %parallel_loop3A_382 = vector.broadcast %parallel_loop3A_381 : f32 to vector<16xf32>
          %parallel_loop3A_383 = arith.maximumf %parallel_loop3A_380, %parallel_loop3A_382 : vector<16xf32>
          %parallel_loop3A_384 = arith.constant 1.260000e+02 : f32
          %parallel_loop3A_385 = vector.broadcast %parallel_loop3A_384 : f32 to vector<16xf32>
          %parallel_loop3A_386 = arith.minimumf %parallel_loop3A_383, %parallel_loop3A_385 : vector<16xf32>
          %parallel_loop3A_387 = arith.constant 0x4B400000 : f32
          %parallel_loop3A_388 = vector.broadcast %parallel_loop3A_387 : f32 to vector<16xf32>
          %parallel_loop3A_389 = arith.addf %parallel_loop3A_386, %parallel_loop3A_388 : vector<16xf32>
          %parallel_loop3A_390 = arith.constant 0x4B400000 : f32
          %parallel_loop3A_391 = vector.broadcast %parallel_loop3A_390 : f32 to vector<16xf32>
          %parallel_loop3A_392 = arith.subf %parallel_loop3A_389, %parallel_loop3A_391 : vector<16xf32>
          %parallel_loop3A_393 = arith.subf %parallel_loop3A_386, %parallel_loop3A_392 : vector<16xf32>
          %parallel_loop3A_394 = tpu.bitcast %parallel_loop3A_389 : vector<16xf32> -> vector<16xi32>
          %parallel_loop3A_395 = arith.constant 1262485377 : i32
          %parallel_loop3A_396 = vector.broadcast %parallel_loop3A_395 : i32 to vector<16xi32>
          %parallel_loop3A_397 = arith.subi %parallel_loop3A_394, %parallel_loop3A_396 : vector<16xi32>
          %parallel_loop3A_398 = arith.constant 23 : i32
          %parallel_loop3A_399 = vector.broadcast %parallel_loop3A_398 : i32 to vector<16xi32>
          %parallel_loop3A_400 = arith.shli %parallel_loop3A_397, %parallel_loop3A_399 : vector<16xi32>
          %parallel_loop3A_401 = tpu.bitcast %parallel_loop3A_400 : vector<16xi32> -> vector<16xf32>
          %parallel_loop3A_402 = arith.constant 0.0555041097 : f32
          %parallel_loop3A_403 = vector.broadcast %parallel_loop3A_402 : f32 to vector<16xf32>
          %parallel_loop3A_404 = arith.mulf %parallel_loop3A_403, %parallel_loop3A_393 : vector<16xf32>
          %parallel_loop3A_405 = arith.constant 0.240226507 : f32
          %parallel_loop3A_406 = vector.broadcast %parallel_loop3A_405 : f32 to vector<16xf32>
          %parallel_loop3A_407 = arith.addf %parallel_loop3A_404, %parallel_loop3A_406 : vector<16xf32>
          %parallel_loop3A_408 = arith.mulf %parallel_loop3A_407, %parallel_loop3A_393 : vector<16xf32>
          %parallel_loop3A_409 = arith.constant 0.693147182 : f32
          %parallel_loop3A_410 = vector.broadcast %parallel_loop3A_409 : f32 to vector<16xf32>
          %parallel_loop3A_411 = arith.addf %parallel_loop3A_408, %parallel_loop3A_410 : vector<16xf32>
          %parallel_loop3A_412 = arith.mulf %parallel_loop3A_411, %parallel_loop3A_393 : vector<16xf32>
          %parallel_loop3A_413 = arith.constant 1.000000e+00 : f32
          %parallel_loop3A_414 = vector.broadcast %parallel_loop3A_413 : f32 to vector<16xf32>
          %parallel_loop3A_415 = arith.addf %parallel_loop3A_412, %parallel_loop3A_414 : vector<16xf32>
          %parallel_loop3A_416 = arith.mulf %parallel_loop3A_415, %parallel_loop3A_401 : vector<16xf32>
          %parallel_loop3A_417 = arith.constant 1.000000e+00 : f32
          %parallel_loop3A_418 = vector.broadcast %parallel_loop3A_417 : f32 to vector<16xf32>
          %parallel_loop3A_419 = arith.addf %parallel_loop3A_416, %parallel_loop3A_418 : vector<16xf32>
          %parallel_loop3A_420 = tpu.bitcast %parallel_loop3A_419 : vector<16xf32> -> vector<16xi32>
          %parallel_loop3A_421 = arith.constant 2129733610 : i32
          %parallel_loop3A_422 = vector.broadcast %parallel_loop3A_421 : i32 to vector<16xi32>
          %parallel_loop3A_423 = arith.subi %parallel_loop3A_422, %parallel_loop3A_420 : vector<16xi32>
          %parallel_loop3A_424 = tpu.bitcast %parallel_loop3A_423 : vector<16xi32> -> vector<16xf32>
          %parallel_loop3A_425 = arith.mulf %parallel_loop3A_419, %parallel_loop3A_424 : vector<16xf32>
          %parallel_loop3A_426 = arith.constant 2.000000e+00 : f32
          %parallel_loop3A_427 = vector.broadcast %parallel_loop3A_426 : f32 to vector<16xf32>
          %parallel_loop3A_428 = arith.subf %parallel_loop3A_427, %parallel_loop3A_425 : vector<16xf32>
          %parallel_loop3A_429 = arith.mulf %parallel_loop3A_424, %parallel_loop3A_428 : vector<16xf32>
          %parallel_loop3A_430 = arith.mulf %parallel_loop3A_377, %parallel_loop3A_429 : vector<16xf32>
          %parallel_loop3A_431 = arith.index_cast %parallel_loop3A_104 : i32 to index
          %parallel_loop3A_432 = arith.constant 64 : index
          %parallel_loop3A_433 = tpu.vector_load %arg13[%parallel_loop3A_431, %parallel_loop3A_432] {strides = array<i32>} : memref<80x128xf32, #tpu.memory_space<vmem>>, vector<1x16xf32>,
          %parallel_loop3A_434 = vector.shape_cast %parallel_loop3A_433 : vector<1x16xf32> to vector<16xf32>
          %parallel_loop3A_435 = vector.shape_cast %parallel_loop3A_430 : vector<16xf32> to vector<1x16xf32>
          tpu.vector_store %arg13[%parallel_loop3A_431, %parallel_loop3A_432], %parallel_loop3A_435 {strides = array<i32>} : memref<80x128xf32, #tpu.memory_space<vmem>>, vector<1x16xf32>,
          %parallel_loop3A_436 = arith.index_cast %parallel_loop3A_104 : i32 to index
          %parallel_loop3A_437 = arith.constant 80 : index
          %parallel_loop3A_438 = tpu.vector_load %arg13[%parallel_loop3A_436, %parallel_loop3A_437] {strides = array<i32>} : memref<80x128xf32, #tpu.memory_space<vmem>>, vector<1x16xf32>,
          %parallel_loop3A_439 = vector.shape_cast %parallel_loop3A_438 : vector<1x16xf32> to vector<16xf32>
          %parallel_loop3A_440 = vector.broadcast %parallel_loop3A_110 : f32 to vector<16xf32>
          %parallel_loop3A_441 = arith.mulf %parallel_loop3A_440, %get3A_17 : vector<16xf32>
          %parallel_loop3A_442 = arith.addf %parallel_loop3A_439, %parallel_loop3A_441 : vector<16xf32>
          %parallel_loop3A_443 = arith.constant -0.865617037 : f32
          %parallel_loop3A_444 = vector.broadcast %parallel_loop3A_443 : f32 to vector<16xf32>
          %parallel_loop3A_445 = arith.mulf %parallel_loop3A_442, %parallel_loop3A_444 : vector<16xf32>
          %parallel_loop3A_446 = arith.constant -1.260000e+02 : f32
          %parallel_loop3A_447 = vector.broadcast %parallel_loop3A_446 : f32 to vector<16xf32>
          %parallel_loop3A_448 = arith.maximumf %parallel_loop3A_445, %parallel_loop3A_447 : vector<16xf32>
          %parallel_loop3A_449 = arith.constant 1.260000e+02 : f32
          %parallel_loop3A_450 = vector.broadcast %parallel_loop3A_449 : f32 to vector<16xf32>
          %parallel_loop3A_451 = arith.minimumf %parallel_loop3A_448, %parallel_loop3A_450 : vector<16xf32>
          %parallel_loop3A_452 = arith.constant 0x4B400000 : f32
          %parallel_loop3A_453 = vector.broadcast %parallel_loop3A_452 : f32 to vector<16xf32>
          %parallel_loop3A_454 = arith.addf %parallel_loop3A_451, %parallel_loop3A_453 : vector<16xf32>
          %parallel_loop3A_455 = arith.constant 0x4B400000 : f32
          %parallel_loop3A_456 = vector.broadcast %parallel_loop3A_455 : f32 to vector<16xf32>
          %parallel_loop3A_457 = arith.subf %parallel_loop3A_454, %parallel_loop3A_456 : vector<16xf32>
          %parallel_loop3A_458 = arith.subf %parallel_loop3A_451, %parallel_loop3A_457 : vector<16xf32>
          %parallel_loop3A_459 = tpu.bitcast %parallel_loop3A_454 : vector<16xf32> -> vector<16xi32>
          %parallel_loop3A_460 = arith.constant 1262485377 : i32
          %parallel_loop3A_461 = vector.broadcast %parallel_loop3A_460 : i32 to vector<16xi32>
          %parallel_loop3A_462 = arith.subi %parallel_loop3A_459, %parallel_loop3A_461 : vector<16xi32>
          %parallel_loop3A_463 = arith.constant 23 : i32
          %parallel_loop3A_464 = vector.broadcast %parallel_loop3A_463 : i32 to vector<16xi32>
          %parallel_loop3A_465 = arith.shli %parallel_loop3A_462, %parallel_loop3A_464 : vector<16xi32>
          %parallel_loop3A_466 = tpu.bitcast %parallel_loop3A_465 : vector<16xi32> -> vector<16xf32>
          %parallel_loop3A_467 = arith.constant 0.0555041097 : f32
          %parallel_loop3A_468 = vector.broadcast %parallel_loop3A_467 : f32 to vector<16xf32>
          %parallel_loop3A_469 = arith.mulf %parallel_loop3A_468, %parallel_loop3A_458 : vector<16xf32>
          %parallel_loop3A_470 = arith.constant 0.240226507 : f32
          %parallel_loop3A_471 = vector.broadcast %parallel_loop3A_470 : f32 to vector<16xf32>
          %parallel_loop3A_472 = arith.addf %parallel_loop3A_469, %parallel_loop3A_471 : vector<16xf32>
          %parallel_loop3A_473 = arith.mulf %parallel_loop3A_472, %parallel_loop3A_458 : vector<16xf32>
          %parallel_loop3A_474 = arith.constant 0.693147182 : f32
          %parallel_loop3A_475 = vector.broadcast %parallel_loop3A_474 : f32 to vector<16xf32>
          %parallel_loop3A_476 = arith.addf %parallel_loop3A_473, %parallel_loop3A_475 : vector<16xf32>
          %parallel_loop3A_477 = arith.mulf %parallel_loop3A_476, %parallel_loop3A_458 : vector<16xf32>
          %parallel_loop3A_478 = arith.constant 1.000000e+00 : f32
          %parallel_loop3A_479 = vector.broadcast %parallel_loop3A_478 : f32 to vector<16xf32>
          %parallel_loop3A_480 = arith.addf %parallel_loop3A_477, %parallel_loop3A_479 : vector<16xf32>
          %parallel_loop3A_481 = arith.mulf %parallel_loop3A_480, %parallel_loop3A_466 : vector<16xf32>
          %parallel_loop3A_482 = arith.constant 1.000000e+00 : f32
          %parallel_loop3A_483 = vector.broadcast %parallel_loop3A_482 : f32 to vector<16xf32>
          %parallel_loop3A_484 = arith.addf %parallel_loop3A_481, %parallel_loop3A_483 : vector<16xf32>
          %parallel_loop3A_485 = tpu.bitcast %parallel_loop3A_484 : vector<16xf32> -> vector<16xi32>
          %parallel_loop3A_486 = arith.constant 2129733610 : i32
          %parallel_loop3A_487 = vector.broadcast %parallel_loop3A_486 : i32 to vector<16xi32>
          %parallel_loop3A_488 = arith.subi %parallel_loop3A_487, %parallel_loop3A_485 : vector<16xi32>
          %parallel_loop3A_489 = tpu.bitcast %parallel_loop3A_488 : vector<16xi32> -> vector<16xf32>
          %parallel_loop3A_490 = arith.mulf %parallel_loop3A_484, %parallel_loop3A_489 : vector<16xf32>
          %parallel_loop3A_491 = arith.constant 2.000000e+00 : f32
          %parallel_loop3A_492 = vector.broadcast %parallel_loop3A_491 : f32 to vector<16xf32>
          %parallel_loop3A_493 = arith.subf %parallel_loop3A_492, %parallel_loop3A_490 : vector<16xf32>
          %parallel_loop3A_494 = arith.mulf %parallel_loop3A_489, %parallel_loop3A_493 : vector<16xf32>
          %parallel_loop3A_495 = arith.mulf %parallel_loop3A_442, %parallel_loop3A_494 : vector<16xf32>
          %parallel_loop3A_496 = arith.index_cast %parallel_loop3A_104 : i32 to index
          %parallel_loop3A_497 = arith.constant 80 : index
          %parallel_loop3A_498 = tpu.vector_load %arg13[%parallel_loop3A_496, %parallel_loop3A_497] {strides = array<i32>} : memref<80x128xf32, #tpu.memory_space<vmem>>, vector<1x16xf32>,
          %parallel_loop3A_499 = vector.shape_cast %parallel_loop3A_498 : vector<1x16xf32> to vector<16xf32>
          %parallel_loop3A_500 = vector.shape_cast %parallel_loop3A_495 : vector<16xf32> to vector<1x16xf32>
          tpu.vector_store %arg13[%parallel_loop3A_496, %parallel_loop3A_497], %parallel_loop3A_500 {strides = array<i32>} : memref<80x128xf32, #tpu.memory_space<vmem>>, vector<1x16xf32>,
          %parallel_loop3A_501 = arith.index_cast %parallel_loop3A_104 : i32 to index
          %parallel_loop3A_502 = arith.constant 96 : index
          %parallel_loop3A_503 = tpu.vector_load %arg13[%parallel_loop3A_501, %parallel_loop3A_502] {strides = array<i32>} : memref<80x128xf32, #tpu.memory_space<vmem>>, vector<1x16xf32>,
          %parallel_loop3A_504 = vector.shape_cast %parallel_loop3A_503 : vector<1x16xf32> to vector<16xf32>
          %parallel_loop3A_505 = vector.broadcast %parallel_loop3A_110 : f32 to vector<16xf32>
          %parallel_loop3A_506 = arith.mulf %parallel_loop3A_505, %get3A_20 : vector<16xf32>
          %parallel_loop3A_507 = arith.addf %parallel_loop3A_504, %parallel_loop3A_506 : vector<16xf32>
          %parallel_loop3A_508 = arith.constant -0.865617037 : f32
          %parallel_loop3A_509 = vector.broadcast %parallel_loop3A_508 : f32 to vector<16xf32>
          %parallel_loop3A_510 = arith.mulf %parallel_loop3A_507, %parallel_loop3A_509 : vector<16xf32>
          %parallel_loop3A_511 = arith.constant -1.260000e+02 : f32
          %parallel_loop3A_512 = vector.broadcast %parallel_loop3A_511 : f32 to vector<16xf32>
          %parallel_loop3A_513 = arith.maximumf %parallel_loop3A_510, %parallel_loop3A_512 : vector<16xf32>
          %parallel_loop3A_514 = arith.constant 1.260000e+02 : f32
          %parallel_loop3A_515 = vector.broadcast %parallel_loop3A_514 : f32 to vector<16xf32>
          %parallel_loop3A_516 = arith.minimumf %parallel_loop3A_513, %parallel_loop3A_515 : vector<16xf32>
          %parallel_loop3A_517 = arith.constant 0x4B400000 : f32
          %parallel_loop3A_518 = vector.broadcast %parallel_loop3A_517 : f32 to vector<16xf32>
          %parallel_loop3A_519 = arith.addf %parallel_loop3A_516, %parallel_loop3A_518 : vector<16xf32>
          %parallel_loop3A_520 = arith.constant 0x4B400000 : f32
          %parallel_loop3A_521 = vector.broadcast %parallel_loop3A_520 : f32 to vector<16xf32>
          %parallel_loop3A_522 = arith.subf %parallel_loop3A_519, %parallel_loop3A_521 : vector<16xf32>
          %parallel_loop3A_523 = arith.subf %parallel_loop3A_516, %parallel_loop3A_522 : vector<16xf32>
          %parallel_loop3A_524 = tpu.bitcast %parallel_loop3A_519 : vector<16xf32> -> vector<16xi32>
          %parallel_loop3A_525 = arith.constant 1262485377 : i32
          %parallel_loop3A_526 = vector.broadcast %parallel_loop3A_525 : i32 to vector<16xi32>
          %parallel_loop3A_527 = arith.subi %parallel_loop3A_524, %parallel_loop3A_526 : vector<16xi32>
          %parallel_loop3A_528 = arith.constant 23 : i32
          %parallel_loop3A_529 = vector.broadcast %parallel_loop3A_528 : i32 to vector<16xi32>
          %parallel_loop3A_530 = arith.shli %parallel_loop3A_527, %parallel_loop3A_529 : vector<16xi32>
          %parallel_loop3A_531 = tpu.bitcast %parallel_loop3A_530 : vector<16xi32> -> vector<16xf32>
          %parallel_loop3A_532 = arith.constant 0.0555041097 : f32
          %parallel_loop3A_533 = vector.broadcast %parallel_loop3A_532 : f32 to vector<16xf32>
          %parallel_loop3A_534 = arith.mulf %parallel_loop3A_533, %parallel_loop3A_523 : vector<16xf32>
          %parallel_loop3A_535 = arith.constant 0.240226507 : f32
          %parallel_loop3A_536 = vector.broadcast %parallel_loop3A_535 : f32 to vector<16xf32>
          %parallel_loop3A_537 = arith.addf %parallel_loop3A_534, %parallel_loop3A_536 : vector<16xf32>
          %parallel_loop3A_538 = arith.mulf %parallel_loop3A_537, %parallel_loop3A_523 : vector<16xf32>
          %parallel_loop3A_539 = arith.constant 0.693147182 : f32
          %parallel_loop3A_540 = vector.broadcast %parallel_loop3A_539 : f32 to vector<16xf32>
          %parallel_loop3A_541 = arith.addf %parallel_loop3A_538, %parallel_loop3A_540 : vector<16xf32>
          %parallel_loop3A_542 = arith.mulf %parallel_loop3A_541, %parallel_loop3A_523 : vector<16xf32>
          %parallel_loop3A_543 = arith.constant 1.000000e+00 : f32
          %parallel_loop3A_544 = vector.broadcast %parallel_loop3A_543 : f32 to vector<16xf32>
          %parallel_loop3A_545 = arith.addf %parallel_loop3A_542, %parallel_loop3A_544 : vector<16xf32>
          %parallel_loop3A_546 = arith.mulf %parallel_loop3A_545, %parallel_loop3A_531 : vector<16xf32>
          %parallel_loop3A_547 = arith.constant 1.000000e+00 : f32
          %parallel_loop3A_548 = vector.broadcast %parallel_loop3A_547 : f32 to vector<16xf32>
          %parallel_loop3A_549 = arith.addf %parallel_loop3A_546, %parallel_loop3A_548 : vector<16xf32>
          %parallel_loop3A_550 = tpu.bitcast %parallel_loop3A_549 : vector<16xf32> -> vector<16xi32>
          %parallel_loop3A_551 = arith.constant 2129733610 : i32
          %parallel_loop3A_552 = vector.broadcast %parallel_loop3A_551 : i32 to vector<16xi32>
          %parallel_loop3A_553 = arith.subi %parallel_loop3A_552, %parallel_loop3A_550 : vector<16xi32>
          %parallel_loop3A_554 = tpu.bitcast %parallel_loop3A_553 : vector<16xi32> -> vector<16xf32>
          %parallel_loop3A_555 = arith.mulf %parallel_loop3A_549, %parallel_loop3A_554 : vector<16xf32>
          %parallel_loop3A_556 = arith.constant 2.000000e+00 : f32
          %parallel_loop3A_557 = vector.broadcast %parallel_loop3A_556 : f32 to vector<16xf32>
          %parallel_loop3A_558 = arith.subf %parallel_loop3A_557, %parallel_loop3A_555 : vector<16xf32>
          %parallel_loop3A_559 = arith.mulf %parallel_loop3A_554, %parallel_loop3A_558 : vector<16xf32>
          %parallel_loop3A_560 = arith.mulf %parallel_loop3A_507, %parallel_loop3A_559 : vector<16xf32>
          %parallel_loop3A_561 = arith.index_cast %parallel_loop3A_104 : i32 to index
          %parallel_loop3A_562 = arith.constant 96 : index
          %parallel_loop3A_563 = tpu.vector_load %arg13[%parallel_loop3A_561, %parallel_loop3A_562] {strides = array<i32>} : memref<80x128xf32, #tpu.memory_space<vmem>>, vector<1x16xf32>,
          %parallel_loop3A_564 = vector.shape_cast %parallel_loop3A_563 : vector<1x16xf32> to vector<16xf32>
          %parallel_loop3A_565 = vector.shape_cast %parallel_loop3A_560 : vector<16xf32> to vector<1x16xf32>
          tpu.vector_store %arg13[%parallel_loop3A_561, %parallel_loop3A_562], %parallel_loop3A_565 {strides = array<i32>} : memref<80x128xf32, #tpu.memory_space<vmem>>, vector<1x16xf32>,
          %parallel_loop3A_566 = arith.index_cast %parallel_loop3A_104 : i32 to index
          %parallel_loop3A_567 = arith.constant 112 : index
          %parallel_loop3A_568 = tpu.vector_load %arg13[%parallel_loop3A_566, %parallel_loop3A_567] {strides = array<i32>} : memref<80x128xf32, #tpu.memory_space<vmem>>, vector<1x16xf32>,
          %parallel_loop3A_569 = vector.shape_cast %parallel_loop3A_568 : vector<1x16xf32> to vector<16xf32>
          %parallel_loop3A_570 = vector.broadcast %parallel_loop3A_110 : f32 to vector<16xf32>
          %parallel_loop3A_571 = arith.mulf %parallel_loop3A_570, %get3A_23 : vector<16xf32>
          %parallel_loop3A_572 = arith.addf %parallel_loop3A_569, %parallel_loop3A_571 : vector<16xf32>
          %parallel_loop3A_573 = arith.constant -0.865617037 : f32
          %parallel_loop3A_574 = vector.broadcast %parallel_loop3A_573 : f32 to vector<16xf32>
          %parallel_loop3A_575 = arith.mulf %parallel_loop3A_572, %parallel_loop3A_574 : vector<16xf32>
          %parallel_loop3A_576 = arith.constant -1.260000e+02 : f32
          %parallel_loop3A_577 = vector.broadcast %parallel_loop3A_576 : f32 to vector<16xf32>
          %parallel_loop3A_578 = arith.maximumf %parallel_loop3A_575, %parallel_loop3A_577 : vector<16xf32>
          %parallel_loop3A_579 = arith.constant 1.260000e+02 : f32
          %parallel_loop3A_580 = vector.broadcast %parallel_loop3A_579 : f32 to vector<16xf32>
          %parallel_loop3A_581 = arith.minimumf %parallel_loop3A_578, %parallel_loop3A_580 : vector<16xf32>
          %parallel_loop3A_582 = arith.constant 0x4B400000 : f32
          %parallel_loop3A_583 = vector.broadcast %parallel_loop3A_582 : f32 to vector<16xf32>
          %parallel_loop3A_584 = arith.addf %parallel_loop3A_581, %parallel_loop3A_583 : vector<16xf32>
          %parallel_loop3A_585 = arith.constant 0x4B400000 : f32
          %parallel_loop3A_586 = vector.broadcast %parallel_loop3A_585 : f32 to vector<16xf32>
          %parallel_loop3A_587 = arith.subf %parallel_loop3A_584, %parallel_loop3A_586 : vector<16xf32>
          %parallel_loop3A_588 = arith.subf %parallel_loop3A_581, %parallel_loop3A_587 : vector<16xf32>
          %parallel_loop3A_589 = tpu.bitcast %parallel_loop3A_584 : vector<16xf32> -> vector<16xi32>
          %parallel_loop3A_590 = arith.constant 1262485377 : i32
          %parallel_loop3A_591 = vector.broadcast %parallel_loop3A_590 : i32 to vector<16xi32>
          %parallel_loop3A_592 = arith.subi %parallel_loop3A_589, %parallel_loop3A_591 : vector<16xi32>
          %parallel_loop3A_593 = arith.constant 23 : i32
          %parallel_loop3A_594 = vector.broadcast %parallel_loop3A_593 : i32 to vector<16xi32>
          %parallel_loop3A_595 = arith.shli %parallel_loop3A_592, %parallel_loop3A_594 : vector<16xi32>
          %parallel_loop3A_596 = tpu.bitcast %parallel_loop3A_595 : vector<16xi32> -> vector<16xf32>
          %parallel_loop3A_597 = arith.constant 0.0555041097 : f32
          %parallel_loop3A_598 = vector.broadcast %parallel_loop3A_597 : f32 to vector<16xf32>
          %parallel_loop3A_599 = arith.mulf %parallel_loop3A_598, %parallel_loop3A_588 : vector<16xf32>
          %parallel_loop3A_600 = arith.constant 0.240226507 : f32
          %parallel_loop3A_601 = vector.broadcast %parallel_loop3A_600 : f32 to vector<16xf32>
          %parallel_loop3A_602 = arith.addf %parallel_loop3A_599, %parallel_loop3A_601 : vector<16xf32>
          %parallel_loop3A_603 = arith.mulf %parallel_loop3A_602, %parallel_loop3A_588 : vector<16xf32>
          %parallel_loop3A_604 = arith.constant 0.693147182 : f32
          %parallel_loop3A_605 = vector.broadcast %parallel_loop3A_604 : f32 to vector<16xf32>
          %parallel_loop3A_606 = arith.addf %parallel_loop3A_603, %parallel_loop3A_605 : vector<16xf32>
          %parallel_loop3A_607 = arith.mulf %parallel_loop3A_606, %parallel_loop3A_588 : vector<16xf32>
          %parallel_loop3A_608 = arith.constant 1.000000e+00 : f32
          %parallel_loop3A_609 = vector.broadcast %parallel_loop3A_608 : f32 to vector<16xf32>
          %parallel_loop3A_610 = arith.addf %parallel_loop3A_607, %parallel_loop3A_609 : vector<16xf32>
          %parallel_loop3A_611 = arith.mulf %parallel_loop3A_610, %parallel_loop3A_596 : vector<16xf32>
          %parallel_loop3A_612 = arith.constant 1.000000e+00 : f32
          %parallel_loop3A_613 = vector.broadcast %parallel_loop3A_612 : f32 to vector<16xf32>
          %parallel_loop3A_614 = arith.addf %parallel_loop3A_611, %parallel_loop3A_613 : vector<16xf32>
          %parallel_loop3A_615 = tpu.bitcast %parallel_loop3A_614 : vector<16xf32> -> vector<16xi32>
          %parallel_loop3A_616 = arith.constant 2129733610 : i32
          %parallel_loop3A_617 = vector.broadcast %parallel_loop3A_616 : i32 to vector<16xi32>
          %parallel_loop3A_618 = arith.subi %parallel_loop3A_617, %parallel_loop3A_615 : vector<16xi32>
          %parallel_loop3A_619 = tpu.bitcast %parallel_loop3A_618 : vector<16xi32> -> vector<16xf32>
          %parallel_loop3A_620 = arith.mulf %parallel_loop3A_614, %parallel_loop3A_619 : vector<16xf32>
          %parallel_loop3A_621 = arith.constant 2.000000e+00 : f32
          %parallel_loop3A_622 = vector.broadcast %parallel_loop3A_621 : f32 to vector<16xf32>
          %parallel_loop3A_623 = arith.subf %parallel_loop3A_622, %parallel_loop3A_620 : vector<16xf32>
          %parallel_loop3A_624 = arith.mulf %parallel_loop3A_619, %parallel_loop3A_623 : vector<16xf32>
          %parallel_loop3A_625 = arith.mulf %parallel_loop3A_572, %parallel_loop3A_624 : vector<16xf32>
          %parallel_loop3A_626 = arith.index_cast %parallel_loop3A_104 : i32 to index
          %parallel_loop3A_627 = arith.constant 112 : index
          %parallel_loop3A_628 = tpu.vector_load %arg13[%parallel_loop3A_626, %parallel_loop3A_627] {strides = array<i32>} : memref<80x128xf32, #tpu.memory_space<vmem>>, vector<1x16xf32>,
          %parallel_loop3A_629 = vector.shape_cast %parallel_loop3A_628 : vector<1x16xf32> to vector<16xf32>
          %parallel_loop3A_630 = vector.shape_cast %parallel_loop3A_625 : vector<16xf32> to vector<1x16xf32>
          tpu.vector_store %arg13[%parallel_loop3A_626, %parallel_loop3A_627], %parallel_loop3A_630 {strides = array<i32>} : memref<80x128xf32, #tpu.memory_space<vmem>>, vector<1x16xf32>,
        } {sc.loop_unroll_factor = 2 : i64, sc.parallel_access}
        %mul3A_97 = arith.constant 80 : i32
        %mul3A_98 = arith.muli %add3A_77, %mul3A_97 : i32
        %add3A_99 = arith.addi %multiple_of3A, %mul3A_98 : i32
        %dma_start3A_100 = arith.constant 0 : i32
        %dma_start3A_101 = tpu.memref_slice %arg7[%add3A_99, %dma_start3A_100] : memref<100000x128xf32, #tpu.memory_space<hbm>> -> memref<80x128xf32, #tpu.memory_space<hbm>>
        %dma_start3A_102 = arith.constant 0 : i32
        %dma_start3A_103 = tpu.memref_slice %arg7[%add3A_99, %dma_start3A_102] : memref<100000x128xf32, #tpu.memory_space<hbm>> -> memref<80x128xf32, #tpu.memory_space<hbm>>
        tpu.enqueue_dma source(%arg13 : memref<80x128xf32, #tpu.memory_space<vmem>>) target(%dma_start3A_103 : memref<80x128xf32, #tpu.memory_space<hbm>>) target_semaphore(%arg18 : memref<!tpu.dma_semaphore, #tpu.memory_space<semaphore_mem>>)
      } else {
      }
    }
    %scan3A_49 = arith.constant 20 : i32
    %dma_wait3A = arith.constant 0 : i32
    %dma_wait3A_50 = arith.constant 0 : i32
    %dma_wait3A_51 = tpu.memref_slice %arg7[%dma_wait3A, %dma_wait3A_50] : memref<100000x128xf32, #tpu.memory_space<hbm>> -> memref<80x128xf32, #tpu.memory_space<hbm>>
    %dma_wait3A_52 = arith.constant 0 : i32
    %dma_wait3A_53 = arith.constant 0 : i32
    %dma_wait3A_54 = tpu.memref_slice %arg7[%dma_wait3A_52, %dma_wait3A_53] : memref<100000x128xf32, #tpu.memory_space<hbm>> -> memref<80x128xf32, #tpu.memory_space<hbm>>
    tpu.wait_dma2 semaphore(%arg17 : memref<!tpu.dma_semaphore, #tpu.memory_space<semaphore_mem>>) src(%arg12 : memref<80x128xf32, #tpu.memory_space<vmem>>) dst(%dma_wait3A_54 : memref<80x128xf32, #tpu.memory_space<hbm>>)
    %dma_wait3A_55 = arith.constant 0 : i32
    %dma_wait3A_56 = arith.constant 0 : i32
    %dma_wait3A_57 = tpu.memref_slice %arg7[%dma_wait3A_55, %dma_wait3A_56] : memref<100000x128xf32, #tpu.memory_space<hbm>> -> memref<80x128xf32, #tpu.memory_space<hbm>>
    %dma_wait3A_58 = arith.constant 0 : i32
    %dma_wait3A_59 = arith.constant 0 : i32
    %dma_wait3A_60 = tpu.memref_slice %arg7[%dma_wait3A_58, %dma_wait3A_59] : memref<100000x128xf32, #tpu.memory_space<hbm>> -> memref<80x128xf32, #tpu.memory_space<hbm>>
    tpu.wait_dma2 semaphore(%arg18 : memref<!tpu.dma_semaphore, #tpu.memory_space<semaphore_mem>>) src(%arg13 : memref<80x128xf32, #tpu.memory_space<vmem>>) dst(%dma_wait3A_60 : memref<80x128xf32, #tpu.memory_space<hbm>>)
    return
  }
}

module attributes {stable_mosaic.version = 14 : i64} {
  func.func @_prep_body(%arg0: memref<95x128xf32, #tpu.memory_space<vmem>>, %arg1: memref<128x128xf32, #tpu.memory_space<vmem>>, %arg2: memref<4x128xf32, #tpu.memory_space<vmem>>, %arg3: memref<3x4xf32, #tpu.memory_space<vmem>>, %arg4: memref<1x4xf32, #tpu.memory_space<vmem>>, %arg5: memref<1x4xf32, #tpu.memory_space<vmem>>, %arg6: memref<1x128xf32, #tpu.memory_space<vmem>>, %arg7: memref<285x95xf32, #tpu.memory_space<vmem>>, %arg8: memref<285x3xf32, #tpu.memory_space<vmem>>, %arg9: memref<285x128xf32, #tpu.memory_space<vmem>>, %arg10: memref<1x128xf32, #tpu.memory_space<vmem>>) attributes {dimension_semantics = [], scalar_prefetch = 0 : i64, scratch_operands = 0 : i64, tpu.core_type = #tpu.core_type<tc>} {
    %get3A = arith.constant 0 : index
    %get3A_0 = arith.constant 0 : index
    %get3A_1 = vector.load %arg0[%get3A, %get3A_0] : memref<95x128xf32, #tpu.memory_space<vmem>>, vector<95x128xf32>
    %get3A_2 = arith.constant 0 : index
    %get3A_3 = arith.constant 0 : index
    %get3A_4 = vector.load %arg1[%get3A_2, %get3A_3] : memref<128x128xf32, #tpu.memory_space<vmem>>, vector<128x128xf32>
    %dot_general3A = arith.constant dense<0.000000e+00> : vector<95x128xf32>
    %dot_general3A_5 = tpu.matmul %get3A_1, %get3A_4, %dot_general3A {dimension_numbers = #tpu.dot_dimension_numbers<[1], [0], [0], [1], [0, 0, 1, 1], [], []>, transpose_lhs_hint = false} : vector<95x128xf32>, vector<128x128xf32>, vector<95x128xf32> -> vector<95x128xf32>
    %get3A_6 = arith.constant 0 : index
    %get3A_7 = arith.constant 0 : index
    %get3A_8 = vector.load %arg3[%get3A_6, %get3A_7] : memref<3x4xf32, #tpu.memory_space<vmem>>, vector<3x4xf32>
    %get3A_9 = arith.constant 0 : index
    %get3A_10 = arith.constant 0 : index
    %get3A_11 = vector.load %arg2[%get3A_9, %get3A_10] : memref<4x128xf32, #tpu.memory_space<vmem>>, vector<4x128xf32>
    %dot_general3A_12 = arith.constant dense<0.000000e+00> : vector<3x128xf32>
    %dot_general3A_13 = tpu.matmul %get3A_8, %get3A_11, %dot_general3A_12 {dimension_numbers = #tpu.dot_dimension_numbers<[1], [0], [0], [1], [0, 0, 1, 1], [], []>, transpose_lhs_hint = false} : vector<3x4xf32>, vector<4x128xf32>, vector<3x128xf32> -> vector<3x128xf32>
    %get3A_14 = arith.constant 0 : index
    %get3A_15 = arith.constant 0 : index
    %get3A_16 = vector.load %arg5[%get3A_14, %get3A_15] : memref<1x4xf32, #tpu.memory_space<vmem>>, vector<1x4xf32>
    %get3A_17 = arith.constant 0 : index
    %get3A_18 = arith.constant 0 : index
    %get3A_19 = vector.load %arg2[%get3A_17, %get3A_18] : memref<4x128xf32, #tpu.memory_space<vmem>>, vector<4x128xf32>
    %dot_general3A_20 = arith.constant dense<0.000000e+00> : vector<1x128xf32>
    %dot_general3A_21 = tpu.matmul %get3A_16, %get3A_19, %dot_general3A_20 {dimension_numbers = #tpu.dot_dimension_numbers<[1], [0], [0], [1], [0, 0, 1, 1], [], []>, transpose_lhs_hint = false} : vector<1x4xf32>, vector<4x128xf32>, vector<1x128xf32> -> vector<1x128xf32>
    %get3A_22 = arith.constant 0 : index
    %get3A_23 = arith.constant 0 : index
    %get3A_24 = vector.load %arg6[%get3A_22, %get3A_23] : memref<1x128xf32, #tpu.memory_space<vmem>>, vector<1x128xf32>
    %add3A = arith.addf %dot_general3A_21, %get3A_24 : vector<1x128xf32>
    %add3A_25 = vector.broadcast %add3A : vector<1x128xf32> to vector<3x128xf32>
    %add3A_26 = arith.addf %dot_general3A_13, %add3A_25 : vector<3x128xf32>
    %get3A_27 = arith.constant 0 : index
    %get3A_28 = arith.constant 0 : index
    %get3A_29 = vector.load %arg7[%get3A_27, %get3A_28] : memref<285x95xf32, #tpu.memory_space<vmem>>, vector<285x95xf32>
    %dot_general3A_30 = arith.constant dense<0.000000e+00> : vector<285x128xf32>
    %dot_general3A_31 = tpu.matmul %get3A_29, %dot_general3A_5, %dot_general3A_30 {dimension_numbers = #tpu.dot_dimension_numbers<[1], [0], [0], [1], [0, 0, 1, 1], [], []>, transpose_lhs_hint = false} : vector<285x95xf32>, vector<95x128xf32>, vector<285x128xf32> -> vector<285x128xf32>
    %get3A_32 = arith.constant 0 : index
    %get3A_33 = arith.constant 0 : index
    %get3A_34 = vector.load %arg8[%get3A_32, %get3A_33] : memref<285x3xf32, #tpu.memory_space<vmem>>, vector<285x3xf32>
    %dot_general3A_35 = arith.constant dense<0.000000e+00> : vector<285x128xf32>
    %dot_general3A_36 = tpu.matmul %get3A_34, %add3A_26, %dot_general3A_35 {dimension_numbers = #tpu.dot_dimension_numbers<[1], [0], [0], [1], [0, 0, 1, 1], [], []>, transpose_lhs_hint = false} : vector<285x3xf32>, vector<3x128xf32>, vector<285x128xf32> -> vector<285x128xf32>
    %add3A_37 = arith.addf %dot_general3A_31, %dot_general3A_36 : vector<285x128xf32>
    %mul3A = arith.constant 1.66666663 : f32
    %mul3A_38 = vector.broadcast %mul3A : f32 to vector<285x128xf32>
    %mul3A_39 = arith.mulf %add3A_37, %mul3A_38 : vector<285x128xf32>
    %swap3A = arith.constant 0 : index
    %swap3A_40 = arith.constant 0 : index
    %swap3A_41 = vector.load %arg9[%swap3A, %swap3A_40] : memref<285x128xf32, #tpu.memory_space<vmem>>, vector<285x128xf32>
    tpu.vector_store %arg9[%swap3A, %swap3A_40], %mul3A_39 {strides = array<i32>} : memref<285x128xf32, #tpu.memory_space<vmem>>, vector<285x128xf32>,
    %get3A_42 = arith.constant 0 : index
    %get3A_43 = arith.constant 0 : index
    %get3A_44 = vector.load %arg4[%get3A_42, %get3A_43] : memref<1x4xf32, #tpu.memory_space<vmem>>, vector<1x4xf32>
    %get3A_45 = arith.constant 0 : index
    %get3A_46 = arith.constant 0 : index
    %get3A_47 = vector.load %arg2[%get3A_45, %get3A_46] : memref<4x128xf32, #tpu.memory_space<vmem>>, vector<4x128xf32>
    %dot_general3A_48 = arith.constant dense<0.000000e+00> : vector<1x128xf32>
    %dot_general3A_49 = tpu.matmul %get3A_44, %get3A_47, %dot_general3A_48 {dimension_numbers = #tpu.dot_dimension_numbers<[1], [0], [0], [1], [0, 0, 1, 1], [], []>, transpose_lhs_hint = false} : vector<1x4xf32>, vector<4x128xf32>, vector<1x128xf32> -> vector<1x128xf32>
    %mul3A_50 = arith.constant 1.66666663 : f32
    %mul3A_51 = vector.broadcast %mul3A_50 : f32 to vector<1x128xf32>
    %mul3A_52 = arith.mulf %dot_general3A_49, %mul3A_51 : vector<1x128xf32>
    %swap3A_53 = arith.constant 0 : index
    %swap3A_54 = arith.constant 0 : index
    %swap3A_55 = vector.load %arg10[%swap3A_53, %swap3A_54] : memref<1x128xf32, #tpu.memory_space<vmem>>, vector<1x128xf32>
    tpu.vector_store %arg10[%swap3A_53, %swap3A_54], %mul3A_52 {strides = array<i32>} : memref<1x128xf32, #tpu.memory_space<vmem>>, vector<1x128xf32>,
    return
  }
}

</mosaic_0001>

<sc_bundles>
// kernel: kernel.4.cloned.1.call-start
scs
__scs_entry_jumppad:
0x0: {  	(pc) =	sbr.rel $0x88, $3  }
0x1: {  	(tag) =	ssettag $0x0;
	lr =	simm.s32 $0x1  }
0x2: {  	[smem:$0x3F99] =	sst lr;
	_ =	strace $0xD0000000  }
0x3: {  	_ = 	snop  }
0x4: {  	_ = 	snop  }
0x5: {  	_ = 	snop  }
0x6: {  	_ = 	snop  }
0x7: {  	_ = 	snop  }
__scs_overlays_trampoline_lowered:
0x8: {  	[smem:$0x3FA8] =	sst s0  }
0x9: {  	[smem:$0x3FA9] =	sst s1  }
0xa: {  	[smem:$0x3FAA] =	sst s2  }
0xb: {  	[smem:$0x3FAB] =	sst s3  }
0xc: {  	[smem:$0x3FAC] =	sst s4  }
0xd: {  	[smem:$0x3FAD] =	sst s5  }
0xe: {  	[smem:$0x3FAE] =	sst s6  }
0xf: {  	[smem:$0x3FAF] =	sst s7  }
0x10: {  	[smem:$0x3FB0] =	sst s8  }
0x11: {  	[smem:$0x3FB1] =	sst s9;
	s0 =	simm.s32 @!p0 $0x0  }
0x12: {  	s1 =	sld [smem:$0x3F97];
	s0 =	simm.s32 @p0 $0x1  }
0x13: {  	[smem:$0x3FB2] =	sst s0;
	s0 =	simm.s32 @!p1 $0x0  }
0x14: {  	s2 =	sld [smem:$0x3F96];
	s0 =	simm.s32 @p1 $0x1  }
0x15: {  	[smem:$0x3FB3] =	sst s0;
	s0 =	simm.s32 @!p2 $0x0  }
0x16: {  	s3 =	sld [smem:$0x3FDB];
	s0 =	simm.s32 @p2 $0x1  }
0x17: {  	s4 =	simm.s32 $0x1BF5;
	[smem:$0x3FB5] =	sst s0  }
0x18: {  	s0 =	sld [smem:$0x3F98];
	_ =	swait.ge [sflag:s4], $0x0  }
0x19: {  	s7 =	sld [smem:$0x3F99]  }
0x1a: {  	s8 =	sadd.s32 $0xFFFFE003, lr  }
0x1b: {  	s9 =	sadd.s32 $0xFFFFFEF7, lr;
	s5 =	simm.s32 $0xFFFFFFFF;
	p2 =	slt.u32 s8, $0xFFFFF086  }
0x1c: {  	p1 =	slt.u32 s9, $0xF7A;
	s5 =	simm.s32 @!p2 $0x0  }
0x1d: {  	s5 =	simm.s32 @p1 $0x1;
	p0 =	seq.s32 s7, s2  }
0x1e: {  	s7 =	smul.u32 @!p0 $0xF7A, s2;
	p2 =	seq.s32 @!p0 s5, $0x0  }
0x1f: {  	s9 =	smul.u32 $0xF7A, s1;
	s8 =	simm.s32 @!p0 $0x1BF5;
	p2 =	por !p2, p0  }
0x20: {  	[sflag:s8] =	ssyncset.s32 @!p0 $0xFFFFF086;
	s6 =	sadd.s32 @!p0 s3, s7;
	s7 =	simm.s32 @!p0 $0x108  }
0x21: {  	s3 =	sadd.s32 s3, s9;
	s6 =	sadd.s32 @!p0 $0x88, s6;
	s7 =	simm.s32 @p2 $0x1082  }
0x22: {  	[simem:s7], [sflag:s8] =	dma.local @!p0 [hbm:s6], $0xF7A  }
0x23: {  	s9 =	sor.u32 $0xD0000000, s2;
	s6 =	simm.s32 $0x108;
	_ =	swait.ge @!p0 [sflag:s8], $0x0  }
0x24: {  	s3 =	sadd.s32 $0x88, s3;
	s6 =	simm.s32 @!p1 $0x1082;
	[sflag:s4] =	ssyncset.s32 $0xFFFFF086  }
0x25: {  	[simem:s6], [sflag:s4] =	dma.local [hbm:s3], $0xF7A  }
0x26: {  	[smem:$0x3F99] =	sst s1;
	(tag) =	ssettag s2;
	_ =	strace s9  }
0x27: {  	s1 =	sld [smem:$0x3FA9]  }
0x28: {  	s2 =	sld [smem:$0x3FAA]  }
0x29: {  	s4 =	sld [smem:$0x3FAC]  }
0x2a: {  	p0 =	seq.s32 s5, $0x0;
	s5 =	sld [smem:$0x3FAD]  }
0x2b: {  	s6 =	sld [smem:$0x3FAE]  }
0x2c: {  	s7 =	sld [smem:$0x3FAF]  }
0x2d: {  	s3 =	simm.s32 $0x108;
	s8 =	sld [smem:$0x3FB0]  }
0x2e: {  	s3 =	simm.s32 @!p0 $0x1082;
	s9 =	sld [smem:$0x3FB1]  }
0x2f: {  	lr =	sadd.s32 s0, s3;
	s0 =	sld [smem:$0x3FA8]  }
0x30: {  	s3 =	sld [smem:$0x3FAB]  }
0x31: {  	[smem:$0x3FB4] =	sst s10  }
0x32: {  	s10 =	sld [smem:$0x3FB2];
	_ =	sdelay $0x3  }
0x33: {  	p0 =	seq.s32 s10, $0x1;
	s10 =	sld [smem:$0x3FB4];
	_ =	sdelay $0x3  }
0x34: {  	[smem:$0x3FB4] =	sst s10  }
0x35: {  	s10 =	sld [smem:$0x3FB3];
	_ =	sdelay $0x3  }
0x36: {  	p1 =	seq.s32 s10, $0x1;
	s10 =	sld [smem:$0x3FB4];
	_ =	sdelay $0x3  }
0x37: {  	[smem:$0x3FB4] =	sst s10  }
0x38: {  	s10 =	sld [smem:$0x3FB5]  }
0x39: {  	_ = 	snop;
	(pc) =	sbr.ind lr, $3  }
0x3a: {  	_ = 	snop  }
0x3b: {  	_ = 	snop  }
0x3c: {  	p2 =	seq.s32 s10, $0x1;
	s10 =	sld [smem:$0x3FB4]  }
0x3d: {  	_ =	shalt  }
0x3e: {  	_ =	shalt  }
0x3f: {  	_ =	shalt  }
0x40: {  	_ =	shalt  }
0x41: {  	_ =	shalt  }
0x42: {  	_ =	shalt  }
0x43: {  	_ =	shalt  }
0x44: {  	_ =	shalt  }
0x45: {  	_ =	shalt  }
0x46: {  	_ =	shalt  }
0x47: {  	_ =	shalt  }
0x48: {  	_ =	shalt  }
0x49: {  	_ =	shalt  }
0x4a: {  	_ =	shalt  }
0x4b: {  	_ =	shalt  }
0x4c: {  	_ =	shalt  }
0x4d: {  	_ =	shalt  }
0x4e: {  	_ =	shalt  }
0x4f: {  	_ =	shalt  }
0x50: {  	_ =	shalt  }
0x51: {  	_ =	shalt  }
0x52: {  	_ =	shalt  }
0x53: {  	_ =	shalt  }
0x54: {  	_ =	shalt  }
0x55: {  	_ =	shalt  }
0x56: {  	_ =	shalt  }
0x57: {  	_ =	shalt  }
0x58: {  	_ =	shalt  }
0x59: {  	_ =	shalt  }
0x5a: {  	_ =	shalt  }
0x5b: {  	_ =	shalt  }
0x5c: {  	_ =	shalt  }
0x5d: {  	_ =	shalt  }
0x5e: {  	_ =	shalt  }
0x5f: {  	_ =	shalt  }
0x60: {  	_ =	shalt  }
0x61: {  	_ =	shalt  }
0x62: {  	_ =	shalt  }
0x63: {  	_ =	shalt  }
0x64: {  	_ =	shalt  }
0x65: {  	_ =	shalt  }
0x66: {  	_ =	shalt  }
0x67: {  	_ =	shalt  }
0x68: {  	_ =	shalt  }
0x69: {  	_ =	shalt  }
0x6a: {  	_ =	shalt  }
0x6b: {  	_ =	shalt  }
0x6c: {  	_ =	shalt  }
0x6d: {  	_ =	shalt  }
0x6e: {  	_ =	shalt  }
0x6f: {  	_ =	shalt  }
0x70: {  	_ =	shalt  }
0x71: {  	_ =	shalt  }
0x72: {  	_ =	shalt  }
0x73: {  	_ =	shalt  }
0x74: {  	_ =	shalt  }
0x75: {  	_ =	shalt  }
0x76: {  	_ =	shalt  }
0x77: {  	_ =	shalt  }
0x78: {  	_ =	shalt  }
0x79: {  	_ =	shalt  }
0x7a: {  	_ =	shalt  }
0x7b: {  	_ =	shalt  }
0x7c: {  	_ =	shalt  }
0x7d: {  	_ =	shalt  }
0x7e: {  	_ =	shalt  }
0x7f: {  	_ =	shalt  }
0x80: {  	_ =	shalt  }
0x81: {  	_ =	shalt  }
0x82: {  	_ =	shalt  }
0x83: {  	_ =	shalt  }
0x84: {  	_ =	shalt  }
0x85: {  	_ =	shalt  }
0x86: {  	_ =	shalt  }
0x87: {  	_ =	shalt  }
.Lfunc_end0:
.L_simem_size_0:
called_computation_lowered:
.L_overlay_start_0:
0x88: {  	s2 =	sld [smem:$0x3FD9]  }
0x89: {  	s3 =	sld [smem:$0x3FFE];
	_ =	sdelay $0x1  }
0x8a: {  	s1 =	srdreg.scid  }
0x8b: {  	s0 =	sand.u32 $0x1, s1  }
0x8c: {  	s17 =	sshll.u32 s0, $0xA;
	s2 =	sadd.s32 s3, s2  }
0x8d: {  	s2 =	sadd.s32 s2, s17  }
0x8e: {  	[smem:$0x3FC0] =	sst s2  }
0x8f: {  	_ = 	snop  }
0x90: {  	s2 =	sld [smem:$0x3FC9]  }
0x91: {  	s18 =	sld [smem:$0x3FC8]  }
0x92: {  	s4 =	sld [smem:$0x3FC7]  }
0x93: {  	s5 =	sld [smem:$0x3FD0];
	(tm) =	ssettm $0x1  }
0x94: {  	s6 =	sld [smem:$0x3FFB];
	_ =	sdelay $0x3  }
0x95: {  	_ =	strace s6  }
0x96: {  	s6 =	sld [smem:$0x3FFC];
	_ =	sdelay $0x3  }
0x97: {  	_ =	strace s6  }
0x98: {  	s6 =	sld [smem:$0x3FFD];
	_ =	sdelay $0x3  }
0x99: {  	_ =	strace s6  }
0x9a: {  	_ =	strace $0x8FFFFFFF  }
0x9b: {  	s19 =	sld [smem:$0x3FDB];
	_ =	sdelay $0x1  }
0x9c: {  	s7 =	simm.s32 $_scs_section_size  }
0x9d: {  	s8 =	simm.s32 $_size__tile_overlayer_lowered;
	s9 =	simm.s32 $_tile_overlayer_lowered  }
0x9e: {  	s22 =	simm.s32 $0x1BFF;
	s21 =	sshll.u32 s9, $0x1;
	s6 =	sadd.s32 s7, s19  }
0x9f: {  	s10 =	simm.s32 $0x0;
	s20 =	sshll.u32 s8, $0x1;
	s8 =	sadd.s32 s21, s6  }
0xa0: {  	[timem:s10], [sflag:s22] =	dma.local [hbm:s8], s20  }
0xa1: {  	_ =	swait.ge [sflag:s22], s20  }
0xa2: {  	s7 =	ssub.s32 $0x0, s20;
	[sflag:s22] =	ssyncset.done $0x0  }
0xa3: {  	[sflag:s22] =	ssyncadd.s32 s7;
	_ =	sdelay $0x1  }
0xa4: {  	s23 =	simm.s32 $0x1B8B  }
0xa5: {  	_ =	swait.ge [sflag:s23], $0x1  }
0xa6: {  	[sflag:s23] =	ssyncset.done $0x0  }
0xa7: {  	s25 =	simm.s32 $0x1B8E;
	s24 =	sld [smem:$0x3FFE];
	[sflag:s23] =	ssyncadd.s32 $0xFFFFFFFF  }
0xa8: {  	s26 =	simm.s32 $execute0_lowered;
	[smem:$0x3FD2] =	sst s25  }
0xa9: {  	s8 =	sshll.u32 s26, $0x1;
	_ =	strace $0x80000046;
	[dreg:$0x1] =	wrdreg $0xFFFFFFFF  }
0xaa: {  	s28 =	simm.s32 $_size_execute0_lowered;
	s6 =	sadd.s32 s6, s8;
	[dreg:$0x0] =	wrdreg $0x0  }
0xab: {  	s8 =	sshll.u32 s28, $0x1;
	[dreg:$0x2] =	wrdreg s6  }
0xac: {  	[dreg:$0x3] =	wrdreg s8  }
0xad: {  	[dreg:$0x4] =	wrdreg $0xC0  }
0xae: {  	_ =	task [dreg:s10], $0x5FFFF  }
0xaf: {  	[dreg:$0x1] =	wrdreg $0xFFFFFFFF  }
0xb0: {  	[dreg:$0x0] =	wrdreg $0x60  }
0xb1: {  	[dreg:$0x2] =	wrdreg s2  }
0xb2: {  	[dreg:$0x3] =	wrdreg s18  }
0xb3: {  	[dreg:$0x4] =	wrdreg s4  }
0xb4: {  	[dreg:$0x5] =	wrdreg s24  }
0xb5: {  	[dreg:$0x6] =	wrdreg s5  }
0xb6: {  	[dreg:$0x7] =	wrdreg $0x9  }
0xb7: {  	_ =	task.clear_ibuf [dreg:s10], $0x8FFFF;
	_ =	strace $0x90000046  }
0xb8: {  	s29 =	simm.s32 $0x9;
	_ =	strace $0x80000048  }
0xb9: {  	_ =	swait.ge [sflag:s29], $0x1  }
0xba: {  	[sflag:s29] =	ssyncadd.s32 $0xFFFFFFFF  }
0xbb: {  	_ =	strace $0x90000048  }
0xbc: {  	_ =	sfence  }
0xbd: {  	s30 =	sld [smem:$0x0];
	_ =	sdelay $0x2  }
0xbe: {  	s31 =	sshll.u32 s1, $0xD;
	s1 =	sshrl.u32 s1, $0x2  }
0xbf: {  	s3 =	sand.u32 $0x4000, s31;
	s1 =	sadd.s32 s1, s30  }
0xc0: {  	s0 =	sor.u32 s3, s0;
	s1 =	sshll.u32 s1, $0x11  }
0xc1: {  	s0 =	sor.u32 s1, s0  }
0xc2: {  	s0 =	sadd.s32 $0x8F2B, s0  }
0xc3: {  	[sflag:s0] =	ssyncadd.remote.s32 $0x1  }
0xc4: {  	_ =	sfence.sel $0xFFFF  }
0xc5: {  	[dreg:$0x0] =	wrdreg $0xFFFFFFFF;
	(pc) =	sbr.abs _section_cstart, $3  }
0xc6: {  	[dreg:$0x1] =	wrdreg $0xFFFFFFFF  }
0xc7: {  	_ =	task.clear_ibuf [dreg:s10], $0x2FFFF;
	_ =	strace $0x9FFFFFFF  }
0xc8: {  	(tm) =	ssettm $0x7FFFFFFF  }
0xc9: {  	_ =	shalt  }
tec
execute0_lowered:
.L_overlay_start_1:
0x0: {  	(tag) =	ssettag $0x1  }
0x1: {  	s0 =	rddreg [dreg:$0x0]  }
0x2: {  	s11 =	rddreg [dreg:$0x1];
	s1 =	srdreg.scid  }
0x3: {  	s14 =	stileid.u32;
	s12 =	rddreg [dreg:$0x2]  }
0x4: {  	s5 =	rddreg [dreg:$0x3];
	s2 =	simm.s32 $0x0;
	s20 =	simm.s32 $0x3280  }
0x5: {  	s21 =	simm.s32 $0x1;
	s22 =	simm.s32 $0x2;
	s23 =	simm.s32 $0x5A80  }
0x6: {  	s24 =	simm.s32 $0x3;
	s3 =	sand.u32 $0x1, s1;
	s31 =	sshll.u32 s14, $0x1  }
0x7: {  	s25 =	simm.s32 $0x4;
	s1 =	rddreg [dreg:$0x4];
	s4 =	sor.u32 s3, s31  }
0x8: {  	s26 =	simm.s32 $0x0;
	[smem:$0x7FF] =	sst s2;
	s6 =	smul.u32 $0x27, s4  }
0x9: {  	p0 =	seq.s32 s14, $0x0;
	s7 =	ssub.s32 $0x2, s3;
	s4 =	smin.u32 s4, $0x2  }
0xa: {  	_ =	strace $0x80000047;
	s8 =	sshrl.u32 s7, $0x1;
	s4 =	sadd.s32 s4, s6  }
0xb: {  	s13 =	ssub.s32 s7, s8;
	s6 =	simm.s32 $0x28;
	s3 =	smul.u32 $0x50, s4  }
.Ltmp0:
0xc: {  	s13 =	smax.u32 s13, $0x1;
	s4 =	sadd.s32 $0x1600, s5;
	(pc) =	sbr.rel .LBB2_1-.Ltmp0, $4  }
0xd: {  	s5 =	sadd.s32 $0x2800, s5;
	s6 =	simm.s32 @!p0 $0x27;
	s10 =	sshrl.u32 s3, $0x3  }
0xe: {  	p0 =	sne.s32 s14, $0x0;
	s7 =	sadd.s32 s0, s10;
	s15 =	sadd.s32 $0x186, s10  }
0xf: {  	s8 =	sadd.s32 s11, s10;
	s9 =	sadd.s32 s12, s10;
	s10 =	sadd.s32 s0, s15  }
0x10: {  	s11 =	sadd.s32 s11, s15;
	s12 =	sadd.s32 s12, s15;
	s15 =	simm.s32 $0x5  }
.LBB2_13:
0x11: {  	s26 =	sadd.s32 $0x1, s26  }
0x12: {  	_ =	swait.ge [sflag:s24], $0x2800;
	p1 =	sne.s32 s26, s13  }
.Ltmp1:
0x13: {  	[sflag:s24] =	ssyncset.done $0x0;
	(pc) =	sbr.rel @!p1 .LBB2_14-.Ltmp1, $4  }
0x14: {  	[sflag:s24] =	ssyncadd.s32 $0xFFFFD800  }
0x15: {  	_ =	swait.ge [sflag:s25], $0x2800  }
0x16: {  	[sflag:s25] =	ssyncset.done $0x0  }
0x17: {  	[sflag:s25] =	ssyncadd.s32 $0xFFFFD800  }
.LBB2_1:
0x18: {  	s0 =	simm.s32 $0x8280  }
0x19: {  	[tilespmem:s0], [sflag:$0x5] =	stream.linear.gather [hbm4b:s5+s2], $0x80, $0x38;
	[tilespmem:$0x8300] =	vst v63  }
0x1a: {  	_ =	swait.ge [sflag:s15], $0x80  }
0x1b: {  	[sflag:s15] =	ssyncset.done $0x0  }
0x1c: {  	[sflag:s15] =	ssyncadd.s32 $0xFFFFFF80  }
0x1d: {  	v0 =	vld [tilespmem:$0x8280]  }
0x1e: {  	v1 =	vld [tilespmem:$0x8290]  }
0x1f: {  	v2 =	vld [tilespmem:$0x82A0]  }
0x20: {  	v3 =	vld [tilespmem:$0x82B0]  }
0x21: {  	v4 =	vld [tilespmem:$0x82C0]  }
0x22: {  	v5 =	vld [tilespmem:$0x82D0]  }
0x23: {  	v6 =	vld [tilespmem:$0x82E0]  }
0x24: {  	v7 =	vld [tilespmem:$0x82F0];
	[tilespmem:s2], [sflag:$0x5] =	stream.linear.gather [hbm4b:s7+s2], $0xC30, $0x38  }
0x25: {  	_ =	swait.ge [sflag:s15], $0xC30  }
0x26: {  	[sflag:s15] =	ssyncset.done $0x0  }
0x27: {  	s30 =	simm.s32 $0xC80;
	[sflag:s15] =	ssyncadd.s32 $0xFFFFF3D0  }
0x28: {  	[tilespmem:s30], [sflag:$0x5] =	stream.linear.gather [hbm4b:s8+s2], $0xC30, $0x38;
	[tilespmem:$0x8300] =	vst v63  }
0x29: {  	_ =	swait.ge [sflag:s15], $0xC30  }
0x2a: {  	[sflag:s15] =	ssyncset.done $0x0  }
0x2b: {  	s31 =	simm.s32 $0x1900;
	[sflag:s15] =	ssyncadd.s32 $0xFFFFF3D0  }
0x2c: {  	[tilespmem:s31], [sflag:$0x5] =	stream.linear.gather [hbm4b:s9+s2], $0xC30, $0x38;
	[tilespmem:$0x8300] =	vst v63  }
0x2d: {  	_ =	swait.ge [sflag:s15], $0xC30  }
0x2e: {  	[sflag:s15] =	ssyncset.done $0x0  }
0x2f: {  	s14 =	simm.s32 @!p0 $0xC30;
	s0 =	simm.s32 @!p0 $0x0;
	[sflag:s15] =	ssyncadd.s32 $0xFFFFF3D0  }
0x30: {  	[tilespmem:s14], [sflag:$0x5] =	stream.linear.gather @!p0 [hbm4b:s10+s0], $0x50, $0x38;
	[tilespmem:$0x8300] =	vst v63  }
0x31: {  	s14 =	simm.s32 @!p0 $0x5  }
0x32: {  	_ =	swait.ge @!p0 [sflag:s14], $0x50  }
0x33: {  	[sflag:s14] =	ssyncset.done @!p0 $0x0  }
0x34: {  	s16 =	simm.s32 @!p0 $0x18B0;
	[sflag:s14] =	ssyncadd.s32 @!p0 $0xFFFFFFB0  }
0x35: {  	[tilespmem:s16], [sflag:$0x5] =	stream.linear.gather @!p0 [hbm4b:s11+s0], $0x50, $0x38;
	[tilespmem:$0x8300] =	vst v63  }
0x36: {  	_ =	swait.ge @!p0 [sflag:s14], $0x50  }
0x37: {  	[sflag:s14] =	ssyncset.done @!p0 $0x0  }
0x38: {  	s16 =	simm.s32 @!p0 $0x2530;
	[sflag:s14] =	ssyncadd.s32 @!p0 $0xFFFFFFB0  }
0x39: {  	[tilespmem:s16], [sflag:$0x5] =	stream.linear.gather @!p0 [hbm4b:s12+s0], $0x50, $0x38;
	[tilespmem:$0x8300] =	vst v63  }
0x3a: {  	_ =	swait.ge @!p0 [sflag:s14], $0x50  }
0x3b: {  	[sflag:s14] =	ssyncset.done @!p0 $0x0  }
0x3c: {  	s0 =	simm.s32 $0x0;
	[sflag:s14] =	ssyncadd.s32 @!p0 $0xFFFFFFB0  }
0x3d: {  	v8 =	vld [tilespmem:s0+$0x0];
	_ =	sdelay $0x1  }
0x3e: {  	v9 =	vld [tilespmem:s0+$0xC80]  }
0x3f: {  	s14 =	simm.s32 $0x40  }
.LBB2_2:
0x40: {  	p1 =	sne.s32 s14, $0x31C0  }
.Ltmp2:
0x41: {  	s16 =	sshra.s32 s14, $0x2;
	s14 =	sadd.s32 $0x40, s14;
	v10 =	vmul.u32 $0x3, v8;
	(pc) =	sbr.rel @p1 .LBB2_2-.Ltmp2, $4  }
0x42: {  	v8 =	vld [tilespmem:s16+$0x0]  }
0x43: {  	v10 =	vadd.s32 v10, v9  }
0x44: {  	v9 =	vld [tilespmem:s16+$0xC80];
	v10 =	vadd.s32 $0x1, v10  }
0x45: {  	[tilespmem:s0+$0x2600] =	vst v10;
	s0 =	smov.u32 s16  }
0x46: {  	_ = 	snop  }
0x47: {  	v8 =	vmul.u32 $0x3, v8  }
.Ltmp3:
0x48: {  	_ = 	snop;
	(pc) =	sbr.rel .LBB2_4-.Ltmp3, $4  }
0x49: {  	v8 =	vadd.s32 v8, v9  }
0x4a: {  	s31 =	simm.s32 $0x50;
	s14 =	simm.s32 $0x2600;
	v8 =	vadd.s32 $0x1, v8  }
0x4b: {  	s28 =	simm.s32 $0x0;
	s29 =	simm.s32 $0x1901;
	s30 =	simm.s32 $0x1951;
	[tilespmem:s0+$0x2600] =	vst v8  }
0x4c: {  	[tilespmem:s20], [sflag:$0x1] =	stream.indirect.gather [hbm4b:s4+s31], $0x80, s14, s31, $0xb8;
	[tilespmem:$0x8300] =	vst v63  }
.LBB2_12:
0x4d: {  	s28 =	sadd.s32 $0x1, s28  }
0x4e: {  	p1 =	sne.s32 s28, $0x14  }
.Ltmp4:
0x4f: {  	_ = 	snop;
	(pc) =	sbr.rel @!p1 .LBB2_13-.Ltmp4, $2  }
0x50: {  	_ =	sdelay $0x2  }
0x51: {  	s29 =	sadd.s32 $0xA0, s29;
	s30 =	sadd.s32 $0xA0, s30  }
.LBB2_4:
0x52: {  	s0 =	sshll.u32 s28, $0x1  }
0x53: {  	p2 =	sge.u32 s0, s6  }
.Ltmp5:
0x54: {  	_ = 	snop;
	(pc) =	sbr.rel @p2 .LBB2_8-.Ltmp5, $3  }
0x55: {  	_ =	sdelay $0x1  }
0x56: {  	s31 =	sshllo.u32 s28, $0x1  }
0x57: {  	p1 =	sge.u32 s31, s6  }
0x58: {  	p2 =	seq.s32 @!p1 s28, $0x0  }
0x59: {  	p2 =	por p2, p1  }
0x5a: {  	s14 =	simm.s32 @!p2 $0x4  }
0x5b: {  	s16 =	smul.u32 @!p1 $0x140, s31;
	_ =	swait.ge @!p2 [sflag:s14], $0x2800  }
0x5c: {  	[sflag:s14] =	ssyncset.done @!p2 $0x0  }
0x5d: {  	[sflag:s14] =	ssyncadd.s32 @!p2 $0xFFFFD800;
	s14 =	sshra.s32 @!p1 s16, $0x2  }
0x5e: {  	s17 =	simm.s32 @!p1 $0x5A80;
	s16 =	simm.s32 @!p1 $0x50;
	s14 =	sadd.s32 @!p1 $0x2600, s14  }
0x5f: {  	[tilespmem:s17], [sflag:$0x2] =	stream.indirect.gather @!p1 [hbm4b:s4+s16], $0x80, s14, s16, $0xb8;
	[tilespmem:$0x8300] =	vst v63  }
0x60: {  	_ =	swait.ge [sflag:s21], $0x2800  }
0x61: {  	[sflag:s21] =	ssyncset.done $0x0  }
0x62: {  	[sflag:s21] =	ssyncadd.s32 $0xFFFFD800  }
0x63: {  	s14 =	simm.s32 $0x3300;
	v9 =	vld.msk [tilespmem:s29+$0xFFFFFFFF ss:$0x0], $0xffff  }
0x64: {  	v8 =	vld [tilespmem:s14+$0xFFFFFF90]  }
0x65: {  	v10 =	vld [tilespmem:s14+$0xFFFFFF80]  }
0x66: {  	v16 =	vld.msk [tilespmem:s29+$0x0 ss:$0x0], $0xffff  }
0x67: {  	v11 =	vld [tilespmem:s14+$0xFFFFFFD0]  }
0x68: {  	v17 =	vld [tilespmem:s14+$0xFFFFFFF0];
	v12 =	vmul.f32 v9, v0  }
0x69: {  	v39 =	vld [tilespmem:s14+$0x40];
	v15 =	vmul.f32 v9, v1;
	v14 =	vmul.f32 v9, v2  }
0x6a: {  	v21 =	vld [tilespmem:s14+$0x50];
	v13 =	vmul.f32 v9, v3;
	v24 =	vmul.f32 v9, v4  }
0x6b: {  	v18 =	vld [tilespmem:s14+$0x0];
	v19 =	vmul.f32 v9, v5;
	v22 =	vmul.f32 v16, v5  }
0x6c: {  	v20 =	vld [tilespmem:s14+$0x30];
	v28 =	vmul.f32 v16, v1;
	v29 =	vmul.f32 v16, v4;
	v10 =	vadd.f32 v12, v10  }
0x6d: {  	v8 =	vadd.f32 v8, v15;
	v12 =	vmul.f32 v9, v6;
	v9 =	vmul.f32 v9, v7  }
0x6e: {  	v23 =	vld [tilespmem:s14+$0x60];
	v11 =	vadd.f32 v11, v19;
	v15 =	vmul.f32 v16, v0;
	v29 =	vadd.f32 v39, v29  }
0x6f: {  	v25 =	vld [tilespmem:s14+$0x70];
	v26 =	vadd.f32 v21, v22;
	v19 =	vadd.f32 v17, v9;
	v17 =	vmul.f32 v16, v3  }
0x70: {  	v56 =	vld [tilespmem:s14+$0x10];
	v9 =	vmul.f32 v16, v2;
	v15 =	vadd.f32 v15, v18;
	v44 =	vmul.f32 $-8.656170370e-01, v29  }
0x71: {  	v18 =	vld [tilespmem:s14+$0x20];
	v30 =	vmul.f32 $-8.656170370e-01, v10;
	v27 =	vmul.f32 $-8.656170370e-01, v19;
	v20 =	vadd.f32 v20, v17  }
0x72: {  	v17 =	vmul.f32 v16, v6;
	v16 =	vmul.f32 v16, v7;
	v49 =	vmax.f32 v44, $-1.260000000e+02  }
0x73: {  	v58 =	vmul.f32 $-8.656170370e-01, v26;
	v51 =	vmin.f32 v49, $1.260000000e+02;
	v54 =	vmax.f32 v27, $-1.260000000e+02  }
0x74: {  	v55 =	vmul.f32 $-8.656170370e-01, v20;
	v31 =	vadd.f32 v23, v17;
	v21 =	vadd.f32 v25, v16  }
0x75: {  	v17 =	vmax.f32 v30, $-1.260000000e+02;
	v25 =	vadd.f32 v56, v28;
	v52 =	vadd.f32 $1.258291200e+07, v51  }
0x76: {  	v30 =	vmin.f32 v54, $1.260000000e+02;
	v9 =	vadd.f32 v18, v9;
	v18 =	vmul.f32 $-8.656170370e-01, v8  }
0x77: {  	v17 =	vmin.f32 v17, $1.260000000e+02;
	v16 =	vadd.f32 $1.258291200e+07, v30;
	v23 =	vmul.f32 $-8.656170370e-01, v31  }
0x78: {  	v22 =	vmax.f32 v55, $-1.260000000e+02;
	v32 =	vmul.f32 $-8.656170370e-01, v21;
	v41 =	vmul.f32 $-8.656170370e-01, v25  }
0x79: {  	v55 =	vadd.f32 $-1.258291200e+07, v52;
	v22 =	vmin.f32 v22, $1.260000000e+02;
	v35 =	vmul.f32 $-8.656170370e-01, v9  }
0x7a: {  	v18 =	vmax.f32 v18, $-1.260000000e+02;
	v57 =	vshll.u32 v16, $0x17;
	v23 =	vmax.f32 v23, $-1.260000000e+02  }
0x7b: {  	v33 =	vadd.f32 $-1.258291200e+07, v16;
	v32 =	vmax.f32 v32, $-1.260000000e+02;
	v36 =	vadd.f32 $1.258291200e+07, v22  }
0x7c: {  	v18 =	vmin.f32 v18, $1.260000000e+02;
	v27 =	vadd.s32 $0x3F800000, v57;
	v16 =	vmin.f32 v23, $1.260000000e+02  }
0x7d: {  	v32 =	vmin.f32 v32, $1.260000000e+02;
	v23 =	vmax.f32 v58, $-1.260000000e+02;
	v34 =	vadd.f32 $1.258291200e+07, v16  }
0x7e: {  	v35 =	vmax.f32 v35, $-1.260000000e+02;
	v37 =	vadd.f32 $-1.258291200e+07, v36;
	v38 =	vadd.f32 $1.258291200e+07, v32  }
0x7f: {  	v36 =	vshll.u32 v36, $0x17;
	v60 =	vmin.f32 v35, $1.260000000e+02;
	v35 =	vsub.f32 v51, v55  }
0x80: {  	v23 =	vmin.f32 v23, $1.260000000e+02;
	v30 =	vsub.f32 v30, v33;
	v62 =	vadd.f32 $1.258291200e+07, v60  }
0x81: {  	v63 =	vadd.s32 $0x3F800000, v36;
	v59 =	vadd.f32 $-1.258291200e+07, v34;
	v61 =	vadd.f32 $-1.258291200e+07, v38  }
0x82: {  	v48 =	vadd.f32 $1.258291200e+07, v23;
	v34 =	vshll.u32 v34, $0x17;
	v22 =	vsub.f32 v22, v37  }
0x83: {  	v38 =	vshll.u32 v38, $0x17;
	v16 =	vsub.f32 v16, v59;
	v32 =	vsub.f32 v32, v61  }
0x84: {  	v55 =	vmul.f32 $5.550410970e-02, v30;
	v38 =	vadd.s32 $0x3F800000, v38;
	v42 =	vmul.f32 $5.550410970e-02, v22  }
0x85: {  	v43 =	vadd.f32 $-1.258291200e+07, v62;
	v40 =	vmul.f32 $5.550410970e-02, v16;
	v47 =	vmul.f32 $5.550410970e-02, v32  }
0x86: {  	v37 =	vshll.u32 v62, $0x17;
	v54 =	vadd.f32 $-1.258291200e+07, v48;
	v46 =	vadd.f32 $2.402265070e-01, v42  }
0x87: {  	v34 =	vadd.s32 $0x3F800000, v34;
	v45 =	vadd.f32 $2.402265070e-01, v40;
	v39 =	vadd.f32 $2.402265070e-01, v47  }
0x88: {  	v37 =	vadd.s32 $0x3F800000, v37;
	v28 =	vsub.f32 v60, v43;
	v40 =	vmul.f32 v46, v22  }
0x89: {  	v61 =	vmax.f32 v41, $-1.260000000e+02;
	v36 =	vmul.f32 v45, v16;
	v39 =	vmul.f32 v39, v32  }
0x8a: {  	v43 =	vmin.f32 v61, $1.260000000e+02;
	v50 =	vmul.f32 $5.550410970e-02, v28;
	v40 =	vadd.f32 $6.931471820e-01, v40  }
0x8b: {  	v47 =	vmul.f32 $-8.656170370e-01, v15;
	v36 =	vadd.f32 $6.931471820e-01, v36;
	v39 =	vadd.f32 $6.931471820e-01, v39  }
0x8c: {  	v45 =	vshll.u32 v48, $0x17;
	v22 =	vmul.f32 v40, v22;
	v40 =	vmul.f32 $5.550410970e-02, v35  }
0x8d: {  	v16 =	vmul.f32 v36, v16;
	v36 =	vadd.f32 $2.402265070e-01, v50;
	v32 =	vmul.f32 v39, v32  }
0x8e: {  	v22 =	vadd.f32 $1.000000000e+00, v22;
	v39 =	vshll.u32 v52, $0x17;
	v40 =	vadd.f32 $2.402265070e-01, v40  }
0x8f: {  	v52 =	vld [tilespmem:s14+$0xFFFFFFC0];
	v51 =	vadd.s32 $0x3F800000, v39;
	v39 =	vadd.f32 $2.402265070e-01, v55;
	v16 =	vadd.f32 $1.000000000e+00, v16  }
0x90: {  	v53 =	vmul.f32 v36, v28;
	v32 =	vadd.f32 $1.000000000e+00, v32;
	v22 =	vmul.f32 v63, v22  }
0x91: {  	v36 =	vsub.f32 v23, v54;
	v40 =	vmul.f32 v40, v35;
	v54 =	vadd.s32 $0x3F800000, v45  }
0x92: {  	v16 =	vmul.f32 v34, v16;
	v34 =	vadd.f32 $6.931471820e-01, v53;
	v32 =	vmul.f32 v38, v32  }
0x93: {  	v22 =	vadd.f32 $1.000000000e+00, v22;
	v60 =	vmul.f32 $5.550410970e-02, v36;
	v40 =	vadd.f32 $6.931471820e-01, v40  }
0x94: {  	v24 =	vadd.f32 v52, v24;
	v16 =	vadd.f32 $1.000000000e+00, v16;
	v28 =	vmul.f32 v34, v28  }
0x95: {  	v32 =	vadd.f32 $1.000000000e+00, v32;
	v57 =	vsub.s32 $0x7EF127EA, v22;
	v62 =	vadd.f32 $2.402265070e-01, v60  }
0x96: {  	v44 =	vmul.f32 v40, v35;
	v22 =	vmul.f32 v57, v22;
	v56 =	vsub.s32 $0x7EF127EA, v16  }
0x97: {  	v58 =	vadd.f32 $1.000000000e+00, v28;
	v59 =	vsub.s32 $0x7EF127EA, v32;
	v16 =	vmul.f32 v56, v16  }
0x98: {  	v49 =	vadd.f32 $1.000000000e+00, v44;
	v32 =	vmul.f32 v59, v32;
	v22 =	vsub.f32 $2.000000000e+00, v22  }
0x99: {  	v61 =	vmul.f32 $-8.656170370e-01, v24;
	v44 =	vld [tilespmem:s14+$0xFFFFFFE0];
	v23 =	vmul.f32 v37, v58;
	v16 =	vsub.f32 $2.000000000e+00, v16  }
0x9a: {  	v33 =	vmul.f32 v51, v49;
	v32 =	vsub.f32 $2.000000000e+00, v32;
	v22 =	vmul.f32 v57, v22  }
0x9b: {  	v51 =	vmul.f32 $-8.656170370e-01, v11;
	v63 =	vadd.f32 $1.000000000e+00, v23;
	v38 =	vmul.f32 v56, v16  }
0x9c: {  	v33 =	vadd.f32 $1.000000000e+00, v33;
	v42 =	vmul.f32 v59, v32;
	v22 =	vmul.f32 v22, v20  }
0x9d: {  	v20 =	vmul.f32 v62, v36;
	v32 =	vadd.f32 $1.258291200e+07, v43;
	v59 =	vmul.f32 v39, v30  }
0x9e: {  	v12 =	vadd.f32 v44, v12;
	v16 =	vsub.s32 $0x7EF127EA, v63;
	v57 =	vsub.s32 $0x7EF127EA, v33  }
0x9f: {  	v23 =	vmul.f32 v42, v21;
	v46 =	vadd.f32 $6.931471820e-01, v20;
	v48 =	vadd.f32 $-1.258291200e+07, v32  }
0xa0: {  	v21 =	vmul.f32 v38, v31;
	v20 =	vmul.f32 v16, v63;
	v31 =	vmax.f32 v47, $-1.260000000e+02  }
0xa1: {  	v33 =	vmul.f32 v57, v33;
	v31 =	vmin.f32 v31, $1.260000000e+02;
	v28 =	vsub.f32 v43, v48  }
0xa2: {  	v32 =	vshll.u32 v32, $0x17;
	v50 =	vmul.f32 v46, v36;
	v53 =	vadd.f32 $1.258291200e+07, v31  }
0xa3: {  	v32 =	vadd.s32 $0x3F800000, v32;
	v33 =	vsub.f32 $2.000000000e+00, v33;
	v37 =	vmul.f32 $5.550410970e-02, v28  }
0xa4: {  	v48 =	vmax.f32 v61, $-1.260000000e+02;
	v61 =	vld [tilespmem:s14+$0xFFFFFFB0];
	v34 =	vadd.f32 $1.000000000e+00, v50;
	v56 =	vadd.f32 $-1.258291200e+07, v53  }
0xa5: {  	v49 =	vmin.f32 v48, $1.260000000e+02;
	v35 =	vshll.u32 v53, $0x17;
	v37 =	vadd.f32 $2.402265070e-01, v37  }
0xa6: {  	v33 =	vmul.f32 v57, v33;
	v34 =	vmul.f32 v54, v34;
	v31 =	vsub.f32 v31, v56  }
0xa7: {  	v55 =	vadd.s32 $0x3F800000, v35;
	v56 =	vmul.f32 $-8.656170370e-01, v12;
	v58 =	vmul.f32 v37, v28  }
0xa8: {  	v34 =	vadd.f32 $1.000000000e+00, v34;
	v37 =	vadd.f32 $6.931471820e-01, v59;
	v62 =	vmul.f32 $5.550410970e-02, v31  }
0xa9: {  	v13 =	vadd.f32 v61, v13;
	v35 =	vmax.f32 v56, $-1.260000000e+02;
	v36 =	vadd.f32 $6.931471820e-01, v58  }
0xaa: {  	v60 =	vsub.s32 $0x7EF127EA, v34;
	v30 =	vmul.f32 v37, v30;
	v63 =	vadd.f32 $2.402265070e-01, v62;
	v58 =	vld [tilespmem:s14+$0xFFFFFFA0]  }
0xab: {  	v35 =	vmin.f32 v35, $1.260000000e+02;
	v34 =	vmul.f32 v60, v34;
	v28 =	vmul.f32 v36, v28  }
0xac: {  	v62 =	vadd.f32 $1.258291200e+07, v35;
	v30 =	vadd.f32 $1.000000000e+00, v30;
	v47 =	vmul.f32 v63, v31  }
0xad: {  	v34 =	vsub.f32 $2.000000000e+00, v34;
	v45 =	vadd.f32 $1.000000000e+00, v28;
	v28 =	vmul.f32 v33, v29  }
0xae: {  	v27 =	vmul.f32 v27, v30;
	v50 =	vadd.f32 $6.931471820e-01, v47;
	v33 =	vadd.f32 $1.258291200e+07, v49  }
0xaf: {  	v46 =	vmul.f32 v60, v34;
	v34 =	vmax.f32 v51, $-1.260000000e+02;
	v14 =	vadd.f32 v58, v14  }
0xb0: {  	v51 =	vmul.f32 $-8.656170370e-01, v13;
	v58 =	vshll.u32 v62, $0x17;
	v32 =	vmul.f32 v32, v45  }
0xb1: {  	v27 =	vadd.f32 $1.000000000e+00, v27;
	v30 =	vmul.f32 v50, v31;
	v34 =	vmin.f32 v34, $1.260000000e+02  }
0xb2: {  	v52 =	vadd.f32 $-1.258291200e+07, v33;
	v33 =	vshll.u32 v33, $0x17;
	v43 =	vadd.f32 $1.258291200e+07, v34  }
0xb3: {  	v26 =	vmul.f32 v46, v26;
	v46 =	vadd.f32 $-1.258291200e+07, v62;
	v32 =	vadd.f32 $1.000000000e+00, v32  }
0xb4: {  	v54 =	vsub.s32 $0x7EF127EA, v27;
	v30 =	vadd.f32 $1.000000000e+00, v30;
	v29 =	vsub.f32 v49, v52  }
0xb5: {  	v48 =	vmul.f32 $-8.656170370e-01, v14;
	v27 =	vmul.f32 v54, v27;
	v47 =	vadd.f32 $-1.258291200e+07, v43  }
0xb6: {  	v53 =	vsub.s32 $0x7EF127EA, v32;
	v30 =	vmul.f32 v55, v30;
	v59 =	vmul.f32 $5.550410970e-02, v29  }
0xb7: {  	v32 =	vmul.f32 v53, v32;
	v27 =	vsub.f32 $2.000000000e+00, v27;
	v34 =	vsub.f32 v34, v47  }
0xb8: {  	v33 =	vadd.s32 $0x3F800000, v33;
	v30 =	vadd.f32 $1.000000000e+00, v30;
	v60 =	vadd.f32 $2.402265070e-01, v59  }
0xb9: {  	v49 =	vmax.f32 v48, $-1.260000000e+02;
	v59 =	vadd.f32 $1.258291200e+07, v18;
	v57 =	vsub.f32 $2.000000000e+00, v32  }
0xba: {  	v27 =	vmul.f32 v54, v27;
	v32 =	vsub.f32 v35, v46;
	v35 =	vmin.f32 v49, $1.260000000e+02  }
0xbb: {  	v36 =	vmul.f32 $5.550410970e-02, v34;
	v63 =	vsub.s32 $0x7EF127EA, v30;
	v45 =	vmul.f32 v60, v29  }
0xbc: {  	v52 =	vadd.f32 $1.258291200e+07, v35;
	v62 =	vadd.f32 $-1.258291200e+07, v59;
	v38 =	vshll.u32 v59, $0x17  }
0xbd: {  	v31 =	vmul.f32 v53, v57;
	v19 =	vmul.f32 v27, v19;
	v36 =	vadd.f32 $2.402265070e-01, v36  }
0xbe: {  	v44 =	vmul.f32 v63, v30;
	v53 =	vadd.f32 $1.258291200e+07, v17;
	v30 =	vadd.f32 $6.931471820e-01, v45  }
0xbf: {  	v50 =	vmul.f32 $5.550410970e-02, v32;
	v54 =	vadd.f32 $-1.258291200e+07, v52;
	v18 =	vsub.f32 v18, v62  }
0xc0: {  	v37 =	vshll.u32 v52, $0x17;
	v25 =	vmul.f32 v31, v25;
	v31 =	vshll.u32 v43, $0x17  }
0xc1: {  	v27 =	vsub.f32 $2.000000000e+00, v44;
	v36 =	vmul.f32 v36, v34;
	v55 =	vshll.u32 v53, $0x17  }
0xc2: {  	v37 =	vadd.s32 $0x3F800000, v37;
	v29 =	vmul.f32 v30, v29;
	v30 =	vadd.f32 $2.402265070e-01, v50  }
0xc3: {  	v35 =	vsub.f32 v35, v54;
	v27 =	vmul.f32 v63, v27;
	v36 =	vadd.f32 $6.931471820e-01, v36  }
0xc4: {  	v31 =	vadd.s32 $0x3F800000, v31;
	v48 =	vmul.f32 $5.550410970e-02, v18;
	v29 =	vadd.f32 $1.000000000e+00, v29  }
0xc5: {  	v15 =	vmul.f32 v27, v15;
	v27 =	vmax.f32 v51, $-1.260000000e+02;
	v34 =	vmul.f32 v36, v34  }
0xc6: {  	v29 =	vmul.f32 v33, v29;
	v27 =	vmin.f32 v27, $1.260000000e+02;
	v33 =	vadd.f32 $-1.258291200e+07, v53  }
0xc7: {  	v54 =	vadd.s32 $0x3F800000, v38;
	v56 =	vadd.f32 $1.258291200e+07, v27;
	v34 =	vadd.f32 $1.000000000e+00, v34  }
0xc8: {  	v57 =	vmul.f32 $5.550410970e-02, v35;
	v30 =	vmul.f32 v30, v32;
	v17 =	vsub.f32 v17, v33  }
0xc9: {  	v44 =	vadd.f32 $2.402265070e-01, v48;
	v60 =	vadd.f32 $-1.258291200e+07, v56;
	v31 =	vmul.f32 v31, v34  }
0xca: {  	v30 =	vadd.f32 $6.931471820e-01, v30;
	v33 =	vadd.f32 $2.402265070e-01, v57;
	v61 =	vmul.f32 $5.550410970e-02, v17  }
0xcb: {  	v50 =	vmul.f32 v44, v18;
	v27 =	vsub.f32 v27, v60;
	v31 =	vadd.f32 $1.000000000e+00, v31  }
0xcc: {  	v29 =	vadd.f32 $1.000000000e+00, v29;
	v30 =	vmul.f32 v30, v32;
	v34 =	vadd.f32 $2.402265070e-01, v61  }
0xcd: {  	v33 =	vmul.f32 v33, v35;
	v42 =	vmul.f32 $5.550410970e-02, v27;
	v63 =	vsub.s32 $0x7EF127EA, v31  }
0xce: {  	v32 =	vadd.f32 $6.931471820e-01, v50;
	v31 =	vmul.f32 v63, v31;
	v34 =	vmul.f32 v34, v17  }
0xcf: {  	v36 =	vadd.s32 $0x3F800000, v58;
	v33 =	vadd.f32 $6.931471820e-01, v33;
	v42 =	vadd.f32 $2.402265070e-01, v42  }
0xd0: {  	v53 =	vadd.s32 $0x3F800000, v55;
	v31 =	vsub.f32 $2.000000000e+00, v31;
	v34 =	vadd.f32 $6.931471820e-01, v34  }
0xd1: {  	v39 =	vsub.s32 $0x7EF127EA, v29;
	v33 =	vmul.f32 v33, v35;
	v49 =	vmul.f32 v42, v27  }
0xd2: {  	v30 =	vadd.f32 $1.000000000e+00, v30;
	v31 =	vmul.f32 v63, v31;
	v17 =	vmul.f32 v34, v17  }
0xd3: {  	v18 =	vmul.f32 v32, v18;
	v29 =	vmul.f32 v39, v29;
	v33 =	vadd.f32 $1.000000000e+00, v33  }
0xd4: {  	v35 =	vadd.f32 $6.931471820e-01, v49;
	v31 =	vmul.f32 v31, v11;
	v11 =	vadd.f32 $1.000000000e+00, v17  }
0xd5: {  	v30 =	vmul.f32 v36, v30;
	v18 =	vadd.f32 $1.000000000e+00, v18;
	v17 =	vmul.f32 v37, v33  }
0xd6: {  	v51 =	vshll.u32 v56, $0x17;
	v27 =	vmul.f32 v35, v27;
	v11 =	vmul.f32 v53, v11  }
0xd7: {  	v56 =	vsub.f32 $2.000000000e+00, v29;
	v18 =	vmul.f32 v54, v18;
	v17 =	vadd.f32 $1.000000000e+00, v17  }
0xd8: {  	[tilespmem:s14+$0x30] =	vst v22;
	v52 =	vadd.s32 $0x3F800000, v51;
	v27 =	vadd.f32 $1.000000000e+00, v27;
	v11 =	vadd.f32 $1.000000000e+00, v11  }
0xd9: {  	[tilespmem:s14+$0x70] =	vst v23;
	v30 =	vadd.f32 $1.000000000e+00, v30;
	v18 =	vadd.f32 $1.000000000e+00, v18;
	v55 =	vsub.s32 $0x7EF127EA, v17  }
0xda: {  	[tilespmem:s14+$0x60] =	vst v21;
	v17 =	vmul.f32 v55, v17;
	v27 =	vmul.f32 v52, v27;
	v57 =	vsub.s32 $0x7EF127EA, v11  }
0xdb: {  	[tilespmem:s14+$0x40] =	vst v28;
	v23 =	vmul.f32 v39, v56;
	v58 =	vsub.s32 $0x7EF127EA, v30;
	v11 =	vmul.f32 v57, v11  }
0xdc: {  	[tilespmem:s14+$0x50] =	vst v26;
	v62 =	vsub.s32 $0x7EF127EA, v18;
	v17 =	vsub.f32 $2.000000000e+00, v17;
	v59 =	vadd.f32 $1.000000000e+00, v27  }
0xdd: {  	[tilespmem:s14+$0xFFFFFFF0] =	vst v19;
	v60 =	vmul.f32 v58, v30;
	v18 =	vmul.f32 v62, v18;
	v61 =	vsub.f32 $2.000000000e+00, v11  }
0xde: {  	[tilespmem:s14+$0x10] =	vst v25;
	v23 =	vmul.f32 v23, v24;
	v17 =	vmul.f32 v55, v17;
	v11 =	vsub.s32 $0x7EF127EA, v59  }
0xdf: {  	[tilespmem:s14+$0x0] =	vst v15;
	v18 =	vsub.f32 $2.000000000e+00, v18;
	v19 =	vmul.f32 v11, v59;
	v15 =	vmul.f32 v57, v61  }
0xe0: {  	v20 =	vsub.f32 $2.000000000e+00, v20;
	v63 =	vsub.f32 $2.000000000e+00, v60;
	[tilespmem:s14+$0xFFFFFFC0] =	vst v23;
	v22 =	vmul.f32 v17, v14  }
0xe1: {  	s18 =	sadd.s32 $0x2, s29;
	[tilespmem:s14+$0xFFFFFFD0] =	vst v31;
	v17 =	vmul.f32 v62, v18;
	v19 =	vsub.f32 $2.000000000e+00, v19;
	v14 =	vmul.f32 v15, v10  }
0xe2: {  	s19 =	simm.s32 $0x3300;
	s16 =	smul.u32 $0xA0, s28;
	s17 =	simm.s32 $0x0;
	v10 =	vmul.f32 v58, v63;
	[tilespmem:s14+$0xFFFFFFA0] =	vst v22;
	v15 =	vmul.f32 v16, v20  }
.LBB2_6:
0xe3: {  	v16 =	vld.msk [tilespmem:s18+$0xFFFFFFFF ss:$0x0], $0xffff;
	s17 =	sadd.s32 $0x2, s17;
	[tilespmem:s14+$0xFFFFFF80] =	vst v14;
	v11 =	vmul.f32 v11, v19;
	s19 =	sadd.s32 $0x100, s19  }
0xe4: {  	v10 =	vmul.f32 v10, v12;
	v18 =	vld [tilespmem:s19+$0xFFFFFF90];
	p2 =	slt.u32 s17, $0x4E;
	v8 =	vmul.f32 v17, v8  }
0xe5: {  	v9 =	vmul.f32 v15, v9;
	v17 =	vld [tilespmem:s19+$0x0];
	v11 =	vmul.f32 v11, v13  }
0xe6: {  	v12 =	vld [tilespmem:s19+$0xFFFFFF80];
	[tilespmem:s14+$0xFFFFFF90] =	vst v8  }
0xe7: {  	v20 =	vld.msk [tilespmem:s18+$0x0 ss:$0x0], $0xffff;
	[tilespmem:s14+$0x20] =	vst v9  }
0xe8: {  	v9 =	vld [tilespmem:s19+$0xFFFFFFD0];
	[tilespmem:s14+$0xFFFFFFB0] =	vst v11  }
0xe9: {  	v8 =	vmul.f32 v16, v0;
	v11 =	vmul.f32 v16, v1;
	v15 =	vld [tilespmem:s19+$0xFFFFFFF0];
	[tilespmem:s14+$0xFFFFFFE0] =	vst v10;
	s14 =	smov.u32 s19  }
0xea: {  	v14 =	vmul.f32 v16, v2;
	v13 =	vmul.f32 v16, v3;
	v21 =	vld [tilespmem:s19+$0x50]  }
0xeb: {  	v22 =	vmul.f32 v16, v4;
	v19 =	vmul.f32 v16, v5;
	v10 =	vadd.f32 v8, v12;
	v23 =	vld [tilespmem:s19+$0x30]  }
0xec: {  	v8 =	vadd.f32 v18, v11;
	v12 =	vmul.f32 v16, v6;
	v16 =	vmul.f32 v16, v7;
	v24 =	vld [tilespmem:s19+$0x20]  }
0xed: {  	v25 =	vmul.f32 v20, v5;
	v11 =	vadd.f32 v9, v19;
	v9 =	vmul.f32 v20, v0;
	v26 =	vld [tilespmem:s19+$0x60]  }
0xee: {  	v28 =	vmul.f32 v20, v2;
	v19 =	vadd.f32 v15, v16;
	v16 =	vmul.f32 v20, v3;
	v27 =	vld [tilespmem:s19+$0x70]  }
0xef: {  	v29 =	vmul.f32 v20, v1;
	v30 =	vmul.f32 v20, v4;
	v15 =	vadd.f32 v9, v17  }
0xf0: {  	v9 =	vmul.f32 $-8.656170370e-01, v19;
	v18 =	vadd.f32 v23, v16;
	v16 =	vmul.f32 v20, v6  }
0xf1: {  	v17 =	vmul.f32 $-8.656170370e-01, v10;
	v23 =	vadd.f32 v21, v25;
	v21 =	vmul.f32 v20, v7  }
0xf2: {  	v9 =	vmax.f32 v9, $-1.260000000e+02;
	v31 =	vmul.f32 $-8.656170370e-01, v18;
	v20 =	vadd.f32 v26, v16  }
0xf3: {  	v16 =	vmax.f32 v17, $-1.260000000e+02;
	v25 =	vmin.f32 v9, $1.260000000e+02;
	v27 =	vadd.f32 v27, v21  }
0xf4: {  	v21 =	vadd.f32 $1.258291200e+07, v25;
	v17 =	vmax.f32 v31, $-1.260000000e+02;
	v26 =	vmul.f32 $-8.656170370e-01, v20  }
0xf5: {  	v9 =	vadd.f32 v24, v28;
	v31 =	vld [tilespmem:s19+$0x10];
	v32 =	vmin.f32 v17, $1.260000000e+02;
	v33 =	vmul.f32 $-8.656170370e-01, v27  }
0xf6: {  	v17 =	vmul.f32 $-8.656170370e-01, v8;
	v24 =	vshll.u32 v21, $0x17;
	v26 =	vmax.f32 v26, $-1.260000000e+02  }
0xf7: {  	v28 =	vadd.f32 $-1.258291200e+07, v21;
	v24 =	vadd.s32 $0x3F800000, v24;
	v26 =	vmin.f32 v26, $1.260000000e+02  }
0xf8: {  	v34 =	vmul.f32 $-8.656170370e-01, v23;
	v21 =	vmax.f32 v33, $-1.260000000e+02;
	v35 =	vadd.f32 $1.258291200e+07, v26  }
0xf9: {  	v36 =	vadd.f32 $1.258291200e+07, v32;
	v33 =	vmul.f32 $-8.656170370e-01, v9;
	v37 =	vmin.f32 v21, $1.260000000e+02  }
0xfa: {  	v21 =	vadd.f32 v31, v29;
	v29 =	vld [tilespmem:s19+$0x40];
	v31 =	vadd.f32 $-1.258291200e+07, v35;
	v35 =	vshll.u32 v35, $0x17  }
0xfb: {  	v34 =	vmax.f32 v34, $-1.260000000e+02;
	v38 =	vadd.f32 $-1.258291200e+07, v36;
	v39 =	vadd.f32 $1.258291200e+07, v37  }
0xfc: {  	v36 =	vshll.u32 v36, $0x17;
	v33 =	vmax.f32 v33, $-1.260000000e+02;
	v31 =	vsub.f32 v26, v31  }
0xfd: {  	v33 =	vmin.f32 v33, $1.260000000e+02;
	v32 =	vsub.f32 v32, v38;
	v26 =	vadd.f32 $-1.258291200e+07, v39  }
0xfe: {  	v38 =	vadd.f32 $1.258291200e+07, v33;
	v39 =	vshll.u32 v39, $0x17;
	v40 =	vmul.f32 $5.550410970e-02, v31  }
0xff: {  	v41 =	vmul.f32 $-8.656170370e-01, v21;
	v42 =	vmul.f32 $5.550410970e-02, v32;
	v37 =	vsub.f32 v37, v26  }
0x100: {  	v34 =	vmin.f32 v34, $1.260000000e+02;
	v36 =	vadd.s32 $0x3F800000, v36;
	v40 =	vadd.f32 $2.402265070e-01, v40  }
0x101: {  	v42 =	vadd.f32 $2.402265070e-01, v42;
	v26 =	vadd.f32 v29, v30;
	v29 =	vmul.f32 $5.550410970e-02, v37  }
0x102: {  	v39 =	vadd.s32 $0x3F800000, v39;
	v30 =	vadd.f32 $1.258291200e+07, v34;
	v40 =	vmul.f32 v40, v31  }
0x103: {  	v43 =	vadd.f32 $-1.258291200e+07, v38;
	v42 =	vmul.f32 v42, v32;
	v29 =	vadd.f32 $2.402265070e-01, v29  }
0x104: {  	v44 =	vmul.f32 $-8.656170370e-01, v26;
	v45 =	vshll.u32 v30, $0x17;
	v40 =	vadd.f32 $6.931471820e-01, v40  }
0x105: {  	v33 =	vsub.f32 v33, v43;
	v42 =	vadd.f32 $6.931471820e-01, v42;
	v29 =	vmul.f32 v29, v37  }
0x106: {  	v38 =	vshll.u32 v38, $0x17;
	v43 =	vmax.f32 v44, $-1.260000000e+02;
	v31 =	vmul.f32 v40, v31  }
0x107: {  	v32 =	vmul.f32 v42, v32;
	v40 =	vmul.f32 $5.550410970e-02, v33;
	v29 =	vadd.f32 $6.931471820e-01, v29  }
0x108: {  	v38 =	vadd.s32 $0x3F800000, v38;
	v42 =	vmin.f32 v43, $1.260000000e+02;
	v31 =	vadd.f32 $1.000000000e+00, v31  }
0x109: {  	v35 =	vadd.s32 $0x3F800000, v35;
	v40 =	vadd.f32 $2.402265070e-01, v40;
	v29 =	vmul.f32 v29, v37  }
0x10a: {  	v32 =	vadd.f32 $1.000000000e+00, v32;
	v37 =	vadd.f32 $1.258291200e+07, v42;
	v31 =	vmul.f32 v35, v31  }
0x10b: {  	v30 =	vadd.f32 $-1.258291200e+07, v30;
	v35 =	vmul.f32 v40, v33;
	v29 =	vadd.f32 $1.000000000e+00, v29  }
0x10c: {  	v32 =	vmul.f32 v36, v32;
	v36 =	vadd.f32 $-1.258291200e+07, v37;
	v31 =	vadd.f32 $1.000000000e+00, v31  }
0x10d: {  	v37 =	vshll.u32 v37, $0x17;
	v35 =	vadd.f32 $6.931471820e-01, v35;
	v29 =	vmul.f32 v39, v29  }
0x10e: {  	v32 =	vadd.f32 $1.000000000e+00, v32;
	v36 =	vsub.f32 v42, v36;
	v39 =	vsub.s32 $0x7EF127EA, v31  }
0x10f: {  	v33 =	vmul.f32 v35, v33;
	v29 =	vadd.f32 $1.000000000e+00, v29;
	v31 =	vmul.f32 v39, v31  }
0x110: {  	v30 =	vsub.f32 v34, v30;
	v35 =	vsub.s32 $0x7EF127EA, v32;
	v40 =	vmul.f32 $5.550410970e-02, v36  }
0x111: {  	v32 =	vmul.f32 v35, v32;
	v33 =	vadd.f32 $1.000000000e+00, v33;
	v34 =	vsub.s32 $0x7EF127EA, v29  }
0x112: {  	v42 =	vmul.f32 $5.550410970e-02, v30;
	v40 =	vadd.f32 $2.402265070e-01, v40;
	v29 =	vmul.f32 v34, v29  }
0x113: {  	v32 =	vsub.f32 $2.000000000e+00, v32;
	v31 =	vsub.f32 $2.000000000e+00, v31;
	v33 =	vmul.f32 v38, v33  }
0x114: {  	v38 =	vmax.f32 v41, $-1.260000000e+02;
	v40 =	vmul.f32 v40, v36;
	v29 =	vsub.f32 $2.000000000e+00, v29  }
0x115: {  	v32 =	vmul.f32 v35, v32;
	v35 =	vadd.f32 $2.402265070e-01, v42;
	v31 =	vmul.f32 v39, v31  }
0x116: {  	v33 =	vadd.f32 $1.000000000e+00, v33;
	v39 =	vadd.f32 $6.931471820e-01, v40;
	v29 =	vmul.f32 v34, v29  }
0x117: {  	v34 =	vmin.f32 v38, $1.260000000e+02;
	v32 =	vmul.f32 v32, v18;
	v35 =	vmul.f32 v35, v30  }
0x118: {  	v38 =	vadd.f32 $1.258291200e+07, v34;
	v18 =	vsub.s32 $0x7EF127EA, v33;
	v27 =	vmul.f32 v29, v27  }
0x119: {  	v31 =	vmul.f32 v31, v20;
	v29 =	vmul.f32 v39, v36;
	[tilespmem:s19+$0x30] =	vst v32;
	v32 =	vadd.f32 $6.931471820e-01, v35  }
0x11a: {  	v20 =	vmul.f32 v18, v33;
	v36 =	vadd.f32 $-1.258291200e+07, v38;
	v35 =	vmul.f32 $-8.656170370e-01, v15;
	[tilespmem:s19+$0x70] =	vst v27  }
0x11b: {  	v25 =	vsub.f32 v25, v28;
	v27 =	vadd.f32 $1.000000000e+00, v29;
	v28 =	vmul.f32 v32, v30;
	[tilespmem:s19+$0x60] =	vst v31  }
0x11c: {  	v29 =	vmax.f32 v35, $-1.260000000e+02;
	v30 =	vsub.f32 v34, v36;
	v31 =	vadd.s32 $0x3F800000, v37  }
0x11d: {  	v29 =	vmin.f32 v29, $1.260000000e+02;
	v27 =	vmul.f32 v31, v27;
	v32 =	vld [tilespmem:s19+$0xFFFFFFC0];
	v28 =	vadd.f32 $1.000000000e+00, v28  }
0x11e: {  	v34 =	vadd.s32 $0x3F800000, v45;
	v31 =	vadd.f32 $1.258291200e+07, v29;
	v33 =	vmul.f32 $5.550410970e-02, v30  }
0x11f: {  	v35 =	vmul.f32 $5.550410970e-02, v25;
	v27 =	vadd.f32 $1.000000000e+00, v27;
	v28 =	vmul.f32 v34, v28  }
0x120: {  	v34 =	vadd.f32 $-1.258291200e+07, v31;
	v31 =	vshll.u32 v31, $0x17;
	v33 =	vadd.f32 $2.402265070e-01, v33  }
0x121: {  	v35 =	vadd.f32 $2.402265070e-01, v35;
	v36 =	vsub.s32 $0x7EF127EA, v27;
	v28 =	vadd.f32 $1.000000000e+00, v28  }
0x122: {  	v27 =	vmul.f32 v36, v27;
	v22 =	vadd.f32 v32, v22;
	v32 =	vmul.f32 v33, v30  }
0x123: {  	v29 =	vsub.f32 v29, v34;
	v33 =	vmul.f32 v35, v25;
	v34 =	vsub.s32 $0x7EF127EA, v28  }
0x124: {  	v27 =	vsub.f32 $2.000000000e+00, v27;
	v32 =	vadd.f32 $6.931471820e-01, v32;
	v28 =	vmul.f32 v34, v28  }
0x125: {  	v37 =	vmul.f32 $5.550410970e-02, v29;
	v35 =	vmul.f32 $-8.656170370e-01, v22;
	v33 =	vadd.f32 $6.931471820e-01, v33  }
0x126: {  	v27 =	vmul.f32 v36, v27;
	v30 =	vmul.f32 v32, v30;
	v28 =	vsub.f32 $2.000000000e+00, v28  }
0x127: {  	v25 =	vmul.f32 v33, v25;
	v32 =	vadd.f32 $2.402265070e-01, v37;
	v33 =	vshll.u32 v38, $0x17  }
0x128: {  	v26 =	vmul.f32 v27, v26;
	v36 =	vld [tilespmem:s19+$0xFFFFFFE0];
	v30 =	vadd.f32 $1.000000000e+00, v30;
	v27 =	vmul.f32 v34, v28  }
0x129: {  	v25 =	vadd.f32 $1.000000000e+00, v25;
	v28 =	vmul.f32 v32, v29;
	v32 =	vadd.s32 $0x3F800000, v33  }
0x12a: {  	v33 =	vmax.f32 v35, $-1.260000000e+02;
	v30 =	vmul.f32 v32, v30;
	[tilespmem:s19+$0x40] =	vst v26;
	v23 =	vmul.f32 v27, v23  }
0x12b: {  	v26 =	vmin.f32 v33, $1.260000000e+02;
	v24 =	vmul.f32 v24, v25;
	v25 =	vadd.f32 $6.931471820e-01, v28  }
0x12c: {  	v28 =	vmul.f32 $-8.656170370e-01, v11;
	v27 =	vadd.f32 $1.258291200e+07, v26;
	v30 =	vadd.f32 $1.000000000e+00, v30;
	[tilespmem:s19+$0x50] =	vst v23  }
0x12d: {  	v23 =	vadd.f32 $1.000000000e+00, v24;
	v24 =	vmul.f32 v25, v29;
	v12 =	vadd.f32 v36, v12  }
0x12e: {  	v28 =	vmax.f32 v28, $-1.260000000e+02;
	v25 =	vadd.f32 $-1.258291200e+07, v27;
	v29 =	vsub.s32 $0x7EF127EA, v30  }
0x12f: {  	v32 =	vsub.s32 $0x7EF127EA, v23;
	v24 =	vadd.f32 $1.000000000e+00, v24;
	v30 =	vmul.f32 v29, v30  }
0x130: {  	v25 =	vsub.f32 v26, v25;
	v23 =	vmul.f32 v32, v23;
	v26 =	vadd.s32 $0x3F800000, v31  }
0x131: {  	v31 =	vmul.f32 $-8.656170370e-01, v12;
	v24 =	vmul.f32 v26, v24;
	v26 =	vsub.f32 $2.000000000e+00, v30  }
0x132: {  	v28 =	vmin.f32 v28, $1.260000000e+02;
	v33 =	vmul.f32 $5.550410970e-02, v25;
	v23 =	vsub.f32 $2.000000000e+00, v23;
	v30 =	vld [tilespmem:s19+$0xFFFFFFA0]  }
0x133: {  	v31 =	vmax.f32 v31, $-1.260000000e+02;
	v24 =	vadd.f32 $1.000000000e+00, v24;
	v26 =	vmul.f32 v29, v26  }
0x134: {  	v31 =	vmin.f32 v31, $1.260000000e+02;
	v29 =	vadd.f32 $2.402265070e-01, v33;
	v23 =	vmul.f32 v32, v23  }
0x135: {  	v33 =	vadd.f32 $1.258291200e+07, v31;
	v34 =	vsub.s32 $0x7EF127EA, v24;
	v32 =	vld [tilespmem:s19+$0xFFFFFFB0];
	v21 =	vmul.f32 v26, v21  }
0x136: {  	v26 =	vadd.f32 $1.258291200e+07, v28;
	v19 =	vmul.f32 v23, v19;
	v23 =	vmul.f32 v34, v24  }
0x137: {  	v24 =	vmul.f32 v29, v25;
	v29 =	vadd.f32 $-1.258291200e+07, v33;
	v14 =	vadd.f32 v30, v14;
	[tilespmem:s19+$0x10] =	vst v21  }
0x138: {  	v21 =	vadd.f32 $-1.258291200e+07, v26;
	v26 =	vshll.u32 v26, $0x17;
	[tilespmem:s19+$0xFFFFFFF0] =	vst v19;
	v19 =	vsub.f32 $2.000000000e+00, v23  }
0x139: {  	v24 =	vadd.f32 $6.931471820e-01, v24;
	v29 =	vsub.f32 v31, v29;
	v23 =	vmul.f32 $-8.656170370e-01, v14  }
0x13a: {  	v21 =	vsub.f32 v28, v21;
	v13 =	vadd.f32 v32, v13;
	v19 =	vmul.f32 v34, v19  }
0x13b: {  	v24 =	vmul.f32 v24, v25;
	v25 =	vmul.f32 $5.550410970e-02, v29;
	v23 =	vmax.f32 v23, $-1.260000000e+02  }
0x13c: {  	v28 =	vmul.f32 $5.550410970e-02, v21;
	v23 =	vmin.f32 v23, $1.260000000e+02;
	v15 =	vmul.f32 v19, v15  }
0x13d: {  	v27 =	vshll.u32 v27, $0x17;
	v24 =	vadd.f32 $1.000000000e+00, v24;
	v19 =	vmul.f32 $-8.656170370e-01, v13  }
0x13e: {  	v27 =	vadd.s32 $0x3F800000, v27;
	v25 =	vadd.f32 $2.402265070e-01, v25;
	v28 =	vadd.f32 $2.402265070e-01, v28;
	[tilespmem:s19+$0x0] =	vst v15  }
0x13f: {  	v24 =	vmul.f32 v27, v24;
	v15 =	vmin.f32 v16, $1.260000000e+02;
	v16 =	vadd.f32 $1.258291200e+07, v23  }
0x140: {  	v19 =	vmax.f32 v19, $-1.260000000e+02;
	v27 =	vadd.f32 $1.258291200e+07, v15;
	v28 =	vmul.f32 v28, v21  }
0x141: {  	v19 =	vmin.f32 v19, $1.260000000e+02;
	v24 =	vadd.f32 $1.000000000e+00, v24;
	v30 =	vadd.f32 $-1.258291200e+07, v16  }
0x142: {  	v17 =	vmax.f32 v17, $-1.260000000e+02;
	v31 =	vshll.u32 v27, $0x17;
	v28 =	vadd.f32 $6.931471820e-01, v28  }
0x143: {  	v27 =	vadd.f32 $-1.258291200e+07, v27;
	v23 =	vsub.f32 v23, v30;
	v30 =	vsub.s32 $0x7EF127EA, v24  }
0x144: {  	v32 =	vadd.f32 $1.258291200e+07, v19;
	v24 =	vmul.f32 v30, v24;
	v21 =	vmul.f32 v28, v21  }
0x145: {  	v15 =	vsub.f32 v15, v27;
	v28 =	vshll.u32 v33, $0x17;
	v27 =	vmul.f32 $5.550410970e-02, v23  }
0x146: {  	v17 =	vmin.f32 v17, $1.260000000e+02;
	v28 =	vadd.s32 $0x3F800000, v28;
	v21 =	vadd.f32 $1.000000000e+00, v21  }
0x147: {  	v26 =	vadd.s32 $0x3F800000, v26;
	v33 =	vadd.f32 $1.258291200e+07, v17;
	v27 =	vadd.f32 $2.402265070e-01, v27  }
0x148: {  	v25 =	vmul.f32 v25, v29;
	v34 =	vadd.f32 $-1.258291200e+07, v32;
	v21 =	vmul.f32 v26, v21  }
0x149: {  	v35 =	vadd.f32 $-1.258291200e+07, v33;
	v26 =	vmul.f32 $5.550410970e-02, v15;
	v27 =	vmul.f32 v27, v23  }
0x14a: {  	v19 =	vsub.f32 v19, v34;
	v33 =	vshll.u32 v33, $0x17;
	v21 =	vadd.f32 $1.000000000e+00, v21  }
0x14b: {  	v16 =	vshll.u32 v16, $0x17;
	v17 =	vsub.f32 v17, v35;
	v26 =	vadd.f32 $2.402265070e-01, v26  }
0x14c: {  	v34 =	vmul.f32 $5.550410970e-02, v19;
	v27 =	vadd.f32 $6.931471820e-01, v27;
	v35 =	vsub.s32 $0x7EF127EA, v21  }
0x14d: {  	v25 =	vadd.f32 $6.931471820e-01, v25;
	v36 =	vmul.f32 $5.550410970e-02, v17;
	v21 =	vmul.f32 v35, v21  }
0x14e: {  	v16 =	vadd.s32 $0x3F800000, v16;
	v34 =	vadd.f32 $2.402265070e-01, v34;
	v26 =	vmul.f32 v26, v15  }
0x14f: {  	v36 =	vadd.f32 $2.402265070e-01, v36;
	v23 =	vmul.f32 v27, v23;
	v21 =	vsub.f32 $2.000000000e+00, v21  }
0x150: {  	v25 =	vmul.f32 v25, v29;
	v27 =	vmul.f32 v34, v19;
	v26 =	vadd.f32 $6.931471820e-01, v26  }
0x151: {  	v29 =	vmul.f32 v36, v17;
	v23 =	vadd.f32 $1.000000000e+00, v23;
	v21 =	vmul.f32 v35, v21  }
0x152: {  	v25 =	vadd.f32 $1.000000000e+00, v25;
	v15 =	vmul.f32 v26, v15;
	v26 =	vshll.u32 v32, $0x17  }
0x153: {  	v27 =	vadd.f32 $6.931471820e-01, v27;
	v29 =	vadd.f32 $6.931471820e-01, v29;
	v11 =	vmul.f32 v21, v11  }
0x154: {  	v16 =	vmul.f32 v16, v23;
	v15 =	vadd.f32 $1.000000000e+00, v15;
	v21 =	vadd.s32 $0x3F800000, v26  }
0x155: {  	v23 =	vadd.s32 $0x3F800000, v31;
	v17 =	vmul.f32 v29, v17;
	[tilespmem:s19+$0xFFFFFFD0] =	vst v11;
	v11 =	vmul.f32 v28, v25  }
0x156: {  	v19 =	vmul.f32 v27, v19;
	v16 =	vadd.f32 $1.000000000e+00, v16;
	v15 =	vmul.f32 v23, v15  }
0x157: {  	v23 =	vadd.s32 $0x3F800000, v33;
	v17 =	vadd.f32 $1.000000000e+00, v17;
	v11 =	vadd.f32 $1.000000000e+00, v11  }
0x158: {  	v19 =	vadd.f32 $1.000000000e+00, v19;
	v15 =	vadd.f32 $1.000000000e+00, v15;
	v25 =	vsub.s32 $0x7EF127EA, v16  }
0x159: {  	v17 =	vmul.f32 v23, v17;
	v23 =	vsub.f32 $2.000000000e+00, v24;
	v16 =	vmul.f32 v25, v16  }
0x15a: {  	v19 =	vmul.f32 v21, v19;
	v24 =	vsub.s32 $0x7EF127EA, v15;
	v21 =	vsub.s32 $0x7EF127EA, v11  }
0x15b: {  	v17 =	vadd.f32 $1.000000000e+00, v17;
	v23 =	vmul.f32 v30, v23;
	v15 =	vmul.f32 v24, v15  }
0x15c: {  	v19 =	vadd.f32 $1.000000000e+00, v19;
	v16 =	vsub.f32 $2.000000000e+00, v16;
	v26 =	vmul.f32 v21, v11  }
0x15d: {  	v27 =	vsub.s32 $0x7EF127EA, v17;
	v22 =	vmul.f32 v23, v22;
	v15 =	vsub.f32 $2.000000000e+00, v15  }
.Ltmp6:
0x15e: {  	v17 =	vmul.f32 v27, v17;
	v16 =	vmul.f32 v25, v16;
	v11 =	vsub.s32 $0x7EF127EA, v19;
	(pc) =	sbr.rel @p2 .LBB2_6-.Ltmp6, $4  }
0x15f: {  	v19 =	vmul.f32 v11, v19;
	v15 =	vmul.f32 v24, v15;
	[tilespmem:s19+$0xFFFFFFC0] =	vst v22;
	v22 =	vsub.f32 $2.000000000e+00, v26  }
0x160: {  	v20 =	vsub.f32 $2.000000000e+00, v20;
	v17 =	vsub.f32 $2.000000000e+00, v17;
	v16 =	vmul.f32 v16, v14  }
0x161: {  	v19 =	vsub.f32 $2.000000000e+00, v19;
	v14 =	vmul.f32 v15, v10;
	v10 =	vmul.f32 v21, v22  }
0x162: {  	s18 =	sadd.s32 $0x2, s18;
	v17 =	vmul.f32 v27, v17;
	v15 =	vmul.f32 v18, v20;
	[tilespmem:s19+$0xFFFFFFA0] =	vst v16  }
0x163: {  	_ = 	snop  }
0x164: {  	v11 =	vmul.f32 v11, v19;
	v8 =	vmul.f32 v17, v8  }
0x165: {  	[tilespmem:s14+$0xFFFFFF80] =	vst v14;
	v9 =	vmul.f32 v15, v9  }
0x166: {  	v11 =	vmul.f32 v11, v13;
	[tilespmem:s14+$0xFFFFFF90] =	vst v8  }
0x167: {  	s16 =	sadd.s32 s3, s16;
	v8 =	vmul.f32 v10, v12;
	[tilespmem:s14+$0x20] =	vst v9  }
0x168: {  	s16 =	sshll.u32 s16, $0x4;
	[tilespmem:s14+$0xFFFFFFB0] =	vst v11  }
0x169: {  	s19 =	sadd.s32 s1, s16;
	[tilespmem:s14+$0xFFFFFFE0] =	vst v8  }
0x16a: {  	[hbm4b:s19+s2] =	stream.linear.scatter [tilespmem:s20], [sflag:$0x3], $0x2800, $0x38;
	[tilespmem:$0x8300] =	vst v63  }
.LBB2_8:
.Ltmp7:
0x16b: {  	(pc) =	sbr.rel @p1 .LBB2_12-.Ltmp7, $1  }
0x16c: {  	_ =	sdelay $0x3  }
0x16d: {  	s0 =	sadd.s32 $0x2, s0  }
0x16e: {  	p1 =	sge.u32 s0, s6  }
0x16f: {  	s14 =	simm.s32 @!p1 $0x3;
	s0 =	smul.u32 @!p1 $0x140, s0  }
0x170: {  	_ =	swait.ge @!p1 [sflag:s14], $0x2800  }
0x171: {  	s16 =	simm.s32 @!p1 $0x3280;
	[sflag:s14] =	ssyncset.done @!p1 $0x0;
	s0 =	sshra.s32 @!p1 s0, $0x2  }
0x172: {  	[sflag:s14] =	ssyncadd.s32 @!p1 $0xFFFFD800;
	s0 =	sadd.s32 @!p1 $0x2600, s0;
	s14 =	simm.s32 @!p1 $0x50  }
0x173: {  	[tilespmem:s16], [sflag:$0x1] =	stream.indirect.gather @!p1 [hbm4b:s4+s14], $0x80, s0, s14, $0xb8;
	[tilespmem:$0x8300] =	vst v63  }
0x174: {  	_ =	swait.ge [sflag:s22], $0x2800  }
0x175: {  	[sflag:s22] =	ssyncset.done $0x0  }
0x176: {  	[sflag:s22] =	ssyncadd.s32 $0xFFFFD800  }
0x177: {  	s0 =	simm.s32 $0x5B00;
	v9 =	vld.msk [tilespmem:s30+$0xFFFFFFFF ss:$0x0], $0xffff  }
0x178: {  	v8 =	vld [tilespmem:s0+$0xFFFFFF90]  }
0x179: {  	v10 =	vld [tilespmem:s0+$0xFFFFFF80]  }
0x17a: {  	v16 =	vld.msk [tilespmem:s30+$0x0 ss:$0x0], $0xffff  }
0x17b: {  	v11 =	vld [tilespmem:s0+$0xFFFFFFD0]  }
0x17c: {  	v17 =	vld [tilespmem:s0+$0xFFFFFFF0];
	v12 =	vmul.f32 v9, v0  }
0x17d: {  	v39 =	vld [tilespmem:s0+$0x40];
	v15 =	vmul.f32 v9, v1;
	v14 =	vmul.f32 v9, v2  }
0x17e: {  	v21 =	vld [tilespmem:s0+$0x50];
	v13 =	vmul.f32 v9, v3;
	v24 =	vmul.f32 v9, v4  }
0x17f: {  	v18 =	vld [tilespmem:s0+$0x0];
	v19 =	vmul.f32 v9, v5;
	v22 =	vmul.f32 v16, v5  }
0x180: {  	v20 =	vld [tilespmem:s0+$0x30];
	v28 =	vmul.f32 v16, v1;
	v29 =	vmul.f32 v16, v4;
	v10 =	vadd.f32 v12, v10  }
0x181: {  	v8 =	vadd.f32 v8, v15;
	v12 =	vmul.f32 v9, v6;
	v9 =	vmul.f32 v9, v7  }
0x182: {  	v23 =	vld [tilespmem:s0+$0x60];
	v11 =	vadd.f32 v11, v19;
	v15 =	vmul.f32 v16, v0;
	v29 =	vadd.f32 v39, v29  }
0x183: {  	v25 =	vld [tilespmem:s0+$0x70];
	v26 =	vadd.f32 v21, v22;
	v19 =	vadd.f32 v17, v9;
	v17 =	vmul.f32 v16, v3  }
0x184: {  	v56 =	vld [tilespmem:s0+$0x10];
	v9 =	vmul.f32 v16, v2;
	v15 =	vadd.f32 v15, v18;
	v44 =	vmul.f32 $-8.656170370e-01, v29  }
0x185: {  	v18 =	vld [tilespmem:s0+$0x20];
	v30 =	vmul.f32 $-8.656170370e-01, v10;
	v27 =	vmul.f32 $-8.656170370e-01, v19;
	v20 =	vadd.f32 v20, v17  }
0x186: {  	v17 =	vmul.f32 v16, v6;
	v16 =	vmul.f32 v16, v7;
	v49 =	vmax.f32 v44, $-1.260000000e+02  }
0x187: {  	v58 =	vmul.f32 $-8.656170370e-01, v26;
	v51 =	vmin.f32 v49, $1.260000000e+02;
	v54 =	vmax.f32 v27, $-1.260000000e+02  }
0x188: {  	v55 =	vmul.f32 $-8.656170370e-01, v20;
	v31 =	vadd.f32 v23, v17;
	v21 =	vadd.f32 v25, v16  }
0x189: {  	v17 =	vmax.f32 v30, $-1.260000000e+02;
	v25 =	vadd.f32 v56, v28;
	v52 =	vadd.f32 $1.258291200e+07, v51  }
0x18a: {  	v30 =	vmin.f32 v54, $1.260000000e+02;
	v9 =	vadd.f32 v18, v9;
	v18 =	vmul.f32 $-8.656170370e-01, v8  }
0x18b: {  	v17 =	vmin.f32 v17, $1.260000000e+02;
	v16 =	vadd.f32 $1.258291200e+07, v30;
	v23 =	vmul.f32 $-8.656170370e-01, v31  }
0x18c: {  	v22 =	vmax.f32 v55, $-1.260000000e+02;
	v32 =	vmul.f32 $-8.656170370e-01, v21;
	v41 =	vmul.f32 $-8.656170370e-01, v25  }
0x18d: {  	v55 =	vadd.f32 $-1.258291200e+07, v52;
	v22 =	vmin.f32 v22, $1.260000000e+02;
	v35 =	vmul.f32 $-8.656170370e-01, v9  }
0x18e: {  	v18 =	vmax.f32 v18, $-1.260000000e+02;
	v57 =	vshll.u32 v16, $0x17;
	v23 =	vmax.f32 v23, $-1.260000000e+02  }
0x18f: {  	v33 =	vadd.f32 $-1.258291200e+07, v16;
	v32 =	vmax.f32 v32, $-1.260000000e+02;
	v36 =	vadd.f32 $1.258291200e+07, v22  }
0x190: {  	v18 =	vmin.f32 v18, $1.260000000e+02;
	v27 =	vadd.s32 $0x3F800000, v57;
	v16 =	vmin.f32 v23, $1.260000000e+02  }
0x191: {  	v32 =	vmin.f32 v32, $1.260000000e+02;
	v23 =	vmax.f32 v58, $-1.260000000e+02;
	v34 =	vadd.f32 $1.258291200e+07, v16  }
0x192: {  	v35 =	vmax.f32 v35, $-1.260000000e+02;
	v37 =	vadd.f32 $-1.258291200e+07, v36;
	v38 =	vadd.f32 $1.258291200e+07, v32  }
0x193: {  	v36 =	vshll.u32 v36, $0x17;
	v60 =	vmin.f32 v35, $1.260000000e+02;
	v35 =	vsub.f32 v51, v55  }
0x194: {  	v23 =	vmin.f32 v23, $1.260000000e+02;
	v30 =	vsub.f32 v30, v33;
	v62 =	vadd.f32 $1.258291200e+07, v60  }
0x195: {  	v63 =	vadd.s32 $0x3F800000, v36;
	v59 =	vadd.f32 $-1.258291200e+07, v34;
	v61 =	vadd.f32 $-1.258291200e+07, v38  }
0x196: {  	v48 =	vadd.f32 $1.258291200e+07, v23;
	v34 =	vshll.u32 v34, $0x17;
	v22 =	vsub.f32 v22, v37  }
0x197: {  	v38 =	vshll.u32 v38, $0x17;
	v16 =	vsub.f32 v16, v59;
	v32 =	vsub.f32 v32, v61  }
0x198: {  	v55 =	vmul.f32 $5.550410970e-02, v30;
	v38 =	vadd.s32 $0x3F800000, v38;
	v42 =	vmul.f32 $5.550410970e-02, v22  }
0x199: {  	v43 =	vadd.f32 $-1.258291200e+07, v62;
	v40 =	vmul.f32 $5.550410970e-02, v16;
	v47 =	vmul.f32 $5.550410970e-02, v32  }
0x19a: {  	v37 =	vshll.u32 v62, $0x17;
	v54 =	vadd.f32 $-1.258291200e+07, v48;
	v46 =	vadd.f32 $2.402265070e-01, v42  }
0x19b: {  	v34 =	vadd.s32 $0x3F800000, v34;
	v45 =	vadd.f32 $2.402265070e-01, v40;
	v39 =	vadd.f32 $2.402265070e-01, v47  }
0x19c: {  	v37 =	vadd.s32 $0x3F800000, v37;
	v28 =	vsub.f32 v60, v43;
	v40 =	vmul.f32 v46, v22  }
0x19d: {  	v61 =	vmax.f32 v41, $-1.260000000e+02;
	v36 =	vmul.f32 v45, v16;
	v39 =	vmul.f32 v39, v32  }
0x19e: {  	v43 =	vmin.f32 v61, $1.260000000e+02;
	v50 =	vmul.f32 $5.550410970e-02, v28;
	v40 =	vadd.f32 $6.931471820e-01, v40  }
0x19f: {  	v47 =	vmul.f32 $-8.656170370e-01, v15;
	v36 =	vadd.f32 $6.931471820e-01, v36;
	v39 =	vadd.f32 $6.931471820e-01, v39  }
0x1a0: {  	v45 =	vshll.u32 v48, $0x17;
	v22 =	vmul.f32 v40, v22;
	v40 =	vmul.f32 $5.550410970e-02, v35  }
0x1a1: {  	v16 =	vmul.f32 v36, v16;
	v36 =	vadd.f32 $2.402265070e-01, v50;
	v32 =	vmul.f32 v39, v32  }
0x1a2: {  	v22 =	vadd.f32 $1.000000000e+00, v22;
	v39 =	vshll.u32 v52, $0x17;
	v40 =	vadd.f32 $2.402265070e-01, v40  }
0x1a3: {  	v52 =	vld [tilespmem:s0+$0xFFFFFFC0];
	v51 =	vadd.s32 $0x3F800000, v39;
	v39 =	vadd.f32 $2.402265070e-01, v55;
	v16 =	vadd.f32 $1.000000000e+00, v16  }
0x1a4: {  	v53 =	vmul.f32 v36, v28;
	v32 =	vadd.f32 $1.000000000e+00, v32;
	v22 =	vmul.f32 v63, v22  }
0x1a5: {  	v36 =	vsub.f32 v23, v54;
	v40 =	vmul.f32 v40, v35;
	v54 =	vadd.s32 $0x3F800000, v45  }
0x1a6: {  	v16 =	vmul.f32 v34, v16;
	v34 =	vadd.f32 $6.931471820e-01, v53;
	v32 =	vmul.f32 v38, v32  }
0x1a7: {  	v22 =	vadd.f32 $1.000000000e+00, v22;
	v60 =	vmul.f32 $5.550410970e-02, v36;
	v40 =	vadd.f32 $6.931471820e-01, v40  }
0x1a8: {  	v24 =	vadd.f32 v52, v24;
	v16 =	vadd.f32 $1.000000000e+00, v16;
	v28 =	vmul.f32 v34, v28  }
0x1a9: {  	v32 =	vadd.f32 $1.000000000e+00, v32;
	v57 =	vsub.s32 $0x7EF127EA, v22;
	v62 =	vadd.f32 $2.402265070e-01, v60  }
0x1aa: {  	v44 =	vmul.f32 v40, v35;
	v22 =	vmul.f32 v57, v22;
	v56 =	vsub.s32 $0x7EF127EA, v16  }
0x1ab: {  	v58 =	vadd.f32 $1.000000000e+00, v28;
	v59 =	vsub.s32 $0x7EF127EA, v32;
	v16 =	vmul.f32 v56, v16  }
0x1ac: {  	v49 =	vadd.f32 $1.000000000e+00, v44;
	v32 =	vmul.f32 v59, v32;
	v22 =	vsub.f32 $2.000000000e+00, v22  }
0x1ad: {  	v61 =	vmul.f32 $-8.656170370e-01, v24;
	v44 =	vld [tilespmem:s0+$0xFFFFFFE0];
	v23 =	vmul.f32 v37, v58;
	v16 =	vsub.f32 $2.000000000e+00, v16  }
0x1ae: {  	v33 =	vmul.f32 v51, v49;
	v32 =	vsub.f32 $2.000000000e+00, v32;
	v22 =	vmul.f32 v57, v22  }
0x1af: {  	v51 =	vmul.f32 $-8.656170370e-01, v11;
	v63 =	vadd.f32 $1.000000000e+00, v23;
	v38 =	vmul.f32 v56, v16  }
0x1b0: {  	v33 =	vadd.f32 $1.000000000e+00, v33;
	v42 =	vmul.f32 v59, v32;
	v22 =	vmul.f32 v22, v20  }
0x1b1: {  	v20 =	vmul.f32 v62, v36;
	v32 =	vadd.f32 $1.258291200e+07, v43;
	v59 =	vmul.f32 v39, v30  }
0x1b2: {  	v12 =	vadd.f32 v44, v12;
	v16 =	vsub.s32 $0x7EF127EA, v63;
	v57 =	vsub.s32 $0x7EF127EA, v33  }
0x1b3: {  	v23 =	vmul.f32 v42, v21;
	v46 =	vadd.f32 $6.931471820e-01, v20;
	v48 =	vadd.f32 $-1.258291200e+07, v32  }
0x1b4: {  	v21 =	vmul.f32 v38, v31;
	v20 =	vmul.f32 v16, v63;
	v31 =	vmax.f32 v47, $-1.260000000e+02  }
0x1b5: {  	v33 =	vmul.f32 v57, v33;
	v31 =	vmin.f32 v31, $1.260000000e+02;
	v28 =	vsub.f32 v43, v48  }
0x1b6: {  	v32 =	vshll.u32 v32, $0x17;
	v50 =	vmul.f32 v46, v36;
	v53 =	vadd.f32 $1.258291200e+07, v31  }
0x1b7: {  	v32 =	vadd.s32 $0x3F800000, v32;
	v33 =	vsub.f32 $2.000000000e+00, v33;
	v37 =	vmul.f32 $5.550410970e-02, v28  }
0x1b8: {  	v48 =	vmax.f32 v61, $-1.260000000e+02;
	v61 =	vld [tilespmem:s0+$0xFFFFFFB0];
	v34 =	vadd.f32 $1.000000000e+00, v50;
	v56 =	vadd.f32 $-1.258291200e+07, v53  }
0x1b9: {  	v49 =	vmin.f32 v48, $1.260000000e+02;
	v35 =	vshll.u32 v53, $0x17;
	v37 =	vadd.f32 $2.402265070e-01, v37  }
0x1ba: {  	v33 =	vmul.f32 v57, v33;
	v34 =	vmul.f32 v54, v34;
	v31 =	vsub.f32 v31, v56  }
0x1bb: {  	v55 =	vadd.s32 $0x3F800000, v35;
	v56 =	vmul.f32 $-8.656170370e-01, v12;
	v58 =	vmul.f32 v37, v28  }
0x1bc: {  	v34 =	vadd.f32 $1.000000000e+00, v34;
	v37 =	vadd.f32 $6.931471820e-01, v59;
	v62 =	vmul.f32 $5.550410970e-02, v31  }
0x1bd: {  	v13 =	vadd.f32 v61, v13;
	v35 =	vmax.f32 v56, $-1.260000000e+02;
	v36 =	vadd.f32 $6.931471820e-01, v58  }
0x1be: {  	v60 =	vsub.s32 $0x7EF127EA, v34;
	v30 =	vmul.f32 v37, v30;
	v63 =	vadd.f32 $2.402265070e-01, v62;
	v58 =	vld [tilespmem:s0+$0xFFFFFFA0]  }
0x1bf: {  	v35 =	vmin.f32 v35, $1.260000000e+02;
	v34 =	vmul.f32 v60, v34;
	v28 =	vmul.f32 v36, v28  }
0x1c0: {  	v62 =	vadd.f32 $1.258291200e+07, v35;
	v30 =	vadd.f32 $1.000000000e+00, v30;
	v47 =	vmul.f32 v63, v31  }
0x1c1: {  	v34 =	vsub.f32 $2.000000000e+00, v34;
	v45 =	vadd.f32 $1.000000000e+00, v28;
	v28 =	vmul.f32 v33, v29  }
0x1c2: {  	v27 =	vmul.f32 v27, v30;
	v50 =	vadd.f32 $6.931471820e-01, v47;
	v33 =	vadd.f32 $1.258291200e+07, v49  }
0x1c3: {  	v46 =	vmul.f32 v60, v34;
	v34 =	vmax.f32 v51, $-1.260000000e+02;
	v14 =	vadd.f32 v58, v14  }
0x1c4: {  	v51 =	vmul.f32 $-8.656170370e-01, v13;
	v58 =	vshll.u32 v62, $0x17;
	v32 =	vmul.f32 v32, v45  }
0x1c5: {  	v27 =	vadd.f32 $1.000000000e+00, v27;
	v30 =	vmul.f32 v50, v31;
	v34 =	vmin.f32 v34, $1.260000000e+02  }
0x1c6: {  	v52 =	vadd.f32 $-1.258291200e+07, v33;
	v33 =	vshll.u32 v33, $0x17;
	v43 =	vadd.f32 $1.258291200e+07, v34  }
0x1c7: {  	v26 =	vmul.f32 v46, v26;
	v46 =	vadd.f32 $-1.258291200e+07, v62;
	v32 =	vadd.f32 $1.000000000e+00, v32  }
0x1c8: {  	v54 =	vsub.s32 $0x7EF127EA, v27;
	v30 =	vadd.f32 $1.000000000e+00, v30;
	v29 =	vsub.f32 v49, v52  }
0x1c9: {  	v48 =	vmul.f32 $-8.656170370e-01, v14;
	v27 =	vmul.f32 v54, v27;
	v47 =	vadd.f32 $-1.258291200e+07, v43  }
0x1ca: {  	v53 =	vsub.s32 $0x7EF127EA, v32;
	v30 =	vmul.f32 v55, v30;
	v59 =	vmul.f32 $5.550410970e-02, v29  }
0x1cb: {  	v32 =	vmul.f32 v53, v32;
	v27 =	vsub.f32 $2.000000000e+00, v27;
	v34 =	vsub.f32 v34, v47  }
0x1cc: {  	v33 =	vadd.s32 $0x3F800000, v33;
	v30 =	vadd.f32 $1.000000000e+00, v30;
	v60 =	vadd.f32 $2.402265070e-01, v59  }
0x1cd: {  	v49 =	vmax.f32 v48, $-1.260000000e+02;
	v59 =	vadd.f32 $1.258291200e+07, v18;
	v57 =	vsub.f32 $2.000000000e+00, v32  }
0x1ce: {  	v27 =	vmul.f32 v54, v27;
	v32 =	vsub.f32 v35, v46;
	v35 =	vmin.f32 v49, $1.260000000e+02  }
0x1cf: {  	v36 =	vmul.f32 $5.550410970e-02, v34;
	v63 =	vsub.s32 $0x7EF127EA, v30;
	v45 =	vmul.f32 v60, v29  }
0x1d0: {  	v52 =	vadd.f32 $1.258291200e+07, v35;
	v62 =	vadd.f32 $-1.258291200e+07, v59;
	v38 =	vshll.u32 v59, $0x17  }
0x1d1: {  	v31 =	vmul.f32 v53, v57;
	v19 =	vmul.f32 v27, v19;
	v36 =	vadd.f32 $2.402265070e-01, v36  }
0x1d2: {  	v44 =	vmul.f32 v63, v30;
	v53 =	vadd.f32 $1.258291200e+07, v17;
	v30 =	vadd.f32 $6.931471820e-01, v45  }
0x1d3: {  	v50 =	vmul.f32 $5.550410970e-02, v32;
	v54 =	vadd.f32 $-1.258291200e+07, v52;
	v18 =	vsub.f32 v18, v62  }
0x1d4: {  	v37 =	vshll.u32 v52, $0x17;
	v25 =	vmul.f32 v31, v25;
	v31 =	vshll.u32 v43, $0x17  }
0x1d5: {  	v27 =	vsub.f32 $2.000000000e+00, v44;
	v36 =	vmul.f32 v36, v34;
	v55 =	vshll.u32 v53, $0x17  }
0x1d6: {  	v37 =	vadd.s32 $0x3F800000, v37;
	v29 =	vmul.f32 v30, v29;
	v30 =	vadd.f32 $2.402265070e-01, v50  }
0x1d7: {  	v35 =	vsub.f32 v35, v54;
	v27 =	vmul.f32 v63, v27;
	v36 =	vadd.f32 $6.931471820e-01, v36  }
0x1d8: {  	v31 =	vadd.s32 $0x3F800000, v31;
	v48 =	vmul.f32 $5.550410970e-02, v18;
	v29 =	vadd.f32 $1.000000000e+00, v29  }
0x1d9: {  	v15 =	vmul.f32 v27, v15;
	v27 =	vmax.f32 v51, $-1.260000000e+02;
	v34 =	vmul.f32 v36, v34  }
0x1da: {  	v29 =	vmul.f32 v33, v29;
	v27 =	vmin.f32 v27, $1.260000000e+02;
	v33 =	vadd.f32 $-1.258291200e+07, v53  }
0x1db: {  	v54 =	vadd.s32 $0x3F800000, v38;
	v56 =	vadd.f32 $1.258291200e+07, v27;
	v34 =	vadd.f32 $1.000000000e+00, v34  }
0x1dc: {  	v57 =	vmul.f32 $5.550410970e-02, v35;
	v30 =	vmul.f32 v30, v32;
	v17 =	vsub.f32 v17, v33  }
0x1dd: {  	v44 =	vadd.f32 $2.402265070e-01, v48;
	v60 =	vadd.f32 $-1.258291200e+07, v56;
	v31 =	vmul.f32 v31, v34  }
0x1de: {  	v30 =	vadd.f32 $6.931471820e-01, v30;
	v33 =	vadd.f32 $2.402265070e-01, v57;
	v61 =	vmul.f32 $5.550410970e-02, v17  }
0x1df: {  	v50 =	vmul.f32 v44, v18;
	v27 =	vsub.f32 v27, v60;
	v31 =	vadd.f32 $1.000000000e+00, v31  }
0x1e0: {  	v29 =	vadd.f32 $1.000000000e+00, v29;
	v30 =	vmul.f32 v30, v32;
	v34 =	vadd.f32 $2.402265070e-01, v61  }
0x1e1: {  	v33 =	vmul.f32 v33, v35;
	v42 =	vmul.f32 $5.550410970e-02, v27;
	v63 =	vsub.s32 $0x7EF127EA, v31  }
0x1e2: {  	v32 =	vadd.f32 $6.931471820e-01, v50;
	v31 =	vmul.f32 v63, v31;
	v34 =	vmul.f32 v34, v17  }
0x1e3: {  	v36 =	vadd.s32 $0x3F800000, v58;
	v33 =	vadd.f32 $6.931471820e-01, v33;
	v42 =	vadd.f32 $2.402265070e-01, v42  }
0x1e4: {  	v53 =	vadd.s32 $0x3F800000, v55;
	v31 =	vsub.f32 $2.000000000e+00, v31;
	v34 =	vadd.f32 $6.931471820e-01, v34  }
0x1e5: {  	v39 =	vsub.s32 $0x7EF127EA, v29;
	v33 =	vmul.f32 v33, v35;
	v49 =	vmul.f32 v42, v27  }
0x1e6: {  	v30 =	vadd.f32 $1.000000000e+00, v30;
	v31 =	vmul.f32 v63, v31;
	v17 =	vmul.f32 v34, v17  }
0x1e7: {  	v18 =	vmul.f32 v32, v18;
	v29 =	vmul.f32 v39, v29;
	v33 =	vadd.f32 $1.000000000e+00, v33  }
0x1e8: {  	v35 =	vadd.f32 $6.931471820e-01, v49;
	v31 =	vmul.f32 v31, v11;
	v11 =	vadd.f32 $1.000000000e+00, v17  }
0x1e9: {  	v30 =	vmul.f32 v36, v30;
	v18 =	vadd.f32 $1.000000000e+00, v18;
	v17 =	vmul.f32 v37, v33  }
0x1ea: {  	v51 =	vshll.u32 v56, $0x17;
	v27 =	vmul.f32 v35, v27;
	v11 =	vmul.f32 v53, v11  }
0x1eb: {  	v56 =	vsub.f32 $2.000000000e+00, v29;
	v18 =	vmul.f32 v54, v18;
	v17 =	vadd.f32 $1.000000000e+00, v17  }
0x1ec: {  	[tilespmem:s0+$0x30] =	vst v22;
	v52 =	vadd.s32 $0x3F800000, v51;
	v27 =	vadd.f32 $1.000000000e+00, v27;
	v11 =	vadd.f32 $1.000000000e+00, v11  }
0x1ed: {  	[tilespmem:s0+$0x70] =	vst v23;
	v30 =	vadd.f32 $1.000000000e+00, v30;
	v18 =	vadd.f32 $1.000000000e+00, v18;
	v55 =	vsub.s32 $0x7EF127EA, v17  }
0x1ee: {  	[tilespmem:s0+$0x60] =	vst v21;
	v17 =	vmul.f32 v55, v17;
	v27 =	vmul.f32 v52, v27;
	v57 =	vsub.s32 $0x7EF127EA, v11  }
0x1ef: {  	[tilespmem:s0+$0x40] =	vst v28;
	v23 =	vmul.f32 v39, v56;
	v58 =	vsub.s32 $0x7EF127EA, v30;
	v11 =	vmul.f32 v57, v11  }
0x1f0: {  	[tilespmem:s0+$0x50] =	vst v26;
	v62 =	vsub.s32 $0x7EF127EA, v18;
	v17 =	vsub.f32 $2.000000000e+00, v17;
	v59 =	vadd.f32 $1.000000000e+00, v27  }
0x1f1: {  	[tilespmem:s0+$0xFFFFFFF0] =	vst v19;
	v60 =	vmul.f32 v58, v30;
	v18 =	vmul.f32 v62, v18;
	v61 =	vsub.f32 $2.000000000e+00, v11  }
0x1f2: {  	[tilespmem:s0+$0x10] =	vst v25;
	v23 =	vmul.f32 v23, v24;
	v17 =	vmul.f32 v55, v17;
	v11 =	vsub.s32 $0x7EF127EA, v59  }
0x1f3: {  	[tilespmem:s0+$0x0] =	vst v15;
	v18 =	vsub.f32 $2.000000000e+00, v18;
	v19 =	vmul.f32 v11, v59;
	v15 =	vmul.f32 v57, v61  }
0x1f4: {  	v20 =	vsub.f32 $2.000000000e+00, v20;
	v63 =	vsub.f32 $2.000000000e+00, v60;
	[tilespmem:s0+$0xFFFFFFC0] =	vst v23;
	v22 =	vmul.f32 v17, v14  }
0x1f5: {  	s17 =	sadd.s32 $0x2, s30;
	[tilespmem:s0+$0xFFFFFFD0] =	vst v31;
	v17 =	vmul.f32 v62, v18;
	v19 =	vsub.f32 $2.000000000e+00, v19;
	v14 =	vmul.f32 v15, v10  }
0x1f6: {  	s18 =	simm.s32 $0x5B00;
	s14 =	smul.u32 $0x50, s31;
	s16 =	simm.s32 $0x0;
	v10 =	vmul.f32 v58, v63;
	[tilespmem:s0+$0xFFFFFFA0] =	vst v22;
	v15 =	vmul.f32 v16, v20  }
.LBB2_10:
0x1f7: {  	v16 =	vld.msk [tilespmem:s17+$0xFFFFFFFF ss:$0x0], $0xffff;
	s16 =	sadd.s32 $0x2, s16;
	[tilespmem:s0+$0xFFFFFF80] =	vst v14;
	v11 =	vmul.f32 v11, v19;
	s18 =	sadd.s32 $0x100, s18  }
0x1f8: {  	v10 =	vmul.f32 v10, v12;
	v18 =	vld [tilespmem:s18+$0xFFFFFF90];
	p1 =	slt.u32 s16, $0x4E;
	v8 =	vmul.f32 v17, v8  }
0x1f9: {  	v9 =	vmul.f32 v15, v9;
	v17 =	vld [tilespmem:s18+$0x0];
	v11 =	vmul.f32 v11, v13  }
0x1fa: {  	v12 =	vld [tilespmem:s18+$0xFFFFFF80];
	[tilespmem:s0+$0xFFFFFF90] =	vst v8  }
0x1fb: {  	v20 =	vld.msk [tilespmem:s17+$0x0 ss:$0x0], $0xffff;
	[tilespmem:s0+$0x20] =	vst v9  }
0x1fc: {  	v9 =	vld [tilespmem:s18+$0xFFFFFFD0];
	[tilespmem:s0+$0xFFFFFFB0] =	vst v11  }
0x1fd: {  	v8 =	vmul.f32 v16, v0;
	v11 =	vmul.f32 v16, v1;
	v15 =	vld [tilespmem:s18+$0xFFFFFFF0];
	[tilespmem:s0+$0xFFFFFFE0] =	vst v10;
	s0 =	smov.u32 s18  }
0x1fe: {  	v14 =	vmul.f32 v16, v2;
	v13 =	vmul.f32 v16, v3;
	v21 =	vld [tilespmem:s18+$0x50]  }
0x1ff: {  	v22 =	vmul.f32 v16, v4;
	v19 =	vmul.f32 v16, v5;
	v10 =	vadd.f32 v8, v12;
	v23 =	vld [tilespmem:s18+$0x30]  }
0x200: {  	v8 =	vadd.f32 v18, v11;
	v12 =	vmul.f32 v16, v6;
	v16 =	vmul.f32 v16, v7;
	v24 =	vld [tilespmem:s18+$0x20]  }
0x201: {  	v25 =	vmul.f32 v20, v5;
	v11 =	vadd.f32 v9, v19;
	v9 =	vmul.f32 v20, v0;
	v26 =	vld [tilespmem:s18+$0x60]  }
0x202: {  	v28 =	vmul.f32 v20, v2;
	v19 =	vadd.f32 v15, v16;
	v16 =	vmul.f32 v20, v3;
	v27 =	vld [tilespmem:s18+$0x70]  }
0x203: {  	v29 =	vmul.f32 v20, v1;
	v30 =	vmul.f32 v20, v4;
	v15 =	vadd.f32 v9, v17  }
0x204: {  	v9 =	vmul.f32 $-8.656170370e-01, v19;
	v18 =	vadd.f32 v23, v16;
	v16 =	vmul.f32 v20, v6  }
0x205: {  	v17 =	vmul.f32 $-8.656170370e-01, v10;
	v23 =	vadd.f32 v21, v25;
	v21 =	vmul.f32 v20, v7  }
0x206: {  	v9 =	vmax.f32 v9, $-1.260000000e+02;
	v31 =	vmul.f32 $-8.656170370e-01, v18;
	v20 =	vadd.f32 v26, v16  }
0x207: {  	v16 =	vmax.f32 v17, $-1.260000000e+02;
	v25 =	vmin.f32 v9, $1.260000000e+02;
	v27 =	vadd.f32 v27, v21  }
0x208: {  	v21 =	vadd.f32 $1.258291200e+07, v25;
	v17 =	vmax.f32 v31, $-1.260000000e+02;
	v26 =	vmul.f32 $-8.656170370e-01, v20  }
0x209: {  	v9 =	vadd.f32 v24, v28;
	v31 =	vld [tilespmem:s18+$0x10];
	v32 =	vmin.f32 v17, $1.260000000e+02;
	v33 =	vmul.f32 $-8.656170370e-01, v27  }
0x20a: {  	v17 =	vmul.f32 $-8.656170370e-01, v8;
	v24 =	vshll.u32 v21, $0x17;
	v26 =	vmax.f32 v26, $-1.260000000e+02  }
0x20b: {  	v28 =	vadd.f32 $-1.258291200e+07, v21;
	v24 =	vadd.s32 $0x3F800000, v24;
	v26 =	vmin.f32 v26, $1.260000000e+02  }
0x20c: {  	v34 =	vmul.f32 $-8.656170370e-01, v23;
	v21 =	vmax.f32 v33, $-1.260000000e+02;
	v35 =	vadd.f32 $1.258291200e+07, v26  }
0x20d: {  	v36 =	vadd.f32 $1.258291200e+07, v32;
	v33 =	vmul.f32 $-8.656170370e-01, v9;
	v37 =	vmin.f32 v21, $1.260000000e+02  }
0x20e: {  	v21 =	vadd.f32 v31, v29;
	v29 =	vld [tilespmem:s18+$0x40];
	v31 =	vadd.f32 $-1.258291200e+07, v35;
	v35 =	vshll.u32 v35, $0x17  }
0x20f: {  	v34 =	vmax.f32 v34, $-1.260000000e+02;
	v38 =	vadd.f32 $-1.258291200e+07, v36;
	v39 =	vadd.f32 $1.258291200e+07, v37  }
0x210: {  	v36 =	vshll.u32 v36, $0x17;
	v33 =	vmax.f32 v33, $-1.260000000e+02;
	v31 =	vsub.f32 v26, v31  }
0x211: {  	v33 =	vmin.f32 v33, $1.260000000e+02;
	v32 =	vsub.f32 v32, v38;
	v26 =	vadd.f32 $-1.258291200e+07, v39  }
0x212: {  	v38 =	vadd.f32 $1.258291200e+07, v33;
	v39 =	vshll.u32 v39, $0x17;
	v40 =	vmul.f32 $5.550410970e-02, v31  }
0x213: {  	v41 =	vmul.f32 $-8.656170370e-01, v21;
	v42 =	vmul.f32 $5.550410970e-02, v32;
	v37 =	vsub.f32 v37, v26  }
0x214: {  	v34 =	vmin.f32 v34, $1.260000000e+02;
	v36 =	vadd.s32 $0x3F800000, v36;
	v40 =	vadd.f32 $2.402265070e-01, v40  }
0x215: {  	v42 =	vadd.f32 $2.402265070e-01, v42;
	v26 =	vadd.f32 v29, v30;
	v29 =	vmul.f32 $5.550410970e-02, v37  }
0x216: {  	v39 =	vadd.s32 $0x3F800000, v39;
	v30 =	vadd.f32 $1.258291200e+07, v34;
	v40 =	vmul.f32 v40, v31  }
0x217: {  	v43 =	vadd.f32 $-1.258291200e+07, v38;
	v42 =	vmul.f32 v42, v32;
	v29 =	vadd.f32 $2.402265070e-01, v29  }
0x218: {  	v44 =	vmul.f32 $-8.656170370e-01, v26;
	v45 =	vshll.u32 v30, $0x17;
	v40 =	vadd.f32 $6.931471820e-01, v40  }
0x219: {  	v33 =	vsub.f32 v33, v43;
	v42 =	vadd.f32 $6.931471820e-01, v42;
	v29 =	vmul.f32 v29, v37  }
0x21a: {  	v38 =	vshll.u32 v38, $0x17;
	v43 =	vmax.f32 v44, $-1.260000000e+02;
	v31 =	vmul.f32 v40, v31  }
0x21b: {  	v32 =	vmul.f32 v42, v32;
	v40 =	vmul.f32 $5.550410970e-02, v33;
	v29 =	vadd.f32 $6.931471820e-01, v29  }
0x21c: {  	v38 =	vadd.s32 $0x3F800000, v38;
	v42 =	vmin.f32 v43, $1.260000000e+02;
	v31 =	vadd.f32 $1.000000000e+00, v31  }
0x21d: {  	v35 =	vadd.s32 $0x3F800000, v35;
	v40 =	vadd.f32 $2.402265070e-01, v40;
	v29 =	vmul.f32 v29, v37  }
0x21e: {  	v32 =	vadd.f32 $1.000000000e+00, v32;
	v37 =	vadd.f32 $1.258291200e+07, v42;
	v31 =	vmul.f32 v35, v31  }
0x21f: {  	v30 =	vadd.f32 $-1.258291200e+07, v30;
	v35 =	vmul.f32 v40, v33;
	v29 =	vadd.f32 $1.000000000e+00, v29  }
0x220: {  	v32 =	vmul.f32 v36, v32;
	v36 =	vadd.f32 $-1.258291200e+07, v37;
	v31 =	vadd.f32 $1.000000000e+00, v31  }
0x221: {  	v37 =	vshll.u32 v37, $0x17;
	v35 =	vadd.f32 $6.931471820e-01, v35;
	v29 =	vmul.f32 v39, v29  }
0x222: {  	v32 =	vadd.f32 $1.000000000e+00, v32;
	v36 =	vsub.f32 v42, v36;
	v39 =	vsub.s32 $0x7EF127EA, v31  }
0x223: {  	v33 =	vmul.f32 v35, v33;
	v29 =	vadd.f32 $1.000000000e+00, v29;
	v31 =	vmul.f32 v39, v31  }
0x224: {  	v30 =	vsub.f32 v34, v30;
	v35 =	vsub.s32 $0x7EF127EA, v32;
	v40 =	vmul.f32 $5.550410970e-02, v36  }
0x225: {  	v32 =	vmul.f32 v35, v32;
	v33 =	vadd.f32 $1.000000000e+00, v33;
	v34 =	vsub.s32 $0x7EF127EA, v29  }
0x226: {  	v42 =	vmul.f32 $5.550410970e-02, v30;
	v40 =	vadd.f32 $2.402265070e-01, v40;
	v29 =	vmul.f32 v34, v29  }
0x227: {  	v32 =	vsub.f32 $2.000000000e+00, v32;
	v31 =	vsub.f32 $2.000000000e+00, v31;
	v33 =	vmul.f32 v38, v33  }
0x228: {  	v38 =	vmax.f32 v41, $-1.260000000e+02;
	v40 =	vmul.f32 v40, v36;
	v29 =	vsub.f32 $2.000000000e+00, v29  }
0x229: {  	v32 =	vmul.f32 v35, v32;
	v35 =	vadd.f32 $2.402265070e-01, v42;
	v31 =	vmul.f32 v39, v31  }
0x22a: {  	v33 =	vadd.f32 $1.000000000e+00, v33;
	v39 =	vadd.f32 $6.931471820e-01, v40;
	v29 =	vmul.f32 v34, v29  }
0x22b: {  	v34 =	vmin.f32 v38, $1.260000000e+02;
	v32 =	vmul.f32 v32, v18;
	v35 =	vmul.f32 v35, v30  }
0x22c: {  	v38 =	vadd.f32 $1.258291200e+07, v34;
	v18 =	vsub.s32 $0x7EF127EA, v33;
	v27 =	vmul.f32 v29, v27  }
0x22d: {  	v31 =	vmul.f32 v31, v20;
	v29 =	vmul.f32 v39, v36;
	[tilespmem:s18+$0x30] =	vst v32;
	v32 =	vadd.f32 $6.931471820e-01, v35  }
0x22e: {  	v20 =	vmul.f32 v18, v33;
	v36 =	vadd.f32 $-1.258291200e+07, v38;
	v35 =	vmul.f32 $-8.656170370e-01, v15;
	[tilespmem:s18+$0x70] =	vst v27  }
0x22f: {  	v25 =	vsub.f32 v25, v28;
	v27 =	vadd.f32 $1.000000000e+00, v29;
	v28 =	vmul.f32 v32, v30;
	[tilespmem:s18+$0x60] =	vst v31  }
0x230: {  	v29 =	vmax.f32 v35, $-1.260000000e+02;
	v30 =	vsub.f32 v34, v36;
	v31 =	vadd.s32 $0x3F800000, v37  }
0x231: {  	v29 =	vmin.f32 v29, $1.260000000e+02;
	v27 =	vmul.f32 v31, v27;
	v32 =	vld [tilespmem:s18+$0xFFFFFFC0];
	v28 =	vadd.f32 $1.000000000e+00, v28  }
0x232: {  	v34 =	vadd.s32 $0x3F800000, v45;
	v31 =	vadd.f32 $1.258291200e+07, v29;
	v33 =	vmul.f32 $5.550410970e-02, v30  }
0x233: {  	v35 =	vmul.f32 $5.550410970e-02, v25;
	v27 =	vadd.f32 $1.000000000e+00, v27;
	v28 =	vmul.f32 v34, v28  }
0x234: {  	v34 =	vadd.f32 $-1.258291200e+07, v31;
	v31 =	vshll.u32 v31, $0x17;
	v33 =	vadd.f32 $2.402265070e-01, v33  }
0x235: {  	v35 =	vadd.f32 $2.402265070e-01, v35;
	v36 =	vsub.s32 $0x7EF127EA, v27;
	v28 =	vadd.f32 $1.000000000e+00, v28  }
0x236: {  	v27 =	vmul.f32 v36, v27;
	v22 =	vadd.f32 v32, v22;
	v32 =	vmul.f32 v33, v30  }
0x237: {  	v29 =	vsub.f32 v29, v34;
	v33 =	vmul.f32 v35, v25;
	v34 =	vsub.s32 $0x7EF127EA, v28  }
0x238: {  	v27 =	vsub.f32 $2.000000000e+00, v27;
	v32 =	vadd.f32 $6.931471820e-01, v32;
	v28 =	vmul.f32 v34, v28  }
0x239: {  	v37 =	vmul.f32 $5.550410970e-02, v29;
	v35 =	vmul.f32 $-8.656170370e-01, v22;
	v33 =	vadd.f32 $6.931471820e-01, v33  }
0x23a: {  	v27 =	vmul.f32 v36, v27;
	v30 =	vmul.f32 v32, v30;
	v28 =	vsub.f32 $2.000000000e+00, v28  }
0x23b: {  	v25 =	vmul.f32 v33, v25;
	v32 =	vadd.f32 $2.402265070e-01, v37;
	v33 =	vshll.u32 v38, $0x17  }
0x23c: {  	v26 =	vmul.f32 v27, v26;
	v36 =	vld [tilespmem:s18+$0xFFFFFFE0];
	v30 =	vadd.f32 $1.000000000e+00, v30;
	v27 =	vmul.f32 v34, v28  }
0x23d: {  	v25 =	vadd.f32 $1.000000000e+00, v25;
	v28 =	vmul.f32 v32, v29;
	v32 =	vadd.s32 $0x3F800000, v33  }
0x23e: {  	v33 =	vmax.f32 v35, $-1.260000000e+02;
	v30 =	vmul.f32 v32, v30;
	[tilespmem:s18+$0x40] =	vst v26;
	v23 =	vmul.f32 v27, v23  }
0x23f: {  	v26 =	vmin.f32 v33, $1.260000000e+02;
	v24 =	vmul.f32 v24, v25;
	v25 =	vadd.f32 $6.931471820e-01, v28  }
0x240: {  	v28 =	vmul.f32 $-8.656170370e-01, v11;
	v27 =	vadd.f32 $1.258291200e+07, v26;
	v30 =	vadd.f32 $1.000000000e+00, v30;
	[tilespmem:s18+$0x50] =	vst v23  }
0x241: {  	v23 =	vadd.f32 $1.000000000e+00, v24;
	v24 =	vmul.f32 v25, v29;
	v12 =	vadd.f32 v36, v12  }
0x242: {  	v28 =	vmax.f32 v28, $-1.260000000e+02;
	v25 =	vadd.f32 $-1.258291200e+07, v27;
	v29 =	vsub.s32 $0x7EF127EA, v30  }
0x243: {  	v32 =	vsub.s32 $0x7EF127EA, v23;
	v24 =	vadd.f32 $1.000000000e+00, v24;
	v30 =	vmul.f32 v29, v30  }
0x244: {  	v25 =	vsub.f32 v26, v25;
	v23 =	vmul.f32 v32, v23;
	v26 =	vadd.s32 $0x3F800000, v31  }
0x245: {  	v31 =	vmul.f32 $-8.656170370e-01, v12;
	v24 =	vmul.f32 v26, v24;
	v26 =	vsub.f32 $2.000000000e+00, v30  }
0x246: {  	v28 =	vmin.f32 v28, $1.260000000e+02;
	v33 =	vmul.f32 $5.550410970e-02, v25;
	v23 =	vsub.f32 $2.000000000e+00, v23;
	v30 =	vld [tilespmem:s18+$0xFFFFFFA0]  }
0x247: {  	v31 =	vmax.f32 v31, $-1.260000000e+02;
	v24 =	vadd.f32 $1.000000000e+00, v24;
	v26 =	vmul.f32 v29, v26  }
0x248: {  	v31 =	vmin.f32 v31, $1.260000000e+02;
	v29 =	vadd.f32 $2.402265070e-01, v33;
	v23 =	vmul.f32 v32, v23  }
0x249: {  	v33 =	vadd.f32 $1.258291200e+07, v31;
	v34 =	vsub.s32 $0x7EF127EA, v24;
	v32 =	vld [tilespmem:s18+$0xFFFFFFB0];
	v21 =	vmul.f32 v26, v21  }
0x24a: {  	v26 =	vadd.f32 $1.258291200e+07, v28;
	v19 =	vmul.f32 v23, v19;
	v23 =	vmul.f32 v34, v24  }
0x24b: {  	v24 =	vmul.f32 v29, v25;
	v29 =	vadd.f32 $-1.258291200e+07, v33;
	v14 =	vadd.f32 v30, v14;
	[tilespmem:s18+$0x10] =	vst v21  }
0x24c: {  	v21 =	vadd.f32 $-1.258291200e+07, v26;
	v26 =	vshll.u32 v26, $0x17;
	[tilespmem:s18+$0xFFFFFFF0] =	vst v19;
	v19 =	vsub.f32 $2.000000000e+00, v23  }
0x24d: {  	v24 =	vadd.f32 $6.931471820e-01, v24;
	v29 =	vsub.f32 v31, v29;
	v23 =	vmul.f32 $-8.656170370e-01, v14  }
0x24e: {  	v21 =	vsub.f32 v28, v21;
	v13 =	vadd.f32 v32, v13;
	v19 =	vmul.f32 v34, v19  }
0x24f: {  	v24 =	vmul.f32 v24, v25;
	v25 =	vmul.f32 $5.550410970e-02, v29;
	v23 =	vmax.f32 v23, $-1.260000000e+02  }
0x250: {  	v28 =	vmul.f32 $5.550410970e-02, v21;
	v23 =	vmin.f32 v23, $1.260000000e+02;
	v15 =	vmul.f32 v19, v15  }
0x251: {  	v27 =	vshll.u32 v27, $0x17;
	v24 =	vadd.f32 $1.000000000e+00, v24;
	v19 =	vmul.f32 $-8.656170370e-01, v13  }
0x252: {  	v27 =	vadd.s32 $0x3F800000, v27;
	v25 =	vadd.f32 $2.402265070e-01, v25;
	v28 =	vadd.f32 $2.402265070e-01, v28;
	[tilespmem:s18+$0x0] =	vst v15  }
0x253: {  	v24 =	vmul.f32 v27, v24;
	v15 =	vmin.f32 v16, $1.260000000e+02;
	v16 =	vadd.f32 $1.258291200e+07, v23  }
0x254: {  	v19 =	vmax.f32 v19, $-1.260000000e+02;
	v27 =	vadd.f32 $1.258291200e+07, v15;
	v28 =	vmul.f32 v28, v21  }
0x255: {  	v19 =	vmin.f32 v19, $1.260000000e+02;
	v24 =	vadd.f32 $1.000000000e+00, v24;
	v30 =	vadd.f32 $-1.258291200e+07, v16  }
0x256: {  	v17 =	vmax.f32 v17, $-1.260000000e+02;
	v31 =	vshll.u32 v27, $0x17;
	v28 =	vadd.f32 $6.931471820e-01, v28  }
0x257: {  	v27 =	vadd.f32 $-1.258291200e+07, v27;
	v23 =	vsub.f32 v23, v30;
	v30 =	vsub.s32 $0x7EF127EA, v24  }
0x258: {  	v32 =	vadd.f32 $1.258291200e+07, v19;
	v24 =	vmul.f32 v30, v24;
	v21 =	vmul.f32 v28, v21  }
0x259: {  	v15 =	vsub.f32 v15, v27;
	v28 =	vshll.u32 v33, $0x17;
	v27 =	vmul.f32 $5.550410970e-02, v23  }
0x25a: {  	v17 =	vmin.f32 v17, $1.260000000e+02;
	v28 =	vadd.s32 $0x3F800000, v28;
	v21 =	vadd.f32 $1.000000000e+00, v21  }
0x25b: {  	v26 =	vadd.s32 $0x3F800000, v26;
	v33 =	vadd.f32 $1.258291200e+07, v17;
	v27 =	vadd.f32 $2.402265070e-01, v27  }
0x25c: {  	v25 =	vmul.f32 v25, v29;
	v34 =	vadd.f32 $-1.258291200e+07, v32;
	v21 =	vmul.f32 v26, v21  }
0x25d: {  	v35 =	vadd.f32 $-1.258291200e+07, v33;
	v26 =	vmul.f32 $5.550410970e-02, v15;
	v27 =	vmul.f32 v27, v23  }
0x25e: {  	v19 =	vsub.f32 v19, v34;
	v33 =	vshll.u32 v33, $0x17;
	v21 =	vadd.f32 $1.000000000e+00, v21  }
0x25f: {  	v16 =	vshll.u32 v16, $0x17;
	v17 =	vsub.f32 v17, v35;
	v26 =	vadd.f32 $2.402265070e-01, v26  }
0x260: {  	v34 =	vmul.f32 $5.550410970e-02, v19;
	v27 =	vadd.f32 $6.931471820e-01, v27;
	v35 =	vsub.s32 $0x7EF127EA, v21  }
0x261: {  	v25 =	vadd.f32 $6.931471820e-01, v25;
	v36 =	vmul.f32 $5.550410970e-02, v17;
	v21 =	vmul.f32 v35, v21  }
0x262: {  	v16 =	vadd.s32 $0x3F800000, v16;
	v34 =	vadd.f32 $2.402265070e-01, v34;
	v26 =	vmul.f32 v26, v15  }
0x263: {  	v36 =	vadd.f32 $2.402265070e-01, v36;
	v23 =	vmul.f32 v27, v23;
	v21 =	vsub.f32 $2.000000000e+00, v21  }
0x264: {  	v25 =	vmul.f32 v25, v29;
	v27 =	vmul.f32 v34, v19;
	v26 =	vadd.f32 $6.931471820e-01, v26  }
0x265: {  	v29 =	vmul.f32 v36, v17;
	v23 =	vadd.f32 $1.000000000e+00, v23;
	v21 =	vmul.f32 v35, v21  }
0x266: {  	v25 =	vadd.f32 $1.000000000e+00, v25;
	v15 =	vmul.f32 v26, v15;
	v26 =	vshll.u32 v32, $0x17  }
0x267: {  	v27 =	vadd.f32 $6.931471820e-01, v27;
	v29 =	vadd.f32 $6.931471820e-01, v29;
	v11 =	vmul.f32 v21, v11  }
0x268: {  	v16 =	vmul.f32 v16, v23;
	v15 =	vadd.f32 $1.000000000e+00, v15;
	v21 =	vadd.s32 $0x3F800000, v26  }
0x269: {  	v23 =	vadd.s32 $0x3F800000, v31;
	v17 =	vmul.f32 v29, v17;
	[tilespmem:s18+$0xFFFFFFD0] =	vst v11;
	v11 =	vmul.f32 v28, v25  }
0x26a: {  	v19 =	vmul.f32 v27, v19;
	v16 =	vadd.f32 $1.000000000e+00, v16;
	v15 =	vmul.f32 v23, v15  }
0x26b: {  	v23 =	vadd.s32 $0x3F800000, v33;
	v17 =	vadd.f32 $1.000000000e+00, v17;
	v11 =	vadd.f32 $1.000000000e+00, v11  }
0x26c: {  	v19 =	vadd.f32 $1.000000000e+00, v19;
	v15 =	vadd.f32 $1.000000000e+00, v15;
	v25 =	vsub.s32 $0x7EF127EA, v16  }
0x26d: {  	v17 =	vmul.f32 v23, v17;
	v23 =	vsub.f32 $2.000000000e+00, v24;
	v16 =	vmul.f32 v25, v16  }
0x26e: {  	v19 =	vmul.f32 v21, v19;
	v24 =	vsub.s32 $0x7EF127EA, v15;
	v21 =	vsub.s32 $0x7EF127EA, v11  }
0x26f: {  	v17 =	vadd.f32 $1.000000000e+00, v17;
	v23 =	vmul.f32 v30, v23;
	v15 =	vmul.f32 v24, v15  }
0x270: {  	v19 =	vadd.f32 $1.000000000e+00, v19;
	v16 =	vsub.f32 $2.000000000e+00, v16;
	v26 =	vmul.f32 v21, v11  }
0x271: {  	v27 =	vsub.s32 $0x7EF127EA, v17;
	v22 =	vmul.f32 v23, v22;
	v15 =	vsub.f32 $2.000000000e+00, v15  }
.Ltmp8:
0x272: {  	v17 =	vmul.f32 v27, v17;
	v16 =	vmul.f32 v25, v16;
	v11 =	vsub.s32 $0x7EF127EA, v19;
	(pc) =	sbr.rel @p1 .LBB2_10-.Ltmp8, $4  }
0x273: {  	v19 =	vmul.f32 v11, v19;
	v15 =	vmul.f32 v24, v15;
	[tilespmem:s18+$0xFFFFFFC0] =	vst v22;
	v22 =	vsub.f32 $2.000000000e+00, v26  }
0x274: {  	v20 =	vsub.f32 $2.000000000e+00, v20;
	v17 =	vsub.f32 $2.000000000e+00, v17;
	v16 =	vmul.f32 v16, v14  }
0x275: {  	v19 =	vsub.f32 $2.000000000e+00, v19;
	v14 =	vmul.f32 v15, v10;
	v10 =	vmul.f32 v21, v22  }
0x276: {  	s17 =	sadd.s32 $0x2, s17;
	v17 =	vmul.f32 v27, v17;
	v15 =	vmul.f32 v18, v20;
	[tilespmem:s18+$0xFFFFFFA0] =	vst v16  }
0x277: {  	_ = 	snop  }
0x278: {  	v11 =	vmul.f32 v11, v19;
	v8 =	vmul.f32 v17, v8  }
0x279: {  	[tilespmem:s0+$0xFFFFFF80] =	vst v14;
	v9 =	vmul.f32 v15, v9  }
.Ltmp9:
0x27a: {  	v11 =	vmul.f32 v11, v13;
	[tilespmem:s0+$0xFFFFFF90] =	vst v8;
	(pc) =	sbr.rel .LBB2_12-.Ltmp9, $4  }
0x27b: {  	s14 =	sadd.s32 s3, s14;
	v8 =	vmul.f32 v10, v12;
	[tilespmem:s0+$0x20] =	vst v9  }
0x27c: {  	s14 =	sshll.u32 s14, $0x4;
	[tilespmem:s0+$0xFFFFFFB0] =	vst v11  }
0x27d: {  	s31 =	sadd.s32 s1, s14;
	[tilespmem:s0+$0xFFFFFFE0] =	vst v8  }
0x27e: {  	[hbm4b:s31+s2] =	stream.linear.scatter [tilespmem:s23], [sflag:$0x4], $0x2800, $0x38;
	[tilespmem:$0x8300] =	vst v63  }
.LBB2_14:
0x27f: {  	_ =	sfence.sel $0x180000  }
0x280: {  	[bflag:$0x0] =	sbarrier.arrive $0xFFFF  }
0x281: {  	_ =	strace $0x90000047  }
0x282: {  	[bflag:$0x2] =	sbarrier.arrive $0xFFFF  }
0x283: {  	s0 =	rddreg [dreg:$0x5]  }
0x284: {  	s0 =	sadd.s32 @!p0 $0x100000, s0  }
0x285: {  	[sflag:s0] =	ssyncadd.tile.s32 @!p0 $0x1;
	_ =	shalt  }
.Lfunc_end2:
_tile_overlayer_lowered:
.L_overlay_start_2:
0x286: {  	(tag) =	ssettag $0x2  }
0x287: {  	s0 =	rddreg [dreg:$0x0];
	s2 =	stileid.u32  }
0x288: {  	s1 =	rddreg [dreg:$0x1];
	p0 =	sne.s32 s2, $0x0  }
0x289: {  	s3 =	rddreg [dreg:$0x2];
	[bflag:$0x3] =	sbarrier.arrive $0xFFFF;
	s2 =	simm.s32 @!p0 $0x1C05  }
0x28a: {  	[timem:s3], [sflag:s2] =	dma.local @!p0 [hbm:s0], s1  }
0x28b: {  	s0 =	simm.s32 @!p0 $0x5  }
0x28c: {  	_ =	swait.ge @!p0 [sflag:s0], s1  }
0x28d: {  	s1 =	ssub.s32 @!p0 $0x0, s1;
	[sflag:s0] =	ssyncset.done @!p0 $0x0  }
0x28e: {  	[sflag:s0] =	ssyncadd.s32 @!p0 s1  }
0x28f: {  	[bflag:$0x3] =	sbarrier.arrive $0xFFFF  }
0x290: {  	_ =	shalt  }

</sc_bundles>
